<compile_context>
chip_gen: v7x
topology: tpu7x:2x2x1
jax: 0.10.2.dev20260603
libtpu: 0.0.44.dev20260713+nightly
codegen_flags: <defaults>
</compile_context>

<pallas_src>
import functools

import jax
import jax.numpy as jnp
from jax import lax
from jax.experimental import pallas as pl
from jax.experimental.pallas import tpu as pltpu
from jax.experimental.pallas import tpu_sc as plsc

EMBED = 128
N_PLAYERS = 6
N_TYPES = 3
BATCH = 16384
NC, NS = 2, 16
NW = NC * NS
B_PER_W = BATCH // NW
NBB = 128
CPP = B_PER_W // NBB
NU = N_PLAYERS * CPP


@functools.cache
def _build_sc_add():
  mesh = plsc.VectorSubcoreMesh(core_axis_name="c", subcore_axis_name="s")

  @functools.partial(
      pl.kernel,
      out_type=jax.ShapeDtypeStruct((N_PLAYERS, BATCH, EMBED), jnp.float32),
      mesh=mesh,
      compiler_params=pltpu.CompilerParams(
          needs_layout_passes=False,
          skip_device_barrier=True,
          disable_bounds_checks=True,
      ),
      scratch_types=[
          pltpu.VMEM((NBB, EMBED), jnp.float32),
          pltpu.VMEM((NBB, EMBED), jnp.float32),
          pltpu.VMEM((NBB, EMBED), jnp.float32),
          pltpu.VMEM((NBB, EMBED), jnp.float32),
          pltpu.VMEM((NBB + 16,), jnp.int32),
          pltpu.VMEM((NBB + 16,), jnp.int32),
          pltpu.VMEM((N_PLAYERS * EMBED,), jnp.float32),
          pltpu.VMEM((N_TYPES * EMBED,), jnp.float32),
          pltpu.VMEM((N_PLAYERS * N_TYPES * EMBED,), jnp.float32),
          pltpu.SemaphoreType.DMA((2,)),
          pltpu.SemaphoreType.DMA((2,)),
          pltpu.SemaphoreType.DMA((2,)),
      ],
  )
  def _sc_add(x_hbm, t_hbm, te_hbm, pe_hbm, out_hbm,
              xbuf0, xbuf1, obuf0, obuf1, tbuf0, tbuf1,
              pe_v, te_v, cbuf,
              xin_sem, tin_sem, out_sem):
    xbufs = (xbuf0, xbuf1)
    obufs = (obuf0, obuf1)
    tbufs = (tbuf0, tbuf1)
    wid = lax.axis_index("s") * NC + lax.axis_index("c")
    base_b = wid * B_PER_W

    pltpu.sync_copy(pe_hbm, pe_v)
    pltpu.sync_copy(te_hbm, te_v)
    for p in range(N_PLAYERS):
      for t in range(N_TYPES):
        for j in range(EMBED // 16):
          cbuf[pl.ds((p * N_TYPES + t) * EMBED + j * 16, 16)] = (
              pe_v[pl.ds(p * EMBED + j * 16, 16)]
              + te_v[pl.ds(t * EMBED + j * 16, 16)])

    def start_in(u, b):
      p = u // CPP
      b0 = base_b + (u % CPP) * NBB
      pltpu.async_copy(x_hbm.at[p, pl.ds(b0, NBB)], xbufs[b], xin_sem.at[b])
      pltpu.async_copy(t_hbm.at[pl.ds(p * BATCH + b0, NBB)],
                       tbufs[b].at[pl.ds(0, NBB)], tin_sem.at[b])

    def wait_in(b):
      pltpu.make_async_copy(x_hbm.at[0, pl.ds(0, NBB)], xbufs[b],
                            xin_sem.at[b]).wait()
      pltpu.make_async_copy(t_hbm.at[pl.ds(0, NBB)],
                            tbufs[b].at[pl.ds(0, NBB)], tin_sem.at[b]).wait()

    def start_out(u, b):
      p = u // CPP
      b0 = base_b + (u % CPP) * NBB
      pltpu.async_copy(obufs[b], out_hbm.at[p, pl.ds(b0, NBB)],
                       out_sem.at[b])

    def wait_out(b):
      pltpu.make_async_copy(obufs[b], out_hbm.at[0, pl.ds(0, NBB)],
                            out_sem.at[b]).wait()

    def compute(u, b):
      p3 = (u // CPP) * N_TYPES

      @plsc.parallel_loop(0, NBB, unroll=4)
      def row_body(r):
        t = tbufs[b][pl.ds(r, 16)][0]
        cib = (p3 + t) * EMBED
        for jb in range(EMBED // 16):
          sl = pl.ds(jb * 16, 16)
          obufs[b][r, sl] = xbufs[b][r, sl] + cbuf[pl.ds(cib + jb * 16, 16)]

    start_in(0, 0)
    start_in(1, 1)

    def pair_body(uu, _):
      for b in range(2):
        u = 2 * uu + b
        wait_in(b)

        @pl.when(uu >= 1)
        def _():
          wait_out(b)

        compute(u, b)
        start_out(u, b)

        @pl.when(u + 2 < NU)
        def _():
          start_in(u + 2, b)
      return 0

    lax.fori_loop(0, NU // 2, pair_body, 0)
    wait_out(0)
    wait_out(1)

  return _sc_add


def kernel(x, entity_types, entity_type_embedding, position_embedding):
  xt = jnp.transpose(x, (1, 0, 2))
  tt = entity_types.T.reshape(-1).astype(jnp.int32)
  out = _build_sc_add()(xt, tt,
                        entity_type_embedding.reshape(-1),
                        position_embedding.reshape(-1))
  return jnp.transpose(out, (1, 0, 2))

# --- scband reference (transcript-rebuilt; emitter-appended) ---
"""Pipeline reference for scband-entity-positional-encoding-50139448214138 (READ-ONLY COPY).

The authoritative reference and input builder live on the scoring server;
editing this copy changes nothing except your own understanding.
"""

import jax, jax.numpy as jnp
import numpy as np

EMBED_DIM = 128
MAX_PLAYERS = 6
BATCH = 16384
N_PLAYERS = 6

def setup_inputs(seed: int = 0) -> dict:
    key = jax.random.key(seed)
    k1, k2, k3, k4 = jax.random.split(key, 4)
    x = jax.random.normal(k1, (BATCH, N_PLAYERS, EMBED_DIM), dtype=jnp.float32)
    entity_types = jax.random.randint(k2, (BATCH, N_PLAYERS), 0, 3, dtype=jnp.int64 if jax.config.read('jax_enable_x64') else jnp.int32)
    # nn.Embedding default init: N(0, 1)
    entity_type_embedding = jax.random.normal(k3, (3, EMBED_DIM), dtype=jnp.float32)
    position_embedding = jax.random.normal(k4, (MAX_PLAYERS, EMBED_DIM), dtype=jnp.float32)
    return {
        'x': x,
        'entity_types': entity_types,
        'entity_type_embedding': entity_type_embedding,
        'position_embedding': position_embedding,
    }

def reference(x, entity_types, entity_type_embedding, position_embedding):
    batch_size, n_players, _ = x.shape
    # x = x + entity_type_embedding(entity_types)
    x = x + jnp.take(entity_type_embedding, entity_types, axis=0)
    # positions = arange(n_players) expanded over batch
    positions = jnp.arange(n_players)
    pos_enc = jnp.take(position_embedding, positions, axis=0)  # [n_players, embed_dim]
    x = x + pos_enc[None, :, :]
    # dropout p=0.0 -> identity
    return x

if False:  # reference __main__ guard neutralized (emitter)
    inp = setup_inputs()
    out = reference(**inp)
    print(out.shape, out.dtype)

if __name__ == "__main__":
    import jax
    _d = setup_inputs()
    print(jax.jit(kernel)(*tuple(_d.values())))

</pallas_src>

<mosaic_0001>
#map = affine_map<(d0, d1) -> (0, 0, 0)>
#map1 = affine_map<(d0, d1) -> (0)>
module attributes {stable_mosaic.version = 14 : i64} {
  func.func @_sc_add(%arg0: i32, %arg1: i32, %arg2: memref<6x16384x128xf32, #tpu.memory_space<hbm>>, %arg3: memref<98304xi32, #tpu.memory_space<hbm>>, %arg4: memref<384xf32, #tpu.memory_space<hbm>>, %arg5: memref<768xf32, #tpu.memory_space<hbm>>, %arg6: memref<6x16384x128xf32, #tpu.memory_space<hbm>>, %arg7: memref<128x128xf32, #tpu.memory_space<vmem>>, %arg8: memref<128x128xf32, #tpu.memory_space<vmem>>, %arg9: memref<128x128xf32, #tpu.memory_space<vmem>>, %arg10: memref<128x128xf32, #tpu.memory_space<vmem>>, %arg11: memref<144xi32, #tpu.memory_space<vmem>>, %arg12: memref<144xi32, #tpu.memory_space<vmem>>, %arg13: memref<768xf32, #tpu.memory_space<vmem>>, %arg14: memref<384xf32, #tpu.memory_space<vmem>>, %arg15: memref<2304xf32, #tpu.memory_space<vmem>>, %arg16: memref<2x!tpu.dma_semaphore, #tpu.memory_space<semaphore_mem>>, %arg17: memref<2x!tpu.dma_semaphore, #tpu.memory_space<semaphore_mem>>, %arg18: memref<2x!tpu.dma_semaphore, #tpu.memory_space<semaphore_mem>>) attributes {dimension_semantics = [#tpu.dimension_semantics<core_parallel>, #tpu.dimension_semantics<subcore_parallel>], iteration_bounds = array<i64: 2, 16>, scalar_prefetch = 0 : i64, scratch_operands = 12 : i64, tpu.core_type = #tpu.core_type<sc_vector_subcore>, window_params = [{transform_indices = #map}, {transform_indices = #map1}, {transform_indices = #map1}, {transform_indices = #map1}, {transform_indices = #map}]} {
    %mul3A = arith.constant 2 : i32
    %mul3A_0 = arith.muli %arg1, %mul3A : i32
    %add3A = arith.addi %mul3A_0, %arg0 : i32
    %mul3A_1 = arith.constant 512 : i32
    %mul3A_2 = arith.muli %add3A, %mul3A_1 : i32
    "tpu.region"() ({
      %run_scoped3A = tpu.sem_alloc : memref<!tpu.dma_semaphore, #tpu.memory_space<semaphore_mem>>
      tpu.enqueue_dma source(%arg5 : memref<768xf32, #tpu.memory_space<hbm>>) target(%arg13 : memref<768xf32, #tpu.memory_space<vmem>>) target_semaphore(%run_scoped3A : memref<!tpu.dma_semaphore, #tpu.memory_space<semaphore_mem>>)
      tpu.wait_dma2 semaphore(%run_scoped3A : memref<!tpu.dma_semaphore, #tpu.memory_space<semaphore_mem>>) src(%arg5 : memref<768xf32, #tpu.memory_space<hbm>>) dst(%arg13 : memref<768xf32, #tpu.memory_space<vmem>>)
      tpu.yield
    }) : () -> ()
    "tpu.region"() ({
      %run_scoped3A = tpu.sem_alloc : memref<!tpu.dma_semaphore, #tpu.memory_space<semaphore_mem>>
      tpu.enqueue_dma source(%arg4 : memref<384xf32, #tpu.memory_space<hbm>>) target(%arg14 : memref<384xf32, #tpu.memory_space<vmem>>) target_semaphore(%run_scoped3A : memref<!tpu.dma_semaphore, #tpu.memory_space<semaphore_mem>>)
      tpu.wait_dma2 semaphore(%run_scoped3A : memref<!tpu.dma_semaphore, #tpu.memory_space<semaphore_mem>>) src(%arg4 : memref<384xf32, #tpu.memory_space<hbm>>) dst(%arg14 : memref<384xf32, #tpu.memory_space<vmem>>)
      tpu.yield
    }) : () -> ()
    %get3A = arith.constant 0 : index
    %get3A_3 = tpu.vector_load %arg13[%get3A] {strides = array<i32>} : memref<768xf32, #tpu.memory_space<vmem>>, vector<16xf32>,
    %get3A_4 = arith.constant 0 : index
    %get3A_5 = tpu.vector_load %arg14[%get3A_4] {strides = array<i32>} : memref<384xf32, #tpu.memory_space<vmem>>, vector<16xf32>,
    %add3A_6 = arith.addf %get3A_3, %get3A_5 : vector<16xf32>
    %swap3A = arith.constant 0 : index
    %swap3A_7 = tpu.vector_load %arg15[%swap3A] {strides = array<i32>} : memref<2304xf32, #tpu.memory_space<vmem>>, vector<16xf32>,
    tpu.vector_store %arg15[%swap3A], %add3A_6 {strides = array<i32>} : memref<2304xf32, #tpu.memory_space<vmem>>, vector<16xf32>,
    %get3A_8 = arith.constant 16 : index
    %get3A_9 = tpu.vector_load %arg13[%get3A_8] {strides = array<i32>} : memref<768xf32, #tpu.memory_space<vmem>>, vector<16xf32>,
    %get3A_10 = arith.constant 16 : index
    %get3A_11 = tpu.vector_load %arg14[%get3A_10] {strides = array<i32>} : memref<384xf32, #tpu.memory_space<vmem>>, vector<16xf32>,
    %add3A_12 = arith.addf %get3A_9, %get3A_11 : vector<16xf32>
    %swap3A_13 = arith.constant 16 : index
    %swap3A_14 = tpu.vector_load %arg15[%swap3A_13] {strides = array<i32>} : memref<2304xf32, #tpu.memory_space<vmem>>, vector<16xf32>,
    tpu.vector_store %arg15[%swap3A_13], %add3A_12 {strides = array<i32>} : memref<2304xf32, #tpu.memory_space<vmem>>, vector<16xf32>,
    %get3A_15 = arith.constant 32 : index
    %get3A_16 = tpu.vector_load %arg13[%get3A_15] {strides = array<i32>} : memref<768xf32, #tpu.memory_space<vmem>>, vector<16xf32>,
    %get3A_17 = arith.constant 32 : index
    %get3A_18 = tpu.vector_load %arg14[%get3A_17] {strides = array<i32>} : memref<384xf32, #tpu.memory_space<vmem>>, vector<16xf32>,
    %add3A_19 = arith.addf %get3A_16, %get3A_18 : vector<16xf32>
    %swap3A_20 = arith.constant 32 : index
    %swap3A_21 = tpu.vector_load %arg15[%swap3A_20] {strides = array<i32>} : memref<2304xf32, #tpu.memory_space<vmem>>, vector<16xf32>,
    tpu.vector_store %arg15[%swap3A_20], %add3A_19 {strides = array<i32>} : memref<2304xf32, #tpu.memory_space<vmem>>, vector<16xf32>,
    %get3A_22 = arith.constant 48 : index
    %get3A_23 = tpu.vector_load %arg13[%get3A_22] {strides = array<i32>} : memref<768xf32, #tpu.memory_space<vmem>>, vector<16xf32>,
    %get3A_24 = arith.constant 48 : index
    %get3A_25 = tpu.vector_load %arg14[%get3A_24] {strides = array<i32>} : memref<384xf32, #tpu.memory_space<vmem>>, vector<16xf32>,
    %add3A_26 = arith.addf %get3A_23, %get3A_25 : vector<16xf32>
    %swap3A_27 = arith.constant 48 : index
    %swap3A_28 = tpu.vector_load %arg15[%swap3A_27] {strides = array<i32>} : memref<2304xf32, #tpu.memory_space<vmem>>, vector<16xf32>,
    tpu.vector_store %arg15[%swap3A_27], %add3A_26 {strides = array<i32>} : memref<2304xf32, #tpu.memory_space<vmem>>, vector<16xf32>,
    %get3A_29 = arith.constant 64 : index
    %get3A_30 = tpu.vector_load %arg13[%get3A_29] {strides = array<i32>} : memref<768xf32, #tpu.memory_space<vmem>>, vector<16xf32>,
    %get3A_31 = arith.constant 64 : index
    %get3A_32 = tpu.vector_load %arg14[%get3A_31] {strides = array<i32>} : memref<384xf32, #tpu.memory_space<vmem>>, vector<16xf32>,
    %add3A_33 = arith.addf %get3A_30, %get3A_32 : vector<16xf32>
    %swap3A_34 = arith.constant 64 : index
    %swap3A_35 = tpu.vector_load %arg15[%swap3A_34] {strides = array<i32>} : memref<2304xf32, #tpu.memory_space<vmem>>, vector<16xf32>,
    tpu.vector_store %arg15[%swap3A_34], %add3A_33 {strides = array<i32>} : memref<2304xf32, #tpu.memory_space<vmem>>, vector<16xf32>,
    %get3A_36 = arith.constant 80 : index
    %get3A_37 = tpu.vector_load %arg13[%get3A_36] {strides = array<i32>} : memref<768xf32, #tpu.memory_space<vmem>>, vector<16xf32>,
    %get3A_38 = arith.constant 80 : index
    %get3A_39 = tpu.vector_load %arg14[%get3A_38] {strides = array<i32>} : memref<384xf32, #tpu.memory_space<vmem>>, vector<16xf32>,
    %add3A_40 = arith.addf %get3A_37, %get3A_39 : vector<16xf32>
    %swap3A_41 = arith.constant 80 : index
    %swap3A_42 = tpu.vector_load %arg15[%swap3A_41] {strides = array<i32>} : memref<2304xf32, #tpu.memory_space<vmem>>, vector<16xf32>,
    tpu.vector_store %arg15[%swap3A_41], %add3A_40 {strides = array<i32>} : memref<2304xf32, #tpu.memory_space<vmem>>, vector<16xf32>,
    %get3A_43 = arith.constant 96 : index
    %get3A_44 = tpu.vector_load %arg13[%get3A_43] {strides = array<i32>} : memref<768xf32, #tpu.memory_space<vmem>>, vector<16xf32>,
    %get3A_45 = arith.constant 96 : index
    %get3A_46 = tpu.vector_load %arg14[%get3A_45] {strides = array<i32>} : memref<384xf32, #tpu.memory_space<vmem>>, vector<16xf32>,
    %add3A_47 = arith.addf %get3A_44, %get3A_46 : vector<16xf32>
    %swap3A_48 = arith.constant 96 : index
    %swap3A_49 = tpu.vector_load %arg15[%swap3A_48] {strides = array<i32>} : memref<2304xf32, #tpu.memory_space<vmem>>, vector<16xf32>,
    tpu.vector_store %arg15[%swap3A_48], %add3A_47 {strides = array<i32>} : memref<2304xf32, #tpu.memory_space<vmem>>, vector<16xf32>,
    %get3A_50 = arith.constant 112 : index
    %get3A_51 = tpu.vector_load %arg13[%get3A_50] {strides = array<i32>} : memref<768xf32, #tpu.memory_space<vmem>>, vector<16xf32>,
    %get3A_52 = arith.constant 112 : index
    %get3A_53 = tpu.vector_load %arg14[%get3A_52] {strides = array<i32>} : memref<384xf32, #tpu.memory_space<vmem>>, vector<16xf32>,
    %add3A_54 = arith.addf %get3A_51, %get3A_53 : vector<16xf32>
    %swap3A_55 = arith.constant 112 : index
    %swap3A_56 = tpu.vector_load %arg15[%swap3A_55] {strides = array<i32>} : memref<2304xf32, #tpu.memory_space<vmem>>, vector<16xf32>,
    tpu.vector_store %arg15[%swap3A_55], %add3A_54 {strides = array<i32>} : memref<2304xf32, #tpu.memory_space<vmem>>, vector<16xf32>,
    %get3A_57 = arith.constant 0 : index
    %get3A_58 = tpu.vector_load %arg13[%get3A_57] {strides = array<i32>} : memref<768xf32, #tpu.memory_space<vmem>>, vector<16xf32>,
    %get3A_59 = arith.constant 128 : index
    %get3A_60 = tpu.vector_load %arg14[%get3A_59] {strides = array<i32>} : memref<384xf32, #tpu.memory_space<vmem>>, vector<16xf32>,
    %add3A_61 = arith.addf %get3A_58, %get3A_60 : vector<16xf32>
    %swap3A_62 = arith.constant 128 : index
    %swap3A_63 = tpu.vector_load %arg15[%swap3A_62] {strides = array<i32>} : memref<2304xf32, #tpu.memory_space<vmem>>, vector<16xf32>,
    tpu.vector_store %arg15[%swap3A_62], %add3A_61 {strides = array<i32>} : memref<2304xf32, #tpu.memory_space<vmem>>, vector<16xf32>,
    %get3A_64 = arith.constant 16 : index
    %get3A_65 = tpu.vector_load %arg13[%get3A_64] {strides = array<i32>} : memref<768xf32, #tpu.memory_space<vmem>>, vector<16xf32>,
    %get3A_66 = arith.constant 144 : index
    %get3A_67 = tpu.vector_load %arg14[%get3A_66] {strides = array<i32>} : memref<384xf32, #tpu.memory_space<vmem>>, vector<16xf32>,
    %add3A_68 = arith.addf %get3A_65, %get3A_67 : vector<16xf32>
    %swap3A_69 = arith.constant 144 : index
    %swap3A_70 = tpu.vector_load %arg15[%swap3A_69] {strides = array<i32>} : memref<2304xf32, #tpu.memory_space<vmem>>, vector<16xf32>,
    tpu.vector_store %arg15[%swap3A_69], %add3A_68 {strides = array<i32>} : memref<2304xf32, #tpu.memory_space<vmem>>, vector<16xf32>,
    %get3A_71 = arith.constant 32 : index
    %get3A_72 = tpu.vector_load %arg13[%get3A_71] {strides = array<i32>} : memref<768xf32, #tpu.memory_space<vmem>>, vector<16xf32>,
    %get3A_73 = arith.constant 160 : index
    %get3A_74 = tpu.vector_load %arg14[%get3A_73] {strides = array<i32>} : memref<384xf32, #tpu.memory_space<vmem>>, vector<16xf32>,
    %add3A_75 = arith.addf %get3A_72, %get3A_74 : vector<16xf32>
    %swap3A_76 = arith.constant 160 : index
    %swap3A_77 = tpu.vector_load %arg15[%swap3A_76] {strides = array<i32>} : memref<2304xf32, #tpu.memory_space<vmem>>, vector<16xf32>,
    tpu.vector_store %arg15[%swap3A_76], %add3A_75 {strides = array<i32>} : memref<2304xf32, #tpu.memory_space<vmem>>, vector<16xf32>,
    %get3A_78 = arith.constant 48 : index
    %get3A_79 = tpu.vector_load %arg13[%get3A_78] {strides = array<i32>} : memref<768xf32, #tpu.memory_space<vmem>>, vector<16xf32>,
    %get3A_80 = arith.constant 176 : index
    %get3A_81 = tpu.vector_load %arg14[%get3A_80] {strides = array<i32>} : memref<384xf32, #tpu.memory_space<vmem>>, vector<16xf32>,
    %add3A_82 = arith.addf %get3A_79, %get3A_81 : vector<16xf32>
    %swap3A_83 = arith.constant 176 : index
    %swap3A_84 = tpu.vector_load %arg15[%swap3A_83] {strides = array<i32>} : memref<2304xf32, #tpu.memory_space<vmem>>, vector<16xf32>,
    tpu.vector_store %arg15[%swap3A_83], %add3A_82 {strides = array<i32>} : memref<2304xf32, #tpu.memory_space<vmem>>, vector<16xf32>,
    %get3A_85 = arith.constant 64 : index
    %get3A_86 = tpu.vector_load %arg13[%get3A_85] {strides = array<i32>} : memref<768xf32, #tpu.memory_space<vmem>>, vector<16xf32>,
    %get3A_87 = arith.constant 192 : index
    %get3A_88 = tpu.vector_load %arg14[%get3A_87] {strides = array<i32>} : memref<384xf32, #tpu.memory_space<vmem>>, vector<16xf32>,
    %add3A_89 = arith.addf %get3A_86, %get3A_88 : vector<16xf32>
    %swap3A_90 = arith.constant 192 : index
    %swap3A_91 = tpu.vector_load %arg15[%swap3A_90] {strides = array<i32>} : memref<2304xf32, #tpu.memory_space<vmem>>, vector<16xf32>,
    tpu.vector_store %arg15[%swap3A_90], %add3A_89 {strides = array<i32>} : memref<2304xf32, #tpu.memory_space<vmem>>, vector<16xf32>,
    %get3A_92 = arith.constant 80 : index
    %get3A_93 = tpu.vector_load %arg13[%get3A_92] {strides = array<i32>} : memref<768xf32, #tpu.memory_space<vmem>>, vector<16xf32>,
    %get3A_94 = arith.constant 208 : index
    %get3A_95 = tpu.vector_load %arg14[%get3A_94] {strides = array<i32>} : memref<384xf32, #tpu.memory_space<vmem>>, vector<16xf32>,
    %add3A_96 = arith.addf %get3A_93, %get3A_95 : vector<16xf32>
    %swap3A_97 = arith.constant 208 : index
    %swap3A_98 = tpu.vector_load %arg15[%swap3A_97] {strides = array<i32>} : memref<2304xf32, #tpu.memory_space<vmem>>, vector<16xf32>,
    tpu.vector_store %arg15[%swap3A_97], %add3A_96 {strides = array<i32>} : memref<2304xf32, #tpu.memory_space<vmem>>, vector<16xf32>,
    %get3A_99 = arith.constant 96 : index
    %get3A_100 = tpu.vector_load %arg13[%get3A_99] {strides = array<i32>} : memref<768xf32, #tpu.memory_space<vmem>>, vector<16xf32>,
    %get3A_101 = arith.constant 224 : index
    %get3A_102 = tpu.vector_load %arg14[%get3A_101] {strides = array<i32>} : memref<384xf32, #tpu.memory_space<vmem>>, vector<16xf32>,
    %add3A_103 = arith.addf %get3A_100, %get3A_102 : vector<16xf32>
    %swap3A_104 = arith.constant 224 : index
    %swap3A_105 = tpu.vector_load %arg15[%swap3A_104] {strides = array<i32>} : memref<2304xf32, #tpu.memory_space<vmem>>, vector<16xf32>,
    tpu.vector_store %arg15[%swap3A_104], %add3A_103 {strides = array<i32>} : memref<2304xf32, #tpu.memory_space<vmem>>, vector<16xf32>,
    %get3A_106 = arith.constant 112 : index
    %get3A_107 = tpu.vector_load %arg13[%get3A_106] {strides = array<i32>} : memref<768xf32, #tpu.memory_space<vmem>>, vector<16xf32>,
    %get3A_108 = arith.constant 240 : index
    %get3A_109 = tpu.vector_load %arg14[%get3A_108] {strides = array<i32>} : memref<384xf32, #tpu.memory_space<vmem>>, vector<16xf32>,
    %add3A_110 = arith.addf %get3A_107, %get3A_109 : vector<16xf32>
    %swap3A_111 = arith.constant 240 : index
    %swap3A_112 = tpu.vector_load %arg15[%swap3A_111] {strides = array<i32>} : memref<2304xf32, #tpu.memory_space<vmem>>, vector<16xf32>,
    tpu.vector_store %arg15[%swap3A_111], %add3A_110 {strides = array<i32>} : memref<2304xf32, #tpu.memory_space<vmem>>, vector<16xf32>,
    %get3A_113 = arith.constant 0 : index
    %get3A_114 = tpu.vector_load %arg13[%get3A_113] {strides = array<i32>} : memref<768xf32, #tpu.memory_space<vmem>>, vector<16xf32>,
    %get3A_115 = arith.constant 256 : index
    %get3A_116 = tpu.vector_load %arg14[%get3A_115] {strides = array<i32>} : memref<384xf32, #tpu.memory_space<vmem>>, vector<16xf32>,
    %add3A_117 = arith.addf %get3A_114, %get3A_116 : vector<16xf32>
    %swap3A_118 = arith.constant 256 : index
    %swap3A_119 = tpu.vector_load %arg15[%swap3A_118] {strides = array<i32>} : memref<2304xf32, #tpu.memory_space<vmem>>, vector<16xf32>,
    tpu.vector_store %arg15[%swap3A_118], %add3A_117 {strides = array<i32>} : memref<2304xf32, #tpu.memory_space<vmem>>, vector<16xf32>,
    %get3A_120 = arith.constant 16 : index
    %get3A_121 = tpu.vector_load %arg13[%get3A_120] {strides = array<i32>} : memref<768xf32, #tpu.memory_space<vmem>>, vector<16xf32>,
    %get3A_122 = arith.constant 272 : index
    %get3A_123 = tpu.vector_load %arg14[%get3A_122] {strides = array<i32>} : memref<384xf32, #tpu.memory_space<vmem>>, vector<16xf32>,
    %add3A_124 = arith.addf %get3A_121, %get3A_123 : vector<16xf32>
    %swap3A_125 = arith.constant 272 : index
    %swap3A_126 = tpu.vector_load %arg15[%swap3A_125] {strides = array<i32>} : memref<2304xf32, #tpu.memory_space<vmem>>, vector<16xf32>,
    tpu.vector_store %arg15[%swap3A_125], %add3A_124 {strides = array<i32>} : memref<2304xf32, #tpu.memory_space<vmem>>, vector<16xf32>,
    %get3A_127 = arith.constant 32 : index
    %get3A_128 = tpu.vector_load %arg13[%get3A_127] {strides = array<i32>} : memref<768xf32, #tpu.memory_space<vmem>>, vector<16xf32>,
    %get3A_129 = arith.constant 288 : index
    %get3A_130 = tpu.vector_load %arg14[%get3A_129] {strides = array<i32>} : memref<384xf32, #tpu.memory_space<vmem>>, vector<16xf32>,
    %add3A_131 = arith.addf %get3A_128, %get3A_130 : vector<16xf32>
    %swap3A_132 = arith.constant 288 : index
    %swap3A_133 = tpu.vector_load %arg15[%swap3A_132] {strides = array<i32>} : memref<2304xf32, #tpu.memory_space<vmem>>, vector<16xf32>,
    tpu.vector_store %arg15[%swap3A_132], %add3A_131 {strides = array<i32>} : memref<2304xf32, #tpu.memory_space<vmem>>, vector<16xf32>,
    %get3A_134 = arith.constant 48 : index
    %get3A_135 = tpu.vector_load %arg13[%get3A_134] {strides = array<i32>} : memref<768xf32, #tpu.memory_space<vmem>>, vector<16xf32>,
    %get3A_136 = arith.constant 304 : index
    %get3A_137 = tpu.vector_load %arg14[%get3A_136] {strides = array<i32>} : memref<384xf32, #tpu.memory_space<vmem>>, vector<16xf32>,
    %add3A_138 = arith.addf %get3A_135, %get3A_137 : vector<16xf32>
    %swap3A_139 = arith.constant 304 : index
    %swap3A_140 = tpu.vector_load %arg15[%swap3A_139] {strides = array<i32>} : memref<2304xf32, #tpu.memory_space<vmem>>, vector<16xf32>,
    tpu.vector_store %arg15[%swap3A_139], %add3A_138 {strides = array<i32>} : memref<2304xf32, #tpu.memory_space<vmem>>, vector<16xf32>,
    %get3A_141 = arith.constant 64 : index
    %get3A_142 = tpu.vector_load %arg13[%get3A_141] {strides = array<i32>} : memref<768xf32, #tpu.memory_space<vmem>>, vector<16xf32>,
    %get3A_143 = arith.constant 320 : index
    %get3A_144 = tpu.vector_load %arg14[%get3A_143] {strides = array<i32>} : memref<384xf32, #tpu.memory_space<vmem>>, vector<16xf32>,
    %add3A_145 = arith.addf %get3A_142, %get3A_144 : vector<16xf32>
    %swap3A_146 = arith.constant 320 : index
    %swap3A_147 = tpu.vector_load %arg15[%swap3A_146] {strides = array<i32>} : memref<2304xf32, #tpu.memory_space<vmem>>, vector<16xf32>,
    tpu.vector_store %arg15[%swap3A_146], %add3A_145 {strides = array<i32>} : memref<2304xf32, #tpu.memory_space<vmem>>, vector<16xf32>,
    %get3A_148 = arith.constant 80 : index
    %get3A_149 = tpu.vector_load %arg13[%get3A_148] {strides = array<i32>} : memref<768xf32, #tpu.memory_space<vmem>>, vector<16xf32>,
    %get3A_150 = arith.constant 336 : index
    %get3A_151 = tpu.vector_load %arg14[%get3A_150] {strides = array<i32>} : memref<384xf32, #tpu.memory_space<vmem>>, vector<16xf32>,
    %add3A_152 = arith.addf %get3A_149, %get3A_151 : vector<16xf32>
    %swap3A_153 = arith.constant 336 : index
    %swap3A_154 = tpu.vector_load %arg15[%swap3A_153] {strides = array<i32>} : memref<2304xf32, #tpu.memory_space<vmem>>, vector<16xf32>,
    tpu.vector_store %arg15[%swap3A_153], %add3A_152 {strides = array<i32>} : memref<2304xf32, #tpu.memory_space<vmem>>, vector<16xf32>,
    %get3A_155 = arith.constant 96 : index
    %get3A_156 = tpu.vector_load %arg13[%get3A_155] {strides = array<i32>} : memref<768xf32, #tpu.memory_space<vmem>>, vector<16xf32>,
    %get3A_157 = arith.constant 352 : index
    %get3A_158 = tpu.vector_load %arg14[%get3A_157] {strides = array<i32>} : memref<384xf32, #tpu.memory_space<vmem>>, vector<16xf32>,
    %add3A_159 = arith.addf %get3A_156, %get3A_158 : vector<16xf32>
    %swap3A_160 = arith.constant 352 : index
    %swap3A_161 = tpu.vector_load %arg15[%swap3A_160] {strides = array<i32>} : memref<2304xf32, #tpu.memory_space<vmem>>, vector<16xf32>,
    tpu.vector_store %arg15[%swap3A_160], %add3A_159 {strides = array<i32>} : memref<2304xf32, #tpu.memory_space<vmem>>, vector<16xf32>,
    %get3A_162 = arith.constant 112 : index
    %get3A_163 = tpu.vector_load %arg13[%get3A_162] {strides = array<i32>} : memref<768xf32, #tpu.memory_space<vmem>>, vector<16xf32>,
    %get3A_164 = arith.constant 368 : index
    %get3A_165 = tpu.vector_load %arg14[%get3A_164] {strides = array<i32>} : memref<384xf32, #tpu.memory_space<vmem>>, vector<16xf32>,
    %add3A_166 = arith.addf %get3A_163, %get3A_165 : vector<16xf32>
    %swap3A_167 = arith.constant 368 : index
    %swap3A_168 = tpu.vector_load %arg15[%swap3A_167] {strides = array<i32>} : memref<2304xf32, #tpu.memory_space<vmem>>, vector<16xf32>,
    tpu.vector_store %arg15[%swap3A_167], %add3A_166 {strides = array<i32>} : memref<2304xf32, #tpu.memory_space<vmem>>, vector<16xf32>,
    %get3A_169 = arith.constant 128 : index
    %get3A_170 = tpu.vector_load %arg13[%get3A_169] {strides = array<i32>} : memref<768xf32, #tpu.memory_space<vmem>>, vector<16xf32>,
    %get3A_171 = arith.constant 0 : index
    %get3A_172 = tpu.vector_load %arg14[%get3A_171] {strides = array<i32>} : memref<384xf32, #tpu.memory_space<vmem>>, vector<16xf32>,
    %add3A_173 = arith.addf %get3A_170, %get3A_172 : vector<16xf32>
    %swap3A_174 = arith.constant 384 : index
    %swap3A_175 = tpu.vector_load %arg15[%swap3A_174] {strides = array<i32>} : memref<2304xf32, #tpu.memory_space<vmem>>, vector<16xf32>,
    tpu.vector_store %arg15[%swap3A_174], %add3A_173 {strides = array<i32>} : memref<2304xf32, #tpu.memory_space<vmem>>, vector<16xf32>,
    %get3A_176 = arith.constant 144 : index
    %get3A_177 = tpu.vector_load %arg13[%get3A_176] {strides = array<i32>} : memref<768xf32, #tpu.memory_space<vmem>>, vector<16xf32>,
    %get3A_178 = arith.constant 16 : index
    %get3A_179 = tpu.vector_load %arg14[%get3A_178] {strides = array<i32>} : memref<384xf32, #tpu.memory_space<vmem>>, vector<16xf32>,
    %add3A_180 = arith.addf %get3A_177, %get3A_179 : vector<16xf32>
    %swap3A_181 = arith.constant 400 : index
    %swap3A_182 = tpu.vector_load %arg15[%swap3A_181] {strides = array<i32>} : memref<2304xf32, #tpu.memory_space<vmem>>, vector<16xf32>,
    tpu.vector_store %arg15[%swap3A_181], %add3A_180 {strides = array<i32>} : memref<2304xf32, #tpu.memory_space<vmem>>, vector<16xf32>,
    %get3A_183 = arith.constant 160 : index
    %get3A_184 = tpu.vector_load %arg13[%get3A_183] {strides = array<i32>} : memref<768xf32, #tpu.memory_space<vmem>>, vector<16xf32>,
    %get3A_185 = arith.constant 32 : index
    %get3A_186 = tpu.vector_load %arg14[%get3A_185] {strides = array<i32>} : memref<384xf32, #tpu.memory_space<vmem>>, vector<16xf32>,
    %add3A_187 = arith.addf %get3A_184, %get3A_186 : vector<16xf32>
    %swap3A_188 = arith.constant 416 : index
    %swap3A_189 = tpu.vector_load %arg15[%swap3A_188] {strides = array<i32>} : memref<2304xf32, #tpu.memory_space<vmem>>, vector<16xf32>,
    tpu.vector_store %arg15[%swap3A_188], %add3A_187 {strides = array<i32>} : memref<2304xf32, #tpu.memory_space<vmem>>, vector<16xf32>,
    %get3A_190 = arith.constant 176 : index
    %get3A_191 = tpu.vector_load %arg13[%get3A_190] {strides = array<i32>} : memref<768xf32, #tpu.memory_space<vmem>>, vector<16xf32>,
    %get3A_192 = arith.constant 48 : index
    %get3A_193 = tpu.vector_load %arg14[%get3A_192] {strides = array<i32>} : memref<384xf32, #tpu.memory_space<vmem>>, vector<16xf32>,
    %add3A_194 = arith.addf %get3A_191, %get3A_193 : vector<16xf32>
    %swap3A_195 = arith.constant 432 : index
    %swap3A_196 = tpu.vector_load %arg15[%swap3A_195] {strides = array<i32>} : memref<2304xf32, #tpu.memory_space<vmem>>, vector<16xf32>,
    tpu.vector_store %arg15[%swap3A_195], %add3A_194 {strides = array<i32>} : memref<2304xf32, #tpu.memory_space<vmem>>, vector<16xf32>,
    %get3A_197 = arith.constant 192 : index
    %get3A_198 = tpu.vector_load %arg13[%get3A_197] {strides = array<i32>} : memref<768xf32, #tpu.memory_space<vmem>>, vector<16xf32>,
    %get3A_199 = arith.constant 64 : index
    %get3A_200 = tpu.vector_load %arg14[%get3A_199] {strides = array<i32>} : memref<384xf32, #tpu.memory_space<vmem>>, vector<16xf32>,
    %add3A_201 = arith.addf %get3A_198, %get3A_200 : vector<16xf32>
    %swap3A_202 = arith.constant 448 : index
    %swap3A_203 = tpu.vector_load %arg15[%swap3A_202] {strides = array<i32>} : memref<2304xf32, #tpu.memory_space<vmem>>, vector<16xf32>,
    tpu.vector_store %arg15[%swap3A_202], %add3A_201 {strides = array<i32>} : memref<2304xf32, #tpu.memory_space<vmem>>, vector<16xf32>,
    %get3A_204 = arith.constant 208 : index
    %get3A_205 = tpu.vector_load %arg13[%get3A_204] {strides = array<i32>} : memref<768xf32, #tpu.memory_space<vmem>>, vector<16xf32>,
    %get3A_206 = arith.constant 80 : index
    %get3A_207 = tpu.vector_load %arg14[%get3A_206] {strides = array<i32>} : memref<384xf32, #tpu.memory_space<vmem>>, vector<16xf32>,
    %add3A_208 = arith.addf %get3A_205, %get3A_207 : vector<16xf32>
    %swap3A_209 = arith.constant 464 : index
    %swap3A_210 = tpu.vector_load %arg15[%swap3A_209] {strides = array<i32>} : memref<2304xf32, #tpu.memory_space<vmem>>, vector<16xf32>,
    tpu.vector_store %arg15[%swap3A_209], %add3A_208 {strides = array<i32>} : memref<2304xf32, #tpu.memory_space<vmem>>, vector<16xf32>,
    %get3A_211 = arith.constant 224 : index
    %get3A_212 = tpu.vector_load %arg13[%get3A_211] {strides = array<i32>} : memref<768xf32, #tpu.memory_space<vmem>>, vector<16xf32>,
    %get3A_213 = arith.constant 96 : index
    %get3A_214 = tpu.vector_load %arg14[%get3A_213] {strides = array<i32>} : memref<384xf32, #tpu.memory_space<vmem>>, vector<16xf32>,
    %add3A_215 = arith.addf %get3A_212, %get3A_214 : vector<16xf32>
    %swap3A_216 = arith.constant 480 : index
    %swap3A_217 = tpu.vector_load %arg15[%swap3A_216] {strides = array<i32>} : memref<2304xf32, #tpu.memory_space<vmem>>, vector<16xf32>,
    tpu.vector_store %arg15[%swap3A_216], %add3A_215 {strides = array<i32>} : memref<2304xf32, #tpu.memory_space<vmem>>, vector<16xf32>,
    %get3A_218 = arith.constant 240 : index
    %get3A_219 = tpu.vector_load %arg13[%get3A_218] {strides = array<i32>} : memref<768xf32, #tpu.memory_space<vmem>>, vector<16xf32>,
    %get3A_220 = arith.constant 112 : index
    %get3A_221 = tpu.vector_load %arg14[%get3A_220] {strides = array<i32>} : memref<384xf32, #tpu.memory_space<vmem>>, vector<16xf32>,
    %add3A_222 = arith.addf %get3A_219, %get3A_221 : vector<16xf32>
    %swap3A_223 = arith.constant 496 : index
    %swap3A_224 = tpu.vector_load %arg15[%swap3A_223] {strides = array<i32>} : memref<2304xf32, #tpu.memory_space<vmem>>, vector<16xf32>,
    tpu.vector_store %arg15[%swap3A_223], %add3A_222 {strides = array<i32>} : memref<2304xf32, #tpu.memory_space<vmem>>, vector<16xf32>,
    %get3A_225 = arith.constant 128 : index
    %get3A_226 = tpu.vector_load %arg13[%get3A_225] {strides = array<i32>} : memref<768xf32, #tpu.memory_space<vmem>>, vector<16xf32>,
    %get3A_227 = arith.constant 128 : index
    %get3A_228 = tpu.vector_load %arg14[%get3A_227] {strides = array<i32>} : memref<384xf32, #tpu.memory_space<vmem>>, vector<16xf32>,
    %add3A_229 = arith.addf %get3A_226, %get3A_228 : vector<16xf32>
    %swap3A_230 = arith.constant 512 : index
    %swap3A_231 = tpu.vector_load %arg15[%swap3A_230] {strides = array<i32>} : memref<2304xf32, #tpu.memory_space<vmem>>, vector<16xf32>,
    tpu.vector_store %arg15[%swap3A_230], %add3A_229 {strides = array<i32>} : memref<2304xf32, #tpu.memory_space<vmem>>, vector<16xf32>,
    %get3A_232 = arith.constant 144 : index
    %get3A_233 = tpu.vector_load %arg13[%get3A_232] {strides = array<i32>} : memref<768xf32, #tpu.memory_space<vmem>>, vector<16xf32>,
    %get3A_234 = arith.constant 144 : index
    %get3A_235 = tpu.vector_load %arg14[%get3A_234] {strides = array<i32>} : memref<384xf32, #tpu.memory_space<vmem>>, vector<16xf32>,
    %add3A_236 = arith.addf %get3A_233, %get3A_235 : vector<16xf32>
    %swap3A_237 = arith.constant 528 : index
    %swap3A_238 = tpu.vector_load %arg15[%swap3A_237] {strides = array<i32>} : memref<2304xf32, #tpu.memory_space<vmem>>, vector<16xf32>,
    tpu.vector_store %arg15[%swap3A_237], %add3A_236 {strides = array<i32>} : memref<2304xf32, #tpu.memory_space<vmem>>, vector<16xf32>,
    %get3A_239 = arith.constant 160 : index
    %get3A_240 = tpu.vector_load %arg13[%get3A_239] {strides = array<i32>} : memref<768xf32, #tpu.memory_space<vmem>>, vector<16xf32>,
    %get3A_241 = arith.constant 160 : index
    %get3A_242 = tpu.vector_load %arg14[%get3A_241] {strides = array<i32>} : memref<384xf32, #tpu.memory_space<vmem>>, vector<16xf32>,
    %add3A_243 = arith.addf %get3A_240, %get3A_242 : vector<16xf32>
    %swap3A_244 = arith.constant 544 : index
    %swap3A_245 = tpu.vector_load %arg15[%swap3A_244] {strides = array<i32>} : memref<2304xf32, #tpu.memory_space<vmem>>, vector<16xf32>,
    tpu.vector_store %arg15[%swap3A_244], %add3A_243 {strides = array<i32>} : memref<2304xf32, #tpu.memory_space<vmem>>, vector<16xf32>,
    %get3A_246 = arith.constant 176 : index
    %get3A_247 = tpu.vector_load %arg13[%get3A_246] {strides = array<i32>} : memref<768xf32, #tpu.memory_space<vmem>>, vector<16xf32>,
    %get3A_248 = arith.constant 176 : index
    %get3A_249 = tpu.vector_load %arg14[%get3A_248] {strides = array<i32>} : memref<384xf32, #tpu.memory_space<vmem>>, vector<16xf32>,
    %add3A_250 = arith.addf %get3A_247, %get3A_249 : vector<16xf32>
    %swap3A_251 = arith.constant 560 : index
    %swap3A_252 = tpu.vector_load %arg15[%swap3A_251] {strides = array<i32>} : memref<2304xf32, #tpu.memory_space<vmem>>, vector<16xf32>,
    tpu.vector_store %arg15[%swap3A_251], %add3A_250 {strides = array<i32>} : memref<2304xf32, #tpu.memory_space<vmem>>, vector<16xf32>,
    %get3A_253 = arith.constant 192 : index
    %get3A_254 = tpu.vector_load %arg13[%get3A_253] {strides = array<i32>} : memref<768xf32, #tpu.memory_space<vmem>>, vector<16xf32>,
    %get3A_255 = arith.constant 192 : index
    %get3A_256 = tpu.vector_load %arg14[%get3A_255] {strides = array<i32>} : memref<384xf32, #tpu.memory_space<vmem>>, vector<16xf32>,
    %add3A_257 = arith.addf %get3A_254, %get3A_256 : vector<16xf32>
    %swap3A_258 = arith.constant 576 : index
    %swap3A_259 = tpu.vector_load %arg15[%swap3A_258] {strides = array<i32>} : memref<2304xf32, #tpu.memory_space<vmem>>, vector<16xf32>,
    tpu.vector_store %arg15[%swap3A_258], %add3A_257 {strides = array<i32>} : memref<2304xf32, #tpu.memory_space<vmem>>, vector<16xf32>,
    %get3A_260 = arith.constant 208 : index
    %get3A_261 = tpu.vector_load %arg13[%get3A_260] {strides = array<i32>} : memref<768xf32, #tpu.memory_space<vmem>>, vector<16xf32>,
    %get3A_262 = arith.constant 208 : index
    %get3A_263 = tpu.vector_load %arg14[%get3A_262] {strides = array<i32>} : memref<384xf32, #tpu.memory_space<vmem>>, vector<16xf32>,
    %add3A_264 = arith.addf %get3A_261, %get3A_263 : vector<16xf32>
    %swap3A_265 = arith.constant 592 : index
    %swap3A_266 = tpu.vector_load %arg15[%swap3A_265] {strides = array<i32>} : memref<2304xf32, #tpu.memory_space<vmem>>, vector<16xf32>,
    tpu.vector_store %arg15[%swap3A_265], %add3A_264 {strides = array<i32>} : memref<2304xf32, #tpu.memory_space<vmem>>, vector<16xf32>,
    %get3A_267 = arith.constant 224 : index
    %get3A_268 = tpu.vector_load %arg13[%get3A_267] {strides = array<i32>} : memref<768xf32, #tpu.memory_space<vmem>>, vector<16xf32>,
    %get3A_269 = arith.constant 224 : index
    %get3A_270 = tpu.vector_load %arg14[%get3A_269] {strides = array<i32>} : memref<384xf32, #tpu.memory_space<vmem>>, vector<16xf32>,
    %add3A_271 = arith.addf %get3A_268, %get3A_270 : vector<16xf32>
    %swap3A_272 = arith.constant 608 : index
    %swap3A_273 = tpu.vector_load %arg15[%swap3A_272] {strides = array<i32>} : memref<2304xf32, #tpu.memory_space<vmem>>, vector<16xf32>,
    tpu.vector_store %arg15[%swap3A_272], %add3A_271 {strides = array<i32>} : memref<2304xf32, #tpu.memory_space<vmem>>, vector<16xf32>,
    %get3A_274 = arith.constant 240 : index
    %get3A_275 = tpu.vector_load %arg13[%get3A_274] {strides = array<i32>} : memref<768xf32, #tpu.memory_space<vmem>>, vector<16xf32>,
    %get3A_276 = arith.constant 240 : index
    %get3A_277 = tpu.vector_load %arg14[%get3A_276] {strides = array<i32>} : memref<384xf32, #tpu.memory_space<vmem>>, vector<16xf32>,
    %add3A_278 = arith.addf %get3A_275, %get3A_277 : vector<16xf32>
    %swap3A_279 = arith.constant 624 : index
    %swap3A_280 = tpu.vector_load %arg15[%swap3A_279] {strides = array<i32>} : memref<2304xf32, #tpu.memory_space<vmem>>, vector<16xf32>,
    tpu.vector_store %arg15[%swap3A_279], %add3A_278 {strides = array<i32>} : memref<2304xf32, #tpu.memory_space<vmem>>, vector<16xf32>,
    %get3A_281 = arith.constant 128 : index
    %get3A_282 = tpu.vector_load %arg13[%get3A_281] {strides = array<i32>} : memref<768xf32, #tpu.memory_space<vmem>>, vector<16xf32>,
    %get3A_283 = arith.constant 256 : index
    %get3A_284 = tpu.vector_load %arg14[%get3A_283] {strides = array<i32>} : memref<384xf32, #tpu.memory_space<vmem>>, vector<16xf32>,
    %add3A_285 = arith.addf %get3A_282, %get3A_284 : vector<16xf32>
    %swap3A_286 = arith.constant 640 : index
    %swap3A_287 = tpu.vector_load %arg15[%swap3A_286] {strides = array<i32>} : memref<2304xf32, #tpu.memory_space<vmem>>, vector<16xf32>,
    tpu.vector_store %arg15[%swap3A_286], %add3A_285 {strides = array<i32>} : memref<2304xf32, #tpu.memory_space<vmem>>, vector<16xf32>,
    %get3A_288 = arith.constant 144 : index
    %get3A_289 = tpu.vector_load %arg13[%get3A_288] {strides = array<i32>} : memref<768xf32, #tpu.memory_space<vmem>>, vector<16xf32>,
    %get3A_290 = arith.constant 272 : index
    %get3A_291 = tpu.vector_load %arg14[%get3A_290] {strides = array<i32>} : memref<384xf32, #tpu.memory_space<vmem>>, vector<16xf32>,
    %add3A_292 = arith.addf %get3A_289, %get3A_291 : vector<16xf32>
    %swap3A_293 = arith.constant 656 : index
    %swap3A_294 = tpu.vector_load %arg15[%swap3A_293] {strides = array<i32>} : memref<2304xf32, #tpu.memory_space<vmem>>, vector<16xf32>,
    tpu.vector_store %arg15[%swap3A_293], %add3A_292 {strides = array<i32>} : memref<2304xf32, #tpu.memory_space<vmem>>, vector<16xf32>,
    %get3A_295 = arith.constant 160 : index
    %get3A_296 = tpu.vector_load %arg13[%get3A_295] {strides = array<i32>} : memref<768xf32, #tpu.memory_space<vmem>>, vector<16xf32>,
    %get3A_297 = arith.constant 288 : index
    %get3A_298 = tpu.vector_load %arg14[%get3A_297] {strides = array<i32>} : memref<384xf32, #tpu.memory_space<vmem>>, vector<16xf32>,
    %add3A_299 = arith.addf %get3A_296, %get3A_298 : vector<16xf32>
    %swap3A_300 = arith.constant 672 : index
    %swap3A_301 = tpu.vector_load %arg15[%swap3A_300] {strides = array<i32>} : memref<2304xf32, #tpu.memory_space<vmem>>, vector<16xf32>,
    tpu.vector_store %arg15[%swap3A_300], %add3A_299 {strides = array<i32>} : memref<2304xf32, #tpu.memory_space<vmem>>, vector<16xf32>,
    %get3A_302 = arith.constant 176 : index
    %get3A_303 = tpu.vector_load %arg13[%get3A_302] {strides = array<i32>} : memref<768xf32, #tpu.memory_space<vmem>>, vector<16xf32>,
    %get3A_304 = arith.constant 304 : index
    %get3A_305 = tpu.vector_load %arg14[%get3A_304] {strides = array<i32>} : memref<384xf32, #tpu.memory_space<vmem>>, vector<16xf32>,
    %add3A_306 = arith.addf %get3A_303, %get3A_305 : vector<16xf32>
    %swap3A_307 = arith.constant 688 : index
    %swap3A_308 = tpu.vector_load %arg15[%swap3A_307] {strides = array<i32>} : memref<2304xf32, #tpu.memory_space<vmem>>, vector<16xf32>,
    tpu.vector_store %arg15[%swap3A_307], %add3A_306 {strides = array<i32>} : memref<2304xf32, #tpu.memory_space<vmem>>, vector<16xf32>,
    %get3A_309 = arith.constant 192 : index
    %get3A_310 = tpu.vector_load %arg13[%get3A_309] {strides = array<i32>} : memref<768xf32, #tpu.memory_space<vmem>>, vector<16xf32>,
    %get3A_311 = arith.constant 320 : index
    %get3A_312 = tpu.vector_load %arg14[%get3A_311] {strides = array<i32>} : memref<384xf32, #tpu.memory_space<vmem>>, vector<16xf32>,
    %add3A_313 = arith.addf %get3A_310, %get3A_312 : vector<16xf32>
    %swap3A_314 = arith.constant 704 : index
    %swap3A_315 = tpu.vector_load %arg15[%swap3A_314] {strides = array<i32>} : memref<2304xf32, #tpu.memory_space<vmem>>, vector<16xf32>,
    tpu.vector_store %arg15[%swap3A_314], %add3A_313 {strides = array<i32>} : memref<2304xf32, #tpu.memory_space<vmem>>, vector<16xf32>,
    %get3A_316 = arith.constant 208 : index
    %get3A_317 = tpu.vector_load %arg13[%get3A_316] {strides = array<i32>} : memref<768xf32, #tpu.memory_space<vmem>>, vector<16xf32>,
    %get3A_318 = arith.constant 336 : index
    %get3A_319 = tpu.vector_load %arg14[%get3A_318] {strides = array<i32>} : memref<384xf32, #tpu.memory_space<vmem>>, vector<16xf32>,
    %add3A_320 = arith.addf %get3A_317, %get3A_319 : vector<16xf32>
    %swap3A_321 = arith.constant 720 : index
    %swap3A_322 = tpu.vector_load %arg15[%swap3A_321] {strides = array<i32>} : memref<2304xf32, #tpu.memory_space<vmem>>, vector<16xf32>,
    tpu.vector_store %arg15[%swap3A_321], %add3A_320 {strides = array<i32>} : memref<2304xf32, #tpu.memory_space<vmem>>, vector<16xf32>,
    %get3A_323 = arith.constant 224 : index
    %get3A_324 = tpu.vector_load %arg13[%get3A_323] {strides = array<i32>} : memref<768xf32, #tpu.memory_space<vmem>>, vector<16xf32>,
    %get3A_325 = arith.constant 352 : index
    %get3A_326 = tpu.vector_load %arg14[%get3A_325] {strides = array<i32>} : memref<384xf32, #tpu.memory_space<vmem>>, vector<16xf32>,
    %add3A_327 = arith.addf %get3A_324, %get3A_326 : vector<16xf32>
    %swap3A_328 = arith.constant 736 : index
    %swap3A_329 = tpu.vector_load %arg15[%swap3A_328] {strides = array<i32>} : memref<2304xf32, #tpu.memory_space<vmem>>, vector<16xf32>,
    tpu.vector_store %arg15[%swap3A_328], %add3A_327 {strides = array<i32>} : memref<2304xf32, #tpu.memory_space<vmem>>, vector<16xf32>,
    %get3A_330 = arith.constant 240 : index
    %get3A_331 = tpu.vector_load %arg13[%get3A_330] {strides = array<i32>} : memref<768xf32, #tpu.memory_space<vmem>>, vector<16xf32>,
    %get3A_332 = arith.constant 368 : index
    %get3A_333 = tpu.vector_load %arg14[%get3A_332] {strides = array<i32>} : memref<384xf32, #tpu.memory_space<vmem>>, vector<16xf32>,
    %add3A_334 = arith.addf %get3A_331, %get3A_333 : vector<16xf32>
    %swap3A_335 = arith.constant 752 : index
    %swap3A_336 = tpu.vector_load %arg15[%swap3A_335] {strides = array<i32>} : memref<2304xf32, #tpu.memory_space<vmem>>, vector<16xf32>,
    tpu.vector_store %arg15[%swap3A_335], %add3A_334 {strides = array<i32>} : memref<2304xf32, #tpu.memory_space<vmem>>, vector<16xf32>,
    %get3A_337 = arith.constant 256 : index
    %get3A_338 = tpu.vector_load %arg13[%get3A_337] {strides = array<i32>} : memref<768xf32, #tpu.memory_space<vmem>>, vector<16xf32>,
    %get3A_339 = arith.constant 0 : index
    %get3A_340 = tpu.vector_load %arg14[%get3A_339] {strides = array<i32>} : memref<384xf32, #tpu.memory_space<vmem>>, vector<16xf32>,
    %add3A_341 = arith.addf %get3A_338, %get3A_340 : vector<16xf32>
    %swap3A_342 = arith.constant 768 : index
    %swap3A_343 = tpu.vector_load %arg15[%swap3A_342] {strides = array<i32>} : memref<2304xf32, #tpu.memory_space<vmem>>, vector<16xf32>,
    tpu.vector_store %arg15[%swap3A_342], %add3A_341 {strides = array<i32>} : memref<2304xf32, #tpu.memory_space<vmem>>, vector<16xf32>,
    %get3A_344 = arith.constant 272 : index
    %get3A_345 = tpu.vector_load %arg13[%get3A_344] {strides = array<i32>} : memref<768xf32, #tpu.memory_space<vmem>>, vector<16xf32>,
    %get3A_346 = arith.constant 16 : index
    %get3A_347 = tpu.vector_load %arg14[%get3A_346] {strides = array<i32>} : memref<384xf32, #tpu.memory_space<vmem>>, vector<16xf32>,
    %add3A_348 = arith.addf %get3A_345, %get3A_347 : vector<16xf32>
    %swap3A_349 = arith.constant 784 : index
    %swap3A_350 = tpu.vector_load %arg15[%swap3A_349] {strides = array<i32>} : memref<2304xf32, #tpu.memory_space<vmem>>, vector<16xf32>,
    tpu.vector_store %arg15[%swap3A_349], %add3A_348 {strides = array<i32>} : memref<2304xf32, #tpu.memory_space<vmem>>, vector<16xf32>,
    %get3A_351 = arith.constant 288 : index
    %get3A_352 = tpu.vector_load %arg13[%get3A_351] {strides = array<i32>} : memref<768xf32, #tpu.memory_space<vmem>>, vector<16xf32>,
    %get3A_353 = arith.constant 32 : index
    %get3A_354 = tpu.vector_load %arg14[%get3A_353] {strides = array<i32>} : memref<384xf32, #tpu.memory_space<vmem>>, vector<16xf32>,
    %add3A_355 = arith.addf %get3A_352, %get3A_354 : vector<16xf32>
    %swap3A_356 = arith.constant 800 : index
    %swap3A_357 = tpu.vector_load %arg15[%swap3A_356] {strides = array<i32>} : memref<2304xf32, #tpu.memory_space<vmem>>, vector<16xf32>,
    tpu.vector_store %arg15[%swap3A_356], %add3A_355 {strides = array<i32>} : memref<2304xf32, #tpu.memory_space<vmem>>, vector<16xf32>,
    %get3A_358 = arith.constant 304 : index
    %get3A_359 = tpu.vector_load %arg13[%get3A_358] {strides = array<i32>} : memref<768xf32, #tpu.memory_space<vmem>>, vector<16xf32>,
    %get3A_360 = arith.constant 48 : index
    %get3A_361 = tpu.vector_load %arg14[%get3A_360] {strides = array<i32>} : memref<384xf32, #tpu.memory_space<vmem>>, vector<16xf32>,
    %add3A_362 = arith.addf %get3A_359, %get3A_361 : vector<16xf32>
    %swap3A_363 = arith.constant 816 : index
    %swap3A_364 = tpu.vector_load %arg15[%swap3A_363] {strides = array<i32>} : memref<2304xf32, #tpu.memory_space<vmem>>, vector<16xf32>,
    tpu.vector_store %arg15[%swap3A_363], %add3A_362 {strides = array<i32>} : memref<2304xf32, #tpu.memory_space<vmem>>, vector<16xf32>,
    %get3A_365 = arith.constant 320 : index
    %get3A_366 = tpu.vector_load %arg13[%get3A_365] {strides = array<i32>} : memref<768xf32, #tpu.memory_space<vmem>>, vector<16xf32>,
    %get3A_367 = arith.constant 64 : index
    %get3A_368 = tpu.vector_load %arg14[%get3A_367] {strides = array<i32>} : memref<384xf32, #tpu.memory_space<vmem>>, vector<16xf32>,
    %add3A_369 = arith.addf %get3A_366, %get3A_368 : vector<16xf32>
    %swap3A_370 = arith.constant 832 : index
    %swap3A_371 = tpu.vector_load %arg15[%swap3A_370] {strides = array<i32>} : memref<2304xf32, #tpu.memory_space<vmem>>, vector<16xf32>,
    tpu.vector_store %arg15[%swap3A_370], %add3A_369 {strides = array<i32>} : memref<2304xf32, #tpu.memory_space<vmem>>, vector<16xf32>,
    %get3A_372 = arith.constant 336 : index
    %get3A_373 = tpu.vector_load %arg13[%get3A_372] {strides = array<i32>} : memref<768xf32, #tpu.memory_space<vmem>>, vector<16xf32>,
    %get3A_374 = arith.constant 80 : index
    %get3A_375 = tpu.vector_load %arg14[%get3A_374] {strides = array<i32>} : memref<384xf32, #tpu.memory_space<vmem>>, vector<16xf32>,
    %add3A_376 = arith.addf %get3A_373, %get3A_375 : vector<16xf32>
    %swap3A_377 = arith.constant 848 : index
    %swap3A_378 = tpu.vector_load %arg15[%swap3A_377] {strides = array<i32>} : memref<2304xf32, #tpu.memory_space<vmem>>, vector<16xf32>,
    tpu.vector_store %arg15[%swap3A_377], %add3A_376 {strides = array<i32>} : memref<2304xf32, #tpu.memory_space<vmem>>, vector<16xf32>,
    %get3A_379 = arith.constant 352 : index
    %get3A_380 = tpu.vector_load %arg13[%get3A_379] {strides = array<i32>} : memref<768xf32, #tpu.memory_space<vmem>>, vector<16xf32>,
    %get3A_381 = arith.constant 96 : index
    %get3A_382 = tpu.vector_load %arg14[%get3A_381] {strides = array<i32>} : memref<384xf32, #tpu.memory_space<vmem>>, vector<16xf32>,
    %add3A_383 = arith.addf %get3A_380, %get3A_382 : vector<16xf32>
    %swap3A_384 = arith.constant 864 : index
    %swap3A_385 = tpu.vector_load %arg15[%swap3A_384] {strides = array<i32>} : memref<2304xf32, #tpu.memory_space<vmem>>, vector<16xf32>,
    tpu.vector_store %arg15[%swap3A_384], %add3A_383 {strides = array<i32>} : memref<2304xf32, #tpu.memory_space<vmem>>, vector<16xf32>,
    %get3A_386 = arith.constant 368 : index
    %get3A_387 = tpu.vector_load %arg13[%get3A_386] {strides = array<i32>} : memref<768xf32, #tpu.memory_space<vmem>>, vector<16xf32>,
    %get3A_388 = arith.constant 112 : index
    %get3A_389 = tpu.vector_load %arg14[%get3A_388] {strides = array<i32>} : memref<384xf32, #tpu.memory_space<vmem>>, vector<16xf32>,
    %add3A_390 = arith.addf %get3A_387, %get3A_389 : vector<16xf32>
    %swap3A_391 = arith.constant 880 : index
    %swap3A_392 = tpu.vector_load %arg15[%swap3A_391] {strides = array<i32>} : memref<2304xf32, #tpu.memory_space<vmem>>, vector<16xf32>,
    tpu.vector_store %arg15[%swap3A_391], %add3A_390 {strides = array<i32>} : memref<2304xf32, #tpu.memory_space<vmem>>, vector<16xf32>,
    %get3A_393 = arith.constant 256 : index
    %get3A_394 = tpu.vector_load %arg13[%get3A_393] {strides = array<i32>} : memref<768xf32, #tpu.memory_space<vmem>>, vector<16xf32>,
    %get3A_395 = arith.constant 128 : index
    %get3A_396 = tpu.vector_load %arg14[%get3A_395] {strides = array<i32>} : memref<384xf32, #tpu.memory_space<vmem>>, vector<16xf32>,
    %add3A_397 = arith.addf %get3A_394, %get3A_396 : vector<16xf32>
    %swap3A_398 = arith.constant 896 : index
    %swap3A_399 = tpu.vector_load %arg15[%swap3A_398] {strides = array<i32>} : memref<2304xf32, #tpu.memory_space<vmem>>, vector<16xf32>,
    tpu.vector_store %arg15[%swap3A_398], %add3A_397 {strides = array<i32>} : memref<2304xf32, #tpu.memory_space<vmem>>, vector<16xf32>,
    %get3A_400 = arith.constant 272 : index
    %get3A_401 = tpu.vector_load %arg13[%get3A_400] {strides = array<i32>} : memref<768xf32, #tpu.memory_space<vmem>>, vector<16xf32>,
    %get3A_402 = arith.constant 144 : index
    %get3A_403 = tpu.vector_load %arg14[%get3A_402] {strides = array<i32>} : memref<384xf32, #tpu.memory_space<vmem>>, vector<16xf32>,
    %add3A_404 = arith.addf %get3A_401, %get3A_403 : vector<16xf32>
    %swap3A_405 = arith.constant 912 : index
    %swap3A_406 = tpu.vector_load %arg15[%swap3A_405] {strides = array<i32>} : memref<2304xf32, #tpu.memory_space<vmem>>, vector<16xf32>,
    tpu.vector_store %arg15[%swap3A_405], %add3A_404 {strides = array<i32>} : memref<2304xf32, #tpu.memory_space<vmem>>, vector<16xf32>,
    %get3A_407 = arith.constant 288 : index
    %get3A_408 = tpu.vector_load %arg13[%get3A_407] {strides = array<i32>} : memref<768xf32, #tpu.memory_space<vmem>>, vector<16xf32>,
    %get3A_409 = arith.constant 160 : index
    %get3A_410 = tpu.vector_load %arg14[%get3A_409] {strides = array<i32>} : memref<384xf32, #tpu.memory_space<vmem>>, vector<16xf32>,
    %add3A_411 = arith.addf %get3A_408, %get3A_410 : vector<16xf32>
    %swap3A_412 = arith.constant 928 : index
    %swap3A_413 = tpu.vector_load %arg15[%swap3A_412] {strides = array<i32>} : memref<2304xf32, #tpu.memory_space<vmem>>, vector<16xf32>,
    tpu.vector_store %arg15[%swap3A_412], %add3A_411 {strides = array<i32>} : memref<2304xf32, #tpu.memory_space<vmem>>, vector<16xf32>,
    %get3A_414 = arith.constant 304 : index
    %get3A_415 = tpu.vector_load %arg13[%get3A_414] {strides = array<i32>} : memref<768xf32, #tpu.memory_space<vmem>>, vector<16xf32>,
    %get3A_416 = arith.constant 176 : index
    %get3A_417 = tpu.vector_load %arg14[%get3A_416] {strides = array<i32>} : memref<384xf32, #tpu.memory_space<vmem>>, vector<16xf32>,
    %add3A_418 = arith.addf %get3A_415, %get3A_417 : vector<16xf32>
    %swap3A_419 = arith.constant 944 : index
    %swap3A_420 = tpu.vector_load %arg15[%swap3A_419] {strides = array<i32>} : memref<2304xf32, #tpu.memory_space<vmem>>, vector<16xf32>,
    tpu.vector_store %arg15[%swap3A_419], %add3A_418 {strides = array<i32>} : memref<2304xf32, #tpu.memory_space<vmem>>, vector<16xf32>,
    %get3A_421 = arith.constant 320 : index
    %get3A_422 = tpu.vector_load %arg13[%get3A_421] {strides = array<i32>} : memref<768xf32, #tpu.memory_space<vmem>>, vector<16xf32>,
    %get3A_423 = arith.constant 192 : index
    %get3A_424 = tpu.vector_load %arg14[%get3A_423] {strides = array<i32>} : memref<384xf32, #tpu.memory_space<vmem>>, vector<16xf32>,
    %add3A_425 = arith.addf %get3A_422, %get3A_424 : vector<16xf32>
    %swap3A_426 = arith.constant 960 : index
    %swap3A_427 = tpu.vector_load %arg15[%swap3A_426] {strides = array<i32>} : memref<2304xf32, #tpu.memory_space<vmem>>, vector<16xf32>,
    tpu.vector_store %arg15[%swap3A_426], %add3A_425 {strides = array<i32>} : memref<2304xf32, #tpu.memory_space<vmem>>, vector<16xf32>,
    %get3A_428 = arith.constant 336 : index
    %get3A_429 = tpu.vector_load %arg13[%get3A_428] {strides = array<i32>} : memref<768xf32, #tpu.memory_space<vmem>>, vector<16xf32>,
    %get3A_430 = arith.constant 208 : index
    %get3A_431 = tpu.vector_load %arg14[%get3A_430] {strides = array<i32>} : memref<384xf32, #tpu.memory_space<vmem>>, vector<16xf32>,
    %add3A_432 = arith.addf %get3A_429, %get3A_431 : vector<16xf32>
    %swap3A_433 = arith.constant 976 : index
    %swap3A_434 = tpu.vector_load %arg15[%swap3A_433] {strides = array<i32>} : memref<2304xf32, #tpu.memory_space<vmem>>, vector<16xf32>,
    tpu.vector_store %arg15[%swap3A_433], %add3A_432 {strides = array<i32>} : memref<2304xf32, #tpu.memory_space<vmem>>, vector<16xf32>,
    %get3A_435 = arith.constant 352 : index
    %get3A_436 = tpu.vector_load %arg13[%get3A_435] {strides = array<i32>} : memref<768xf32, #tpu.memory_space<vmem>>, vector<16xf32>,
    %get3A_437 = arith.constant 224 : index
    %get3A_438 = tpu.vector_load %arg14[%get3A_437] {strides = array<i32>} : memref<384xf32, #tpu.memory_space<vmem>>, vector<16xf32>,
    %add3A_439 = arith.addf %get3A_436, %get3A_438 : vector<16xf32>
    %swap3A_440 = arith.constant 992 : index
    %swap3A_441 = tpu.vector_load %arg15[%swap3A_440] {strides = array<i32>} : memref<2304xf32, #tpu.memory_space<vmem>>, vector<16xf32>,
    tpu.vector_store %arg15[%swap3A_440], %add3A_439 {strides = array<i32>} : memref<2304xf32, #tpu.memory_space<vmem>>, vector<16xf32>,
    %get3A_442 = arith.constant 368 : index
    %get3A_443 = tpu.vector_load %arg13[%get3A_442] {strides = array<i32>} : memref<768xf32, #tpu.memory_space<vmem>>, vector<16xf32>,
    %get3A_444 = arith.constant 240 : index
    %get3A_445 = tpu.vector_load %arg14[%get3A_444] {strides = array<i32>} : memref<384xf32, #tpu.memory_space<vmem>>, vector<16xf32>,
    %add3A_446 = arith.addf %get3A_443, %get3A_445 : vector<16xf32>
    %swap3A_447 = arith.constant 1008 : index
    %swap3A_448 = tpu.vector_load %arg15[%swap3A_447] {strides = array<i32>} : memref<2304xf32, #tpu.memory_space<vmem>>, vector<16xf32>,
    tpu.vector_store %arg15[%swap3A_447], %add3A_446 {strides = array<i32>} : memref<2304xf32, #tpu.memory_space<vmem>>, vector<16xf32>,
    %get3A_449 = arith.constant 256 : index
    %get3A_450 = tpu.vector_load %arg13[%get3A_449] {strides = array<i32>} : memref<768xf32, #tpu.memory_space<vmem>>, vector<16xf32>,
    %get3A_451 = arith.constant 256 : index
    %get3A_452 = tpu.vector_load %arg14[%get3A_451] {strides = array<i32>} : memref<384xf32, #tpu.memory_space<vmem>>, vector<16xf32>,
    %add3A_453 = arith.addf %get3A_450, %get3A_452 : vector<16xf32>
    %swap3A_454 = arith.constant 1024 : index
    %swap3A_455 = tpu.vector_load %arg15[%swap3A_454] {strides = array<i32>} : memref<2304xf32, #tpu.memory_space<vmem>>, vector<16xf32>,
    tpu.vector_store %arg15[%swap3A_454], %add3A_453 {strides = array<i32>} : memref<2304xf32, #tpu.memory_space<vmem>>, vector<16xf32>,
    %get3A_456 = arith.constant 272 : index
    %get3A_457 = tpu.vector_load %arg13[%get3A_456] {strides = array<i32>} : memref<768xf32, #tpu.memory_space<vmem>>, vector<16xf32>,
    %get3A_458 = arith.constant 272 : index
    %get3A_459 = tpu.vector_load %arg14[%get3A_458] {strides = array<i32>} : memref<384xf32, #tpu.memory_space<vmem>>, vector<16xf32>,
    %add3A_460 = arith.addf %get3A_457, %get3A_459 : vector<16xf32>
    %swap3A_461 = arith.constant 1040 : index
    %swap3A_462 = tpu.vector_load %arg15[%swap3A_461] {strides = array<i32>} : memref<2304xf32, #tpu.memory_space<vmem>>, vector<16xf32>,
    tpu.vector_store %arg15[%swap3A_461], %add3A_460 {strides = array<i32>} : memref<2304xf32, #tpu.memory_space<vmem>>, vector<16xf32>,
    %get3A_463 = arith.constant 288 : index
    %get3A_464 = tpu.vector_load %arg13[%get3A_463] {strides = array<i32>} : memref<768xf32, #tpu.memory_space<vmem>>, vector<16xf32>,
    %get3A_465 = arith.constant 288 : index
    %get3A_466 = tpu.vector_load %arg14[%get3A_465] {strides = array<i32>} : memref<384xf32, #tpu.memory_space<vmem>>, vector<16xf32>,
    %add3A_467 = arith.addf %get3A_464, %get3A_466 : vector<16xf32>
    %swap3A_468 = arith.constant 1056 : index
    %swap3A_469 = tpu.vector_load %arg15[%swap3A_468] {strides = array<i32>} : memref<2304xf32, #tpu.memory_space<vmem>>, vector<16xf32>,
    tpu.vector_store %arg15[%swap3A_468], %add3A_467 {strides = array<i32>} : memref<2304xf32, #tpu.memory_space<vmem>>, vector<16xf32>,
    %get3A_470 = arith.constant 304 : index
    %get3A_471 = tpu.vector_load %arg13[%get3A_470] {strides = array<i32>} : memref<768xf32, #tpu.memory_space<vmem>>, vector<16xf32>,
    %get3A_472 = arith.constant 304 : index
    %get3A_473 = tpu.vector_load %arg14[%get3A_472] {strides = array<i32>} : memref<384xf32, #tpu.memory_space<vmem>>, vector<16xf32>,
    %add3A_474 = arith.addf %get3A_471, %get3A_473 : vector<16xf32>
    %swap3A_475 = arith.constant 1072 : index
    %swap3A_476 = tpu.vector_load %arg15[%swap3A_475] {strides = array<i32>} : memref<2304xf32, #tpu.memory_space<vmem>>, vector<16xf32>,
    tpu.vector_store %arg15[%swap3A_475], %add3A_474 {strides = array<i32>} : memref<2304xf32, #tpu.memory_space<vmem>>, vector<16xf32>,
    %get3A_477 = arith.constant 320 : index
    %get3A_478 = tpu.vector_load %arg13[%get3A_477] {strides = array<i32>} : memref<768xf32, #tpu.memory_space<vmem>>, vector<16xf32>,
    %get3A_479 = arith.constant 320 : index
    %get3A_480 = tpu.vector_load %arg14[%get3A_479] {strides = array<i32>} : memref<384xf32, #tpu.memory_space<vmem>>, vector<16xf32>,
    %add3A_481 = arith.addf %get3A_478, %get3A_480 : vector<16xf32>
    %swap3A_482 = arith.constant 1088 : index
    %swap3A_483 = tpu.vector_load %arg15[%swap3A_482] {strides = array<i32>} : memref<2304xf32, #tpu.memory_space<vmem>>, vector<16xf32>,
    tpu.vector_store %arg15[%swap3A_482], %add3A_481 {strides = array<i32>} : memref<2304xf32, #tpu.memory_space<vmem>>, vector<16xf32>,
    %get3A_484 = arith.constant 336 : index
    %get3A_485 = tpu.vector_load %arg13[%get3A_484] {strides = array<i32>} : memref<768xf32, #tpu.memory_space<vmem>>, vector<16xf32>,
    %get3A_486 = arith.constant 336 : index
    %get3A_487 = tpu.vector_load %arg14[%get3A_486] {strides = array<i32>} : memref<384xf32, #tpu.memory_space<vmem>>, vector<16xf32>,
    %add3A_488 = arith.addf %get3A_485, %get3A_487 : vector<16xf32>
    %swap3A_489 = arith.constant 1104 : index
    %swap3A_490 = tpu.vector_load %arg15[%swap3A_489] {strides = array<i32>} : memref<2304xf32, #tpu.memory_space<vmem>>, vector<16xf32>,
    tpu.vector_store %arg15[%swap3A_489], %add3A_488 {strides = array<i32>} : memref<2304xf32, #tpu.memory_space<vmem>>, vector<16xf32>,
    %get3A_491 = arith.constant 352 : index
    %get3A_492 = tpu.vector_load %arg13[%get3A_491] {strides = array<i32>} : memref<768xf32, #tpu.memory_space<vmem>>, vector<16xf32>,
    %get3A_493 = arith.constant 352 : index
    %get3A_494 = tpu.vector_load %arg14[%get3A_493] {strides = array<i32>} : memref<384xf32, #tpu.memory_space<vmem>>, vector<16xf32>,
    %add3A_495 = arith.addf %get3A_492, %get3A_494 : vector<16xf32>
    %swap3A_496 = arith.constant 1120 : index
    %swap3A_497 = tpu.vector_load %arg15[%swap3A_496] {strides = array<i32>} : memref<2304xf32, #tpu.memory_space<vmem>>, vector<16xf32>,
    tpu.vector_store %arg15[%swap3A_496], %add3A_495 {strides = array<i32>} : memref<2304xf32, #tpu.memory_space<vmem>>, vector<16xf32>,
    %get3A_498 = arith.constant 368 : index
    %get3A_499 = tpu.vector_load %arg13[%get3A_498] {strides = array<i32>} : memref<768xf32, #tpu.memory_space<vmem>>, vector<16xf32>,
    %get3A_500 = arith.constant 368 : index
    %get3A_501 = tpu.vector_load %arg14[%get3A_500] {strides = array<i32>} : memref<384xf32, #tpu.memory_space<vmem>>, vector<16xf32>,
    %add3A_502 = arith.addf %get3A_499, %get3A_501 : vector<16xf32>
    %swap3A_503 = arith.constant 1136 : index
    %swap3A_504 = tpu.vector_load %arg15[%swap3A_503] {strides = array<i32>} : memref<2304xf32, #tpu.memory_space<vmem>>, vector<16xf32>,
    tpu.vector_store %arg15[%swap3A_503], %add3A_502 {strides = array<i32>} : memref<2304xf32, #tpu.memory_space<vmem>>, vector<16xf32>,
    %get3A_505 = arith.constant 384 : index
    %get3A_506 = tpu.vector_load %arg13[%get3A_505] {strides = array<i32>} : memref<768xf32, #tpu.memory_space<vmem>>, vector<16xf32>,
    %get3A_507 = arith.constant 0 : index
    %get3A_508 = tpu.vector_load %arg14[%get3A_507] {strides = array<i32>} : memref<384xf32, #tpu.memory_space<vmem>>, vector<16xf32>,
    %add3A_509 = arith.addf %get3A_506, %get3A_508 : vector<16xf32>
    %swap3A_510 = arith.constant 1152 : index
    %swap3A_511 = tpu.vector_load %arg15[%swap3A_510] {strides = array<i32>} : memref<2304xf32, #tpu.memory_space<vmem>>, vector<16xf32>,
    tpu.vector_store %arg15[%swap3A_510], %add3A_509 {strides = array<i32>} : memref<2304xf32, #tpu.memory_space<vmem>>, vector<16xf32>,
    %get3A_512 = arith.constant 400 : index
    %get3A_513 = tpu.vector_load %arg13[%get3A_512] {strides = array<i32>} : memref<768xf32, #tpu.memory_space<vmem>>, vector<16xf32>,
    %get3A_514 = arith.constant 16 : index
    %get3A_515 = tpu.vector_load %arg14[%get3A_514] {strides = array<i32>} : memref<384xf32, #tpu.memory_space<vmem>>, vector<16xf32>,
    %add3A_516 = arith.addf %get3A_513, %get3A_515 : vector<16xf32>
    %swap3A_517 = arith.constant 1168 : index
    %swap3A_518 = tpu.vector_load %arg15[%swap3A_517] {strides = array<i32>} : memref<2304xf32, #tpu.memory_space<vmem>>, vector<16xf32>,
    tpu.vector_store %arg15[%swap3A_517], %add3A_516 {strides = array<i32>} : memref<2304xf32, #tpu.memory_space<vmem>>, vector<16xf32>,
    %get3A_519 = arith.constant 416 : index
    %get3A_520 = tpu.vector_load %arg13[%get3A_519] {strides = array<i32>} : memref<768xf32, #tpu.memory_space<vmem>>, vector<16xf32>,
    %get3A_521 = arith.constant 32 : index
    %get3A_522 = tpu.vector_load %arg14[%get3A_521] {strides = array<i32>} : memref<384xf32, #tpu.memory_space<vmem>>, vector<16xf32>,
    %add3A_523 = arith.addf %get3A_520, %get3A_522 : vector<16xf32>
    %swap3A_524 = arith.constant 1184 : index
    %swap3A_525 = tpu.vector_load %arg15[%swap3A_524] {strides = array<i32>} : memref<2304xf32, #tpu.memory_space<vmem>>, vector<16xf32>,
    tpu.vector_store %arg15[%swap3A_524], %add3A_523 {strides = array<i32>} : memref<2304xf32, #tpu.memory_space<vmem>>, vector<16xf32>,
    %get3A_526 = arith.constant 432 : index
    %get3A_527 = tpu.vector_load %arg13[%get3A_526] {strides = array<i32>} : memref<768xf32, #tpu.memory_space<vmem>>, vector<16xf32>,
    %get3A_528 = arith.constant 48 : index
    %get3A_529 = tpu.vector_load %arg14[%get3A_528] {strides = array<i32>} : memref<384xf32, #tpu.memory_space<vmem>>, vector<16xf32>,
    %add3A_530 = arith.addf %get3A_527, %get3A_529 : vector<16xf32>
    %swap3A_531 = arith.constant 1200 : index
    %swap3A_532 = tpu.vector_load %arg15[%swap3A_531] {strides = array<i32>} : memref<2304xf32, #tpu.memory_space<vmem>>, vector<16xf32>,
    tpu.vector_store %arg15[%swap3A_531], %add3A_530 {strides = array<i32>} : memref<2304xf32, #tpu.memory_space<vmem>>, vector<16xf32>,
    %get3A_533 = arith.constant 448 : index
    %get3A_534 = tpu.vector_load %arg13[%get3A_533] {strides = array<i32>} : memref<768xf32, #tpu.memory_space<vmem>>, vector<16xf32>,
    %get3A_535 = arith.constant 64 : index
    %get3A_536 = tpu.vector_load %arg14[%get3A_535] {strides = array<i32>} : memref<384xf32, #tpu.memory_space<vmem>>, vector<16xf32>,
    %add3A_537 = arith.addf %get3A_534, %get3A_536 : vector<16xf32>
    %swap3A_538 = arith.constant 1216 : index
    %swap3A_539 = tpu.vector_load %arg15[%swap3A_538] {strides = array<i32>} : memref<2304xf32, #tpu.memory_space<vmem>>, vector<16xf32>,
    tpu.vector_store %arg15[%swap3A_538], %add3A_537 {strides = array<i32>} : memref<2304xf32, #tpu.memory_space<vmem>>, vector<16xf32>,
    %get3A_540 = arith.constant 464 : index
    %get3A_541 = tpu.vector_load %arg13[%get3A_540] {strides = array<i32>} : memref<768xf32, #tpu.memory_space<vmem>>, vector<16xf32>,
    %get3A_542 = arith.constant 80 : index
    %get3A_543 = tpu.vector_load %arg14[%get3A_542] {strides = array<i32>} : memref<384xf32, #tpu.memory_space<vmem>>, vector<16xf32>,
    %add3A_544 = arith.addf %get3A_541, %get3A_543 : vector<16xf32>
    %swap3A_545 = arith.constant 1232 : index
    %swap3A_546 = tpu.vector_load %arg15[%swap3A_545] {strides = array<i32>} : memref<2304xf32, #tpu.memory_space<vmem>>, vector<16xf32>,
    tpu.vector_store %arg15[%swap3A_545], %add3A_544 {strides = array<i32>} : memref<2304xf32, #tpu.memory_space<vmem>>, vector<16xf32>,
    %get3A_547 = arith.constant 480 : index
    %get3A_548 = tpu.vector_load %arg13[%get3A_547] {strides = array<i32>} : memref<768xf32, #tpu.memory_space<vmem>>, vector<16xf32>,
    %get3A_549 = arith.constant 96 : index
    %get3A_550 = tpu.vector_load %arg14[%get3A_549] {strides = array<i32>} : memref<384xf32, #tpu.memory_space<vmem>>, vector<16xf32>,
    %add3A_551 = arith.addf %get3A_548, %get3A_550 : vector<16xf32>
    %swap3A_552 = arith.constant 1248 : index
    %swap3A_553 = tpu.vector_load %arg15[%swap3A_552] {strides = array<i32>} : memref<2304xf32, #tpu.memory_space<vmem>>, vector<16xf32>,
    tpu.vector_store %arg15[%swap3A_552], %add3A_551 {strides = array<i32>} : memref<2304xf32, #tpu.memory_space<vmem>>, vector<16xf32>,
    %get3A_554 = arith.constant 496 : index
    %get3A_555 = tpu.vector_load %arg13[%get3A_554] {strides = array<i32>} : memref<768xf32, #tpu.memory_space<vmem>>, vector<16xf32>,
    %get3A_556 = arith.constant 112 : index
    %get3A_557 = tpu.vector_load %arg14[%get3A_556] {strides = array<i32>} : memref<384xf32, #tpu.memory_space<vmem>>, vector<16xf32>,
    %add3A_558 = arith.addf %get3A_555, %get3A_557 : vector<16xf32>
    %swap3A_559 = arith.constant 1264 : index
    %swap3A_560 = tpu.vector_load %arg15[%swap3A_559] {strides = array<i32>} : memref<2304xf32, #tpu.memory_space<vmem>>, vector<16xf32>,
    tpu.vector_store %arg15[%swap3A_559], %add3A_558 {strides = array<i32>} : memref<2304xf32, #tpu.memory_space<vmem>>, vector<16xf32>,
    %get3A_561 = arith.constant 384 : index
    %get3A_562 = tpu.vector_load %arg13[%get3A_561] {strides = array<i32>} : memref<768xf32, #tpu.memory_space<vmem>>, vector<16xf32>,
    %get3A_563 = arith.constant 128 : index
    %get3A_564 = tpu.vector_load %arg14[%get3A_563] {strides = array<i32>} : memref<384xf32, #tpu.memory_space<vmem>>, vector<16xf32>,
    %add3A_565 = arith.addf %get3A_562, %get3A_564 : vector<16xf32>
    %swap3A_566 = arith.constant 1280 : index
    %swap3A_567 = tpu.vector_load %arg15[%swap3A_566] {strides = array<i32>} : memref<2304xf32, #tpu.memory_space<vmem>>, vector<16xf32>,
    tpu.vector_store %arg15[%swap3A_566], %add3A_565 {strides = array<i32>} : memref<2304xf32, #tpu.memory_space<vmem>>, vector<16xf32>,
    %get3A_568 = arith.constant 400 : index
    %get3A_569 = tpu.vector_load %arg13[%get3A_568] {strides = array<i32>} : memref<768xf32, #tpu.memory_space<vmem>>, vector<16xf32>,
    %get3A_570 = arith.constant 144 : index
    %get3A_571 = tpu.vector_load %arg14[%get3A_570] {strides = array<i32>} : memref<384xf32, #tpu.memory_space<vmem>>, vector<16xf32>,
    %add3A_572 = arith.addf %get3A_569, %get3A_571 : vector<16xf32>
    %swap3A_573 = arith.constant 1296 : index
    %swap3A_574 = tpu.vector_load %arg15[%swap3A_573] {strides = array<i32>} : memref<2304xf32, #tpu.memory_space<vmem>>, vector<16xf32>,
    tpu.vector_store %arg15[%swap3A_573], %add3A_572 {strides = array<i32>} : memref<2304xf32, #tpu.memory_space<vmem>>, vector<16xf32>,
    %get3A_575 = arith.constant 416 : index
    %get3A_576 = tpu.vector_load %arg13[%get3A_575] {strides = array<i32>} : memref<768xf32, #tpu.memory_space<vmem>>, vector<16xf32>,
    %get3A_577 = arith.constant 160 : index
    %get3A_578 = tpu.vector_load %arg14[%get3A_577] {strides = array<i32>} : memref<384xf32, #tpu.memory_space<vmem>>, vector<16xf32>,
    %add3A_579 = arith.addf %get3A_576, %get3A_578 : vector<16xf32>
    %swap3A_580 = arith.constant 1312 : index
    %swap3A_581 = tpu.vector_load %arg15[%swap3A_580] {strides = array<i32>} : memref<2304xf32, #tpu.memory_space<vmem>>, vector<16xf32>,
    tpu.vector_store %arg15[%swap3A_580], %add3A_579 {strides = array<i32>} : memref<2304xf32, #tpu.memory_space<vmem>>, vector<16xf32>,
    %get3A_582 = arith.constant 432 : index
    %get3A_583 = tpu.vector_load %arg13[%get3A_582] {strides = array<i32>} : memref<768xf32, #tpu.memory_space<vmem>>, vector<16xf32>,
    %get3A_584 = arith.constant 176 : index
    %get3A_585 = tpu.vector_load %arg14[%get3A_584] {strides = array<i32>} : memref<384xf32, #tpu.memory_space<vmem>>, vector<16xf32>,
    %add3A_586 = arith.addf %get3A_583, %get3A_585 : vector<16xf32>
    %swap3A_587 = arith.constant 1328 : index
    %swap3A_588 = tpu.vector_load %arg15[%swap3A_587] {strides = array<i32>} : memref<2304xf32, #tpu.memory_space<vmem>>, vector<16xf32>,
    tpu.vector_store %arg15[%swap3A_587], %add3A_586 {strides = array<i32>} : memref<2304xf32, #tpu.memory_space<vmem>>, vector<16xf32>,
    %get3A_589 = arith.constant 448 : index
    %get3A_590 = tpu.vector_load %arg13[%get3A_589] {strides = array<i32>} : memref<768xf32, #tpu.memory_space<vmem>>, vector<16xf32>,
    %get3A_591 = arith.constant 192 : index
    %get3A_592 = tpu.vector_load %arg14[%get3A_591] {strides = array<i32>} : memref<384xf32, #tpu.memory_space<vmem>>, vector<16xf32>,
    %add3A_593 = arith.addf %get3A_590, %get3A_592 : vector<16xf32>
    %swap3A_594 = arith.constant 1344 : index
    %swap3A_595 = tpu.vector_load %arg15[%swap3A_594] {strides = array<i32>} : memref<2304xf32, #tpu.memory_space<vmem>>, vector<16xf32>,
    tpu.vector_store %arg15[%swap3A_594], %add3A_593 {strides = array<i32>} : memref<2304xf32, #tpu.memory_space<vmem>>, vector<16xf32>,
    %get3A_596 = arith.constant 464 : index
    %get3A_597 = tpu.vector_load %arg13[%get3A_596] {strides = array<i32>} : memref<768xf32, #tpu.memory_space<vmem>>, vector<16xf32>,
    %get3A_598 = arith.constant 208 : index
    %get3A_599 = tpu.vector_load %arg14[%get3A_598] {strides = array<i32>} : memref<384xf32, #tpu.memory_space<vmem>>, vector<16xf32>,
    %add3A_600 = arith.addf %get3A_597, %get3A_599 : vector<16xf32>
    %swap3A_601 = arith.constant 1360 : index
    %swap3A_602 = tpu.vector_load %arg15[%swap3A_601] {strides = array<i32>} : memref<2304xf32, #tpu.memory_space<vmem>>, vector<16xf32>,
    tpu.vector_store %arg15[%swap3A_601], %add3A_600 {strides = array<i32>} : memref<2304xf32, #tpu.memory_space<vmem>>, vector<16xf32>,
    %get3A_603 = arith.constant 480 : index
    %get3A_604 = tpu.vector_load %arg13[%get3A_603] {strides = array<i32>} : memref<768xf32, #tpu.memory_space<vmem>>, vector<16xf32>,
    %get3A_605 = arith.constant 224 : index
    %get3A_606 = tpu.vector_load %arg14[%get3A_605] {strides = array<i32>} : memref<384xf32, #tpu.memory_space<vmem>>, vector<16xf32>,
    %add3A_607 = arith.addf %get3A_604, %get3A_606 : vector<16xf32>
    %swap3A_608 = arith.constant 1376 : index
    %swap3A_609 = tpu.vector_load %arg15[%swap3A_608] {strides = array<i32>} : memref<2304xf32, #tpu.memory_space<vmem>>, vector<16xf32>,
    tpu.vector_store %arg15[%swap3A_608], %add3A_607 {strides = array<i32>} : memref<2304xf32, #tpu.memory_space<vmem>>, vector<16xf32>,
    %get3A_610 = arith.constant 496 : index
    %get3A_611 = tpu.vector_load %arg13[%get3A_610] {strides = array<i32>} : memref<768xf32, #tpu.memory_space<vmem>>, vector<16xf32>,
    %get3A_612 = arith.constant 240 : index
    %get3A_613 = tpu.vector_load %arg14[%get3A_612] {strides = array<i32>} : memref<384xf32, #tpu.memory_space<vmem>>, vector<16xf32>,
    %add3A_614 = arith.addf %get3A_611, %get3A_613 : vector<16xf32>
    %swap3A_615 = arith.constant 1392 : index
    %swap3A_616 = tpu.vector_load %arg15[%swap3A_615] {strides = array<i32>} : memref<2304xf32, #tpu.memory_space<vmem>>, vector<16xf32>,
    tpu.vector_store %arg15[%swap3A_615], %add3A_614 {strides = array<i32>} : memref<2304xf32, #tpu.memory_space<vmem>>, vector<16xf32>,
    %get3A_617 = arith.constant 384 : index
    %get3A_618 = tpu.vector_load %arg13[%get3A_617] {strides = array<i32>} : memref<768xf32, #tpu.memory_space<vmem>>, vector<16xf32>,
    %get3A_619 = arith.constant 256 : index
    %get3A_620 = tpu.vector_load %arg14[%get3A_619] {strides = array<i32>} : memref<384xf32, #tpu.memory_space<vmem>>, vector<16xf32>,
    %add3A_621 = arith.addf %get3A_618, %get3A_620 : vector<16xf32>
    %swap3A_622 = arith.constant 1408 : index
    %swap3A_623 = tpu.vector_load %arg15[%swap3A_622] {strides = array<i32>} : memref<2304xf32, #tpu.memory_space<vmem>>, vector<16xf32>,
    tpu.vector_store %arg15[%swap3A_622], %add3A_621 {strides = array<i32>} : memref<2304xf32, #tpu.memory_space<vmem>>, vector<16xf32>,
    %get3A_624 = arith.constant 400 : index
    %get3A_625 = tpu.vector_load %arg13[%get3A_624] {strides = array<i32>} : memref<768xf32, #tpu.memory_space<vmem>>, vector<16xf32>,
    %get3A_626 = arith.constant 272 : index
    %get3A_627 = tpu.vector_load %arg14[%get3A_626] {strides = array<i32>} : memref<384xf32, #tpu.memory_space<vmem>>, vector<16xf32>,
    %add3A_628 = arith.addf %get3A_625, %get3A_627 : vector<16xf32>
    %swap3A_629 = arith.constant 1424 : index
    %swap3A_630 = tpu.vector_load %arg15[%swap3A_629] {strides = array<i32>} : memref<2304xf32, #tpu.memory_space<vmem>>, vector<16xf32>,
    tpu.vector_store %arg15[%swap3A_629], %add3A_628 {strides = array<i32>} : memref<2304xf32, #tpu.memory_space<vmem>>, vector<16xf32>,
    %get3A_631 = arith.constant 416 : index
    %get3A_632 = tpu.vector_load %arg13[%get3A_631] {strides = array<i32>} : memref<768xf32, #tpu.memory_space<vmem>>, vector<16xf32>,
    %get3A_633 = arith.constant 288 : index
    %get3A_634 = tpu.vector_load %arg14[%get3A_633] {strides = array<i32>} : memref<384xf32, #tpu.memory_space<vmem>>, vector<16xf32>,
    %add3A_635 = arith.addf %get3A_632, %get3A_634 : vector<16xf32>
    %swap3A_636 = arith.constant 1440 : index
    %swap3A_637 = tpu.vector_load %arg15[%swap3A_636] {strides = array<i32>} : memref<2304xf32, #tpu.memory_space<vmem>>, vector<16xf32>,
    tpu.vector_store %arg15[%swap3A_636], %add3A_635 {strides = array<i32>} : memref<2304xf32, #tpu.memory_space<vmem>>, vector<16xf32>,
    %get3A_638 = arith.constant 432 : index
    %get3A_639 = tpu.vector_load %arg13[%get3A_638] {strides = array<i32>} : memref<768xf32, #tpu.memory_space<vmem>>, vector<16xf32>,
    %get3A_640 = arith.constant 304 : index
    %get3A_641 = tpu.vector_load %arg14[%get3A_640] {strides = array<i32>} : memref<384xf32, #tpu.memory_space<vmem>>, vector<16xf32>,
    %add3A_642 = arith.addf %get3A_639, %get3A_641 : vector<16xf32>
    %swap3A_643 = arith.constant 1456 : index
    %swap3A_644 = tpu.vector_load %arg15[%swap3A_643] {strides = array<i32>} : memref<2304xf32, #tpu.memory_space<vmem>>, vector<16xf32>,
    tpu.vector_store %arg15[%swap3A_643], %add3A_642 {strides = array<i32>} : memref<2304xf32, #tpu.memory_space<vmem>>, vector<16xf32>,
    %get3A_645 = arith.constant 448 : index
    %get3A_646 = tpu.vector_load %arg13[%get3A_645] {strides = array<i32>} : memref<768xf32, #tpu.memory_space<vmem>>, vector<16xf32>,
    %get3A_647 = arith.constant 320 : index
    %get3A_648 = tpu.vector_load %arg14[%get3A_647] {strides = array<i32>} : memref<384xf32, #tpu.memory_space<vmem>>, vector<16xf32>,
    %add3A_649 = arith.addf %get3A_646, %get3A_648 : vector<16xf32>
    %swap3A_650 = arith.constant 1472 : index
    %swap3A_651 = tpu.vector_load %arg15[%swap3A_650] {strides = array<i32>} : memref<2304xf32, #tpu.memory_space<vmem>>, vector<16xf32>,
    tpu.vector_store %arg15[%swap3A_650], %add3A_649 {strides = array<i32>} : memref<2304xf32, #tpu.memory_space<vmem>>, vector<16xf32>,
    %get3A_652 = arith.constant 464 : index
    %get3A_653 = tpu.vector_load %arg13[%get3A_652] {strides = array<i32>} : memref<768xf32, #tpu.memory_space<vmem>>, vector<16xf32>,
    %get3A_654 = arith.constant 336 : index
    %get3A_655 = tpu.vector_load %arg14[%get3A_654] {strides = array<i32>} : memref<384xf32, #tpu.memory_space<vmem>>, vector<16xf32>,
    %add3A_656 = arith.addf %get3A_653, %get3A_655 : vector<16xf32>
    %swap3A_657 = arith.constant 1488 : index
    %swap3A_658 = tpu.vector_load %arg15[%swap3A_657] {strides = array<i32>} : memref<2304xf32, #tpu.memory_space<vmem>>, vector<16xf32>,
    tpu.vector_store %arg15[%swap3A_657], %add3A_656 {strides = array<i32>} : memref<2304xf32, #tpu.memory_space<vmem>>, vector<16xf32>,
    %get3A_659 = arith.constant 480 : index
    %get3A_660 = tpu.vector_load %arg13[%get3A_659] {strides = array<i32>} : memref<768xf32, #tpu.memory_space<vmem>>, vector<16xf32>,
    %get3A_661 = arith.constant 352 : index
    %get3A_662 = tpu.vector_load %arg14[%get3A_661] {strides = array<i32>} : memref<384xf32, #tpu.memory_space<vmem>>, vector<16xf32>,
    %add3A_663 = arith.addf %get3A_660, %get3A_662 : vector<16xf32>
    %swap3A_664 = arith.constant 1504 : index
    %swap3A_665 = tpu.vector_load %arg15[%swap3A_664] {strides = array<i32>} : memref<2304xf32, #tpu.memory_space<vmem>>, vector<16xf32>,
    tpu.vector_store %arg15[%swap3A_664], %add3A_663 {strides = array<i32>} : memref<2304xf32, #tpu.memory_space<vmem>>, vector<16xf32>,
    %get3A_666 = arith.constant 496 : index
    %get3A_667 = tpu.vector_load %arg13[%get3A_666] {strides = array<i32>} : memref<768xf32, #tpu.memory_space<vmem>>, vector<16xf32>,
    %get3A_668 = arith.constant 368 : index
    %get3A_669 = tpu.vector_load %arg14[%get3A_668] {strides = array<i32>} : memref<384xf32, #tpu.memory_space<vmem>>, vector<16xf32>,
    %add3A_670 = arith.addf %get3A_667, %get3A_669 : vector<16xf32>
    %swap3A_671 = arith.constant 1520 : index
    %swap3A_672 = tpu.vector_load %arg15[%swap3A_671] {strides = array<i32>} : memref<2304xf32, #tpu.memory_space<vmem>>, vector<16xf32>,
    tpu.vector_store %arg15[%swap3A_671], %add3A_670 {strides = array<i32>} : memref<2304xf32, #tpu.memory_space<vmem>>, vector<16xf32>,
    %get3A_673 = arith.constant 512 : index
    %get3A_674 = tpu.vector_load %arg13[%get3A_673] {strides = array<i32>} : memref<768xf32, #tpu.memory_space<vmem>>, vector<16xf32>,
    %get3A_675 = arith.constant 0 : index
    %get3A_676 = tpu.vector_load %arg14[%get3A_675] {strides = array<i32>} : memref<384xf32, #tpu.memory_space<vmem>>, vector<16xf32>,
    %add3A_677 = arith.addf %get3A_674, %get3A_676 : vector<16xf32>
    %swap3A_678 = arith.constant 1536 : index
    %swap3A_679 = tpu.vector_load %arg15[%swap3A_678] {strides = array<i32>} : memref<2304xf32, #tpu.memory_space<vmem>>, vector<16xf32>,
    tpu.vector_store %arg15[%swap3A_678], %add3A_677 {strides = array<i32>} : memref<2304xf32, #tpu.memory_space<vmem>>, vector<16xf32>,
    %get3A_680 = arith.constant 528 : index
    %get3A_681 = tpu.vector_load %arg13[%get3A_680] {strides = array<i32>} : memref<768xf32, #tpu.memory_space<vmem>>, vector<16xf32>,
    %get3A_682 = arith.constant 16 : index
    %get3A_683 = tpu.vector_load %arg14[%get3A_682] {strides = array<i32>} : memref<384xf32, #tpu.memory_space<vmem>>, vector<16xf32>,
    %add3A_684 = arith.addf %get3A_681, %get3A_683 : vector<16xf32>
    %swap3A_685 = arith.constant 1552 : index
    %swap3A_686 = tpu.vector_load %arg15[%swap3A_685] {strides = array<i32>} : memref<2304xf32, #tpu.memory_space<vmem>>, vector<16xf32>,
    tpu.vector_store %arg15[%swap3A_685], %add3A_684 {strides = array<i32>} : memref<2304xf32, #tpu.memory_space<vmem>>, vector<16xf32>,
    %get3A_687 = arith.constant 544 : index
    %get3A_688 = tpu.vector_load %arg13[%get3A_687] {strides = array<i32>} : memref<768xf32, #tpu.memory_space<vmem>>, vector<16xf32>,
    %get3A_689 = arith.constant 32 : index
    %get3A_690 = tpu.vector_load %arg14[%get3A_689] {strides = array<i32>} : memref<384xf32, #tpu.memory_space<vmem>>, vector<16xf32>,
    %add3A_691 = arith.addf %get3A_688, %get3A_690 : vector<16xf32>
    %swap3A_692 = arith.constant 1568 : index
    %swap3A_693 = tpu.vector_load %arg15[%swap3A_692] {strides = array<i32>} : memref<2304xf32, #tpu.memory_space<vmem>>, vector<16xf32>,
    tpu.vector_store %arg15[%swap3A_692], %add3A_691 {strides = array<i32>} : memref<2304xf32, #tpu.memory_space<vmem>>, vector<16xf32>,
    %get3A_694 = arith.constant 560 : index
    %get3A_695 = tpu.vector_load %arg13[%get3A_694] {strides = array<i32>} : memref<768xf32, #tpu.memory_space<vmem>>, vector<16xf32>,
    %get3A_696 = arith.constant 48 : index
    %get3A_697 = tpu.vector_load %arg14[%get3A_696] {strides = array<i32>} : memref<384xf32, #tpu.memory_space<vmem>>, vector<16xf32>,
    %add3A_698 = arith.addf %get3A_695, %get3A_697 : vector<16xf32>
    %swap3A_699 = arith.constant 1584 : index
    %swap3A_700 = tpu.vector_load %arg15[%swap3A_699] {strides = array<i32>} : memref<2304xf32, #tpu.memory_space<vmem>>, vector<16xf32>,
    tpu.vector_store %arg15[%swap3A_699], %add3A_698 {strides = array<i32>} : memref<2304xf32, #tpu.memory_space<vmem>>, vector<16xf32>,
    %get3A_701 = arith.constant 576 : index
    %get3A_702 = tpu.vector_load %arg13[%get3A_701] {strides = array<i32>} : memref<768xf32, #tpu.memory_space<vmem>>, vector<16xf32>,
    %get3A_703 = arith.constant 64 : index
    %get3A_704 = tpu.vector_load %arg14[%get3A_703] {strides = array<i32>} : memref<384xf32, #tpu.memory_space<vmem>>, vector<16xf32>,
    %add3A_705 = arith.addf %get3A_702, %get3A_704 : vector<16xf32>
    %swap3A_706 = arith.constant 1600 : index
    %swap3A_707 = tpu.vector_load %arg15[%swap3A_706] {strides = array<i32>} : memref<2304xf32, #tpu.memory_space<vmem>>, vector<16xf32>,
    tpu.vector_store %arg15[%swap3A_706], %add3A_705 {strides = array<i32>} : memref<2304xf32, #tpu.memory_space<vmem>>, vector<16xf32>,
    %get3A_708 = arith.constant 592 : index
    %get3A_709 = tpu.vector_load %arg13[%get3A_708] {strides = array<i32>} : memref<768xf32, #tpu.memory_space<vmem>>, vector<16xf32>,
    %get3A_710 = arith.constant 80 : index
    %get3A_711 = tpu.vector_load %arg14[%get3A_710] {strides = array<i32>} : memref<384xf32, #tpu.memory_space<vmem>>, vector<16xf32>,
    %add3A_712 = arith.addf %get3A_709, %get3A_711 : vector<16xf32>
    %swap3A_713 = arith.constant 1616 : index
    %swap3A_714 = tpu.vector_load %arg15[%swap3A_713] {strides = array<i32>} : memref<2304xf32, #tpu.memory_space<vmem>>, vector<16xf32>,
    tpu.vector_store %arg15[%swap3A_713], %add3A_712 {strides = array<i32>} : memref<2304xf32, #tpu.memory_space<vmem>>, vector<16xf32>,
    %get3A_715 = arith.constant 608 : index
    %get3A_716 = tpu.vector_load %arg13[%get3A_715] {strides = array<i32>} : memref<768xf32, #tpu.memory_space<vmem>>, vector<16xf32>,
    %get3A_717 = arith.constant 96 : index
    %get3A_718 = tpu.vector_load %arg14[%get3A_717] {strides = array<i32>} : memref<384xf32, #tpu.memory_space<vmem>>, vector<16xf32>,
    %add3A_719 = arith.addf %get3A_716, %get3A_718 : vector<16xf32>
    %swap3A_720 = arith.constant 1632 : index
    %swap3A_721 = tpu.vector_load %arg15[%swap3A_720] {strides = array<i32>} : memref<2304xf32, #tpu.memory_space<vmem>>, vector<16xf32>,
    tpu.vector_store %arg15[%swap3A_720], %add3A_719 {strides = array<i32>} : memref<2304xf32, #tpu.memory_space<vmem>>, vector<16xf32>,
    %get3A_722 = arith.constant 624 : index
    %get3A_723 = tpu.vector_load %arg13[%get3A_722] {strides = array<i32>} : memref<768xf32, #tpu.memory_space<vmem>>, vector<16xf32>,
    %get3A_724 = arith.constant 112 : index
    %get3A_725 = tpu.vector_load %arg14[%get3A_724] {strides = array<i32>} : memref<384xf32, #tpu.memory_space<vmem>>, vector<16xf32>,
    %add3A_726 = arith.addf %get3A_723, %get3A_725 : vector<16xf32>
    %swap3A_727 = arith.constant 1648 : index
    %swap3A_728 = tpu.vector_load %arg15[%swap3A_727] {strides = array<i32>} : memref<2304xf32, #tpu.memory_space<vmem>>, vector<16xf32>,
    tpu.vector_store %arg15[%swap3A_727], %add3A_726 {strides = array<i32>} : memref<2304xf32, #tpu.memory_space<vmem>>, vector<16xf32>,
    %get3A_729 = arith.constant 512 : index
    %get3A_730 = tpu.vector_load %arg13[%get3A_729] {strides = array<i32>} : memref<768xf32, #tpu.memory_space<vmem>>, vector<16xf32>,
    %get3A_731 = arith.constant 128 : index
    %get3A_732 = tpu.vector_load %arg14[%get3A_731] {strides = array<i32>} : memref<384xf32, #tpu.memory_space<vmem>>, vector<16xf32>,
    %add3A_733 = arith.addf %get3A_730, %get3A_732 : vector<16xf32>
    %swap3A_734 = arith.constant 1664 : index
    %swap3A_735 = tpu.vector_load %arg15[%swap3A_734] {strides = array<i32>} : memref<2304xf32, #tpu.memory_space<vmem>>, vector<16xf32>,
    tpu.vector_store %arg15[%swap3A_734], %add3A_733 {strides = array<i32>} : memref<2304xf32, #tpu.memory_space<vmem>>, vector<16xf32>,
    %get3A_736 = arith.constant 528 : index
    %get3A_737 = tpu.vector_load %arg13[%get3A_736] {strides = array<i32>} : memref<768xf32, #tpu.memory_space<vmem>>, vector<16xf32>,
    %get3A_738 = arith.constant 144 : index
    %get3A_739 = tpu.vector_load %arg14[%get3A_738] {strides = array<i32>} : memref<384xf32, #tpu.memory_space<vmem>>, vector<16xf32>,
    %add3A_740 = arith.addf %get3A_737, %get3A_739 : vector<16xf32>
    %swap3A_741 = arith.constant 1680 : index
    %swap3A_742 = tpu.vector_load %arg15[%swap3A_741] {strides = array<i32>} : memref<2304xf32, #tpu.memory_space<vmem>>, vector<16xf32>,
    tpu.vector_store %arg15[%swap3A_741], %add3A_740 {strides = array<i32>} : memref<2304xf32, #tpu.memory_space<vmem>>, vector<16xf32>,
    %get3A_743 = arith.constant 544 : index
    %get3A_744 = tpu.vector_load %arg13[%get3A_743] {strides = array<i32>} : memref<768xf32, #tpu.memory_space<vmem>>, vector<16xf32>,
    %get3A_745 = arith.constant 160 : index
    %get3A_746 = tpu.vector_load %arg14[%get3A_745] {strides = array<i32>} : memref<384xf32, #tpu.memory_space<vmem>>, vector<16xf32>,
    %add3A_747 = arith.addf %get3A_744, %get3A_746 : vector<16xf32>
    %swap3A_748 = arith.constant 1696 : index
    %swap3A_749 = tpu.vector_load %arg15[%swap3A_748] {strides = array<i32>} : memref<2304xf32, #tpu.memory_space<vmem>>, vector<16xf32>,
    tpu.vector_store %arg15[%swap3A_748], %add3A_747 {strides = array<i32>} : memref<2304xf32, #tpu.memory_space<vmem>>, vector<16xf32>,
    %get3A_750 = arith.constant 560 : index
    %get3A_751 = tpu.vector_load %arg13[%get3A_750] {strides = array<i32>} : memref<768xf32, #tpu.memory_space<vmem>>, vector<16xf32>,
    %get3A_752 = arith.constant 176 : index
    %get3A_753 = tpu.vector_load %arg14[%get3A_752] {strides = array<i32>} : memref<384xf32, #tpu.memory_space<vmem>>, vector<16xf32>,
    %add3A_754 = arith.addf %get3A_751, %get3A_753 : vector<16xf32>
    %swap3A_755 = arith.constant 1712 : index
    %swap3A_756 = tpu.vector_load %arg15[%swap3A_755] {strides = array<i32>} : memref<2304xf32, #tpu.memory_space<vmem>>, vector<16xf32>,
    tpu.vector_store %arg15[%swap3A_755], %add3A_754 {strides = array<i32>} : memref<2304xf32, #tpu.memory_space<vmem>>, vector<16xf32>,
    %get3A_757 = arith.constant 576 : index
    %get3A_758 = tpu.vector_load %arg13[%get3A_757] {strides = array<i32>} : memref<768xf32, #tpu.memory_space<vmem>>, vector<16xf32>,
    %get3A_759 = arith.constant 192 : index
    %get3A_760 = tpu.vector_load %arg14[%get3A_759] {strides = array<i32>} : memref<384xf32, #tpu.memory_space<vmem>>, vector<16xf32>,
    %add3A_761 = arith.addf %get3A_758, %get3A_760 : vector<16xf32>
    %swap3A_762 = arith.constant 1728 : index
    %swap3A_763 = tpu.vector_load %arg15[%swap3A_762] {strides = array<i32>} : memref<2304xf32, #tpu.memory_space<vmem>>, vector<16xf32>,
    tpu.vector_store %arg15[%swap3A_762], %add3A_761 {strides = array<i32>} : memref<2304xf32, #tpu.memory_space<vmem>>, vector<16xf32>,
    %get3A_764 = arith.constant 592 : index
    %get3A_765 = tpu.vector_load %arg13[%get3A_764] {strides = array<i32>} : memref<768xf32, #tpu.memory_space<vmem>>, vector<16xf32>,
    %get3A_766 = arith.constant 208 : index
    %get3A_767 = tpu.vector_load %arg14[%get3A_766] {strides = array<i32>} : memref<384xf32, #tpu.memory_space<vmem>>, vector<16xf32>,
    %add3A_768 = arith.addf %get3A_765, %get3A_767 : vector<16xf32>
    %swap3A_769 = arith.constant 1744 : index
    %swap3A_770 = tpu.vector_load %arg15[%swap3A_769] {strides = array<i32>} : memref<2304xf32, #tpu.memory_space<vmem>>, vector<16xf32>,
    tpu.vector_store %arg15[%swap3A_769], %add3A_768 {strides = array<i32>} : memref<2304xf32, #tpu.memory_space<vmem>>, vector<16xf32>,
    %get3A_771 = arith.constant 608 : index
    %get3A_772 = tpu.vector_load %arg13[%get3A_771] {strides = array<i32>} : memref<768xf32, #tpu.memory_space<vmem>>, vector<16xf32>,
    %get3A_773 = arith.constant 224 : index
    %get3A_774 = tpu.vector_load %arg14[%get3A_773] {strides = array<i32>} : memref<384xf32, #tpu.memory_space<vmem>>, vector<16xf32>,
    %add3A_775 = arith.addf %get3A_772, %get3A_774 : vector<16xf32>
    %swap3A_776 = arith.constant 1760 : index
    %swap3A_777 = tpu.vector_load %arg15[%swap3A_776] {strides = array<i32>} : memref<2304xf32, #tpu.memory_space<vmem>>, vector<16xf32>,
    tpu.vector_store %arg15[%swap3A_776], %add3A_775 {strides = array<i32>} : memref<2304xf32, #tpu.memory_space<vmem>>, vector<16xf32>,
    %get3A_778 = arith.constant 624 : index
    %get3A_779 = tpu.vector_load %arg13[%get3A_778] {strides = array<i32>} : memref<768xf32, #tpu.memory_space<vmem>>, vector<16xf32>,
    %get3A_780 = arith.constant 240 : index
    %get3A_781 = tpu.vector_load %arg14[%get3A_780] {strides = array<i32>} : memref<384xf32, #tpu.memory_space<vmem>>, vector<16xf32>,
    %add3A_782 = arith.addf %get3A_779, %get3A_781 : vector<16xf32>
    %swap3A_783 = arith.constant 1776 : index
    %swap3A_784 = tpu.vector_load %arg15[%swap3A_783] {strides = array<i32>} : memref<2304xf32, #tpu.memory_space<vmem>>, vector<16xf32>,
    tpu.vector_store %arg15[%swap3A_783], %add3A_782 {strides = array<i32>} : memref<2304xf32, #tpu.memory_space<vmem>>, vector<16xf32>,
    %get3A_785 = arith.constant 512 : index
    %get3A_786 = tpu.vector_load %arg13[%get3A_785] {strides = array<i32>} : memref<768xf32, #tpu.memory_space<vmem>>, vector<16xf32>,
    %get3A_787 = arith.constant 256 : index
    %get3A_788 = tpu.vector_load %arg14[%get3A_787] {strides = array<i32>} : memref<384xf32, #tpu.memory_space<vmem>>, vector<16xf32>,
    %add3A_789 = arith.addf %get3A_786, %get3A_788 : vector<16xf32>
    %swap3A_790 = arith.constant 1792 : index
    %swap3A_791 = tpu.vector_load %arg15[%swap3A_790] {strides = array<i32>} : memref<2304xf32, #tpu.memory_space<vmem>>, vector<16xf32>,
    tpu.vector_store %arg15[%swap3A_790], %add3A_789 {strides = array<i32>} : memref<2304xf32, #tpu.memory_space<vmem>>, vector<16xf32>,
    %get3A_792 = arith.constant 528 : index
    %get3A_793 = tpu.vector_load %arg13[%get3A_792] {strides = array<i32>} : memref<768xf32, #tpu.memory_space<vmem>>, vector<16xf32>,
    %get3A_794 = arith.constant 272 : index
    %get3A_795 = tpu.vector_load %arg14[%get3A_794] {strides = array<i32>} : memref<384xf32, #tpu.memory_space<vmem>>, vector<16xf32>,
    %add3A_796 = arith.addf %get3A_793, %get3A_795 : vector<16xf32>
    %swap3A_797 = arith.constant 1808 : index
    %swap3A_798 = tpu.vector_load %arg15[%swap3A_797] {strides = array<i32>} : memref<2304xf32, #tpu.memory_space<vmem>>, vector<16xf32>,
    tpu.vector_store %arg15[%swap3A_797], %add3A_796 {strides = array<i32>} : memref<2304xf32, #tpu.memory_space<vmem>>, vector<16xf32>,
    %get3A_799 = arith.constant 544 : index
    %get3A_800 = tpu.vector_load %arg13[%get3A_799] {strides = array<i32>} : memref<768xf32, #tpu.memory_space<vmem>>, vector<16xf32>,
    %get3A_801 = arith.constant 288 : index
    %get3A_802 = tpu.vector_load %arg14[%get3A_801] {strides = array<i32>} : memref<384xf32, #tpu.memory_space<vmem>>, vector<16xf32>,
    %add3A_803 = arith.addf %get3A_800, %get3A_802 : vector<16xf32>
    %swap3A_804 = arith.constant 1824 : index
    %swap3A_805 = tpu.vector_load %arg15[%swap3A_804] {strides = array<i32>} : memref<2304xf32, #tpu.memory_space<vmem>>, vector<16xf32>,
    tpu.vector_store %arg15[%swap3A_804], %add3A_803 {strides = array<i32>} : memref<2304xf32, #tpu.memory_space<vmem>>, vector<16xf32>,
    %get3A_806 = arith.constant 560 : index
    %get3A_807 = tpu.vector_load %arg13[%get3A_806] {strides = array<i32>} : memref<768xf32, #tpu.memory_space<vmem>>, vector<16xf32>,
    %get3A_808 = arith.constant 304 : index
    %get3A_809 = tpu.vector_load %arg14[%get3A_808] {strides = array<i32>} : memref<384xf32, #tpu.memory_space<vmem>>, vector<16xf32>,
    %add3A_810 = arith.addf %get3A_807, %get3A_809 : vector<16xf32>
    %swap3A_811 = arith.constant 1840 : index
    %swap3A_812 = tpu.vector_load %arg15[%swap3A_811] {strides = array<i32>} : memref<2304xf32, #tpu.memory_space<vmem>>, vector<16xf32>,
    tpu.vector_store %arg15[%swap3A_811], %add3A_810 {strides = array<i32>} : memref<2304xf32, #tpu.memory_space<vmem>>, vector<16xf32>,
    %get3A_813 = arith.constant 576 : index
    %get3A_814 = tpu.vector_load %arg13[%get3A_813] {strides = array<i32>} : memref<768xf32, #tpu.memory_space<vmem>>, vector<16xf32>,
    %get3A_815 = arith.constant 320 : index
    %get3A_816 = tpu.vector_load %arg14[%get3A_815] {strides = array<i32>} : memref<384xf32, #tpu.memory_space<vmem>>, vector<16xf32>,
    %add3A_817 = arith.addf %get3A_814, %get3A_816 : vector<16xf32>
    %swap3A_818 = arith.constant 1856 : index
    %swap3A_819 = tpu.vector_load %arg15[%swap3A_818] {strides = array<i32>} : memref<2304xf32, #tpu.memory_space<vmem>>, vector<16xf32>,
    tpu.vector_store %arg15[%swap3A_818], %add3A_817 {strides = array<i32>} : memref<2304xf32, #tpu.memory_space<vmem>>, vector<16xf32>,
    %get3A_820 = arith.constant 592 : index
    %get3A_821 = tpu.vector_load %arg13[%get3A_820] {strides = array<i32>} : memref<768xf32, #tpu.memory_space<vmem>>, vector<16xf32>,
    %get3A_822 = arith.constant 336 : index
    %get3A_823 = tpu.vector_load %arg14[%get3A_822] {strides = array<i32>} : memref<384xf32, #tpu.memory_space<vmem>>, vector<16xf32>,
    %add3A_824 = arith.addf %get3A_821, %get3A_823 : vector<16xf32>
    %swap3A_825 = arith.constant 1872 : index
    %swap3A_826 = tpu.vector_load %arg15[%swap3A_825] {strides = array<i32>} : memref<2304xf32, #tpu.memory_space<vmem>>, vector<16xf32>,
    tpu.vector_store %arg15[%swap3A_825], %add3A_824 {strides = array<i32>} : memref<2304xf32, #tpu.memory_space<vmem>>, vector<16xf32>,
    %get3A_827 = arith.constant 608 : index
    %get3A_828 = tpu.vector_load %arg13[%get3A_827] {strides = array<i32>} : memref<768xf32, #tpu.memory_space<vmem>>, vector<16xf32>,
    %get3A_829 = arith.constant 352 : index
    %get3A_830 = tpu.vector_load %arg14[%get3A_829] {strides = array<i32>} : memref<384xf32, #tpu.memory_space<vmem>>, vector<16xf32>,
    %add3A_831 = arith.addf %get3A_828, %get3A_830 : vector<16xf32>
    %swap3A_832 = arith.constant 1888 : index
    %swap3A_833 = tpu.vector_load %arg15[%swap3A_832] {strides = array<i32>} : memref<2304xf32, #tpu.memory_space<vmem>>, vector<16xf32>,
    tpu.vector_store %arg15[%swap3A_832], %add3A_831 {strides = array<i32>} : memref<2304xf32, #tpu.memory_space<vmem>>, vector<16xf32>,
    %get3A_834 = arith.constant 624 : index
    %get3A_835 = tpu.vector_load %arg13[%get3A_834] {strides = array<i32>} : memref<768xf32, #tpu.memory_space<vmem>>, vector<16xf32>,
    %get3A_836 = arith.constant 368 : index
    %get3A_837 = tpu.vector_load %arg14[%get3A_836] {strides = array<i32>} : memref<384xf32, #tpu.memory_space<vmem>>, vector<16xf32>,
    %add3A_838 = arith.addf %get3A_835, %get3A_837 : vector<16xf32>
    %swap3A_839 = arith.constant 1904 : index
    %swap3A_840 = tpu.vector_load %arg15[%swap3A_839] {strides = array<i32>} : memref<2304xf32, #tpu.memory_space<vmem>>, vector<16xf32>,
    tpu.vector_store %arg15[%swap3A_839], %add3A_838 {strides = array<i32>} : memref<2304xf32, #tpu.memory_space<vmem>>, vector<16xf32>,
    %get3A_841 = arith.constant 640 : index
    %get3A_842 = tpu.vector_load %arg13[%get3A_841] {strides = array<i32>} : memref<768xf32, #tpu.memory_space<vmem>>, vector<16xf32>,
    %get3A_843 = arith.constant 0 : index
    %get3A_844 = tpu.vector_load %arg14[%get3A_843] {strides = array<i32>} : memref<384xf32, #tpu.memory_space<vmem>>, vector<16xf32>,
    %add3A_845 = arith.addf %get3A_842, %get3A_844 : vector<16xf32>
    %swap3A_846 = arith.constant 1920 : index
    %swap3A_847 = tpu.vector_load %arg15[%swap3A_846] {strides = array<i32>} : memref<2304xf32, #tpu.memory_space<vmem>>, vector<16xf32>,
    tpu.vector_store %arg15[%swap3A_846], %add3A_845 {strides = array<i32>} : memref<2304xf32, #tpu.memory_space<vmem>>, vector<16xf32>,
    %get3A_848 = arith.constant 656 : index
    %get3A_849 = tpu.vector_load %arg13[%get3A_848] {strides = array<i32>} : memref<768xf32, #tpu.memory_space<vmem>>, vector<16xf32>,
    %get3A_850 = arith.constant 16 : index
    %get3A_851 = tpu.vector_load %arg14[%get3A_850] {strides = array<i32>} : memref<384xf32, #tpu.memory_space<vmem>>, vector<16xf32>,
    %add3A_852 = arith.addf %get3A_849, %get3A_851 : vector<16xf32>
    %swap3A_853 = arith.constant 1936 : index
    %swap3A_854 = tpu.vector_load %arg15[%swap3A_853] {strides = array<i32>} : memref<2304xf32, #tpu.memory_space<vmem>>, vector<16xf32>,
    tpu.vector_store %arg15[%swap3A_853], %add3A_852 {strides = array<i32>} : memref<2304xf32, #tpu.memory_space<vmem>>, vector<16xf32>,
    %get3A_855 = arith.constant 672 : index
    %get3A_856 = tpu.vector_load %arg13[%get3A_855] {strides = array<i32>} : memref<768xf32, #tpu.memory_space<vmem>>, vector<16xf32>,
    %get3A_857 = arith.constant 32 : index
    %get3A_858 = tpu.vector_load %arg14[%get3A_857] {strides = array<i32>} : memref<384xf32, #tpu.memory_space<vmem>>, vector<16xf32>,
    %add3A_859 = arith.addf %get3A_856, %get3A_858 : vector<16xf32>
    %swap3A_860 = arith.constant 1952 : index
    %swap3A_861 = tpu.vector_load %arg15[%swap3A_860] {strides = array<i32>} : memref<2304xf32, #tpu.memory_space<vmem>>, vector<16xf32>,
    tpu.vector_store %arg15[%swap3A_860], %add3A_859 {strides = array<i32>} : memref<2304xf32, #tpu.memory_space<vmem>>, vector<16xf32>,
    %get3A_862 = arith.constant 688 : index
    %get3A_863 = tpu.vector_load %arg13[%get3A_862] {strides = array<i32>} : memref<768xf32, #tpu.memory_space<vmem>>, vector<16xf32>,
    %get3A_864 = arith.constant 48 : index
    %get3A_865 = tpu.vector_load %arg14[%get3A_864] {strides = array<i32>} : memref<384xf32, #tpu.memory_space<vmem>>, vector<16xf32>,
    %add3A_866 = arith.addf %get3A_863, %get3A_865 : vector<16xf32>
    %swap3A_867 = arith.constant 1968 : index
    %swap3A_868 = tpu.vector_load %arg15[%swap3A_867] {strides = array<i32>} : memref<2304xf32, #tpu.memory_space<vmem>>, vector<16xf32>,
    tpu.vector_store %arg15[%swap3A_867], %add3A_866 {strides = array<i32>} : memref<2304xf32, #tpu.memory_space<vmem>>, vector<16xf32>,
    %get3A_869 = arith.constant 704 : index
    %get3A_870 = tpu.vector_load %arg13[%get3A_869] {strides = array<i32>} : memref<768xf32, #tpu.memory_space<vmem>>, vector<16xf32>,
    %get3A_871 = arith.constant 64 : index
    %get3A_872 = tpu.vector_load %arg14[%get3A_871] {strides = array<i32>} : memref<384xf32, #tpu.memory_space<vmem>>, vector<16xf32>,
    %add3A_873 = arith.addf %get3A_870, %get3A_872 : vector<16xf32>
    %swap3A_874 = arith.constant 1984 : index
    %swap3A_875 = tpu.vector_load %arg15[%swap3A_874] {strides = array<i32>} : memref<2304xf32, #tpu.memory_space<vmem>>, vector<16xf32>,
    tpu.vector_store %arg15[%swap3A_874], %add3A_873 {strides = array<i32>} : memref<2304xf32, #tpu.memory_space<vmem>>, vector<16xf32>,
    %get3A_876 = arith.constant 720 : index
    %get3A_877 = tpu.vector_load %arg13[%get3A_876] {strides = array<i32>} : memref<768xf32, #tpu.memory_space<vmem>>, vector<16xf32>,
    %get3A_878 = arith.constant 80 : index
    %get3A_879 = tpu.vector_load %arg14[%get3A_878] {strides = array<i32>} : memref<384xf32, #tpu.memory_space<vmem>>, vector<16xf32>,
    %add3A_880 = arith.addf %get3A_877, %get3A_879 : vector<16xf32>
    %swap3A_881 = arith.constant 2000 : index
    %swap3A_882 = tpu.vector_load %arg15[%swap3A_881] {strides = array<i32>} : memref<2304xf32, #tpu.memory_space<vmem>>, vector<16xf32>,
    tpu.vector_store %arg15[%swap3A_881], %add3A_880 {strides = array<i32>} : memref<2304xf32, #tpu.memory_space<vmem>>, vector<16xf32>,
    %get3A_883 = arith.constant 736 : index
    %get3A_884 = tpu.vector_load %arg13[%get3A_883] {strides = array<i32>} : memref<768xf32, #tpu.memory_space<vmem>>, vector<16xf32>,
    %get3A_885 = arith.constant 96 : index
    %get3A_886 = tpu.vector_load %arg14[%get3A_885] {strides = array<i32>} : memref<384xf32, #tpu.memory_space<vmem>>, vector<16xf32>,
    %add3A_887 = arith.addf %get3A_884, %get3A_886 : vector<16xf32>
    %swap3A_888 = arith.constant 2016 : index
    %swap3A_889 = tpu.vector_load %arg15[%swap3A_888] {strides = array<i32>} : memref<2304xf32, #tpu.memory_space<vmem>>, vector<16xf32>,
    tpu.vector_store %arg15[%swap3A_888], %add3A_887 {strides = array<i32>} : memref<2304xf32, #tpu.memory_space<vmem>>, vector<16xf32>,
    %get3A_890 = arith.constant 752 : index
    %get3A_891 = tpu.vector_load %arg13[%get3A_890] {strides = array<i32>} : memref<768xf32, #tpu.memory_space<vmem>>, vector<16xf32>,
    %get3A_892 = arith.constant 112 : index
    %get3A_893 = tpu.vector_load %arg14[%get3A_892] {strides = array<i32>} : memref<384xf32, #tpu.memory_space<vmem>>, vector<16xf32>,
    %add3A_894 = arith.addf %get3A_891, %get3A_893 : vector<16xf32>
    %swap3A_895 = arith.constant 2032 : index
    %swap3A_896 = tpu.vector_load %arg15[%swap3A_895] {strides = array<i32>} : memref<2304xf32, #tpu.memory_space<vmem>>, vector<16xf32>,
    tpu.vector_store %arg15[%swap3A_895], %add3A_894 {strides = array<i32>} : memref<2304xf32, #tpu.memory_space<vmem>>, vector<16xf32>,
    %get3A_897 = arith.constant 640 : index
    %get3A_898 = tpu.vector_load %arg13[%get3A_897] {strides = array<i32>} : memref<768xf32, #tpu.memory_space<vmem>>, vector<16xf32>,
    %get3A_899 = arith.constant 128 : index
    %get3A_900 = tpu.vector_load %arg14[%get3A_899] {strides = array<i32>} : memref<384xf32, #tpu.memory_space<vmem>>, vector<16xf32>,
    %add3A_901 = arith.addf %get3A_898, %get3A_900 : vector<16xf32>
    %swap3A_902 = arith.constant 2048 : index
    %swap3A_903 = tpu.vector_load %arg15[%swap3A_902] {strides = array<i32>} : memref<2304xf32, #tpu.memory_space<vmem>>, vector<16xf32>,
    tpu.vector_store %arg15[%swap3A_902], %add3A_901 {strides = array<i32>} : memref<2304xf32, #tpu.memory_space<vmem>>, vector<16xf32>,
    %get3A_904 = arith.constant 656 : index
    %get3A_905 = tpu.vector_load %arg13[%get3A_904] {strides = array<i32>} : memref<768xf32, #tpu.memory_space<vmem>>, vector<16xf32>,
    %get3A_906 = arith.constant 144 : index
    %get3A_907 = tpu.vector_load %arg14[%get3A_906] {strides = array<i32>} : memref<384xf32, #tpu.memory_space<vmem>>, vector<16xf32>,
    %add3A_908 = arith.addf %get3A_905, %get3A_907 : vector<16xf32>
    %swap3A_909 = arith.constant 2064 : index
    %swap3A_910 = tpu.vector_load %arg15[%swap3A_909] {strides = array<i32>} : memref<2304xf32, #tpu.memory_space<vmem>>, vector<16xf32>,
    tpu.vector_store %arg15[%swap3A_909], %add3A_908 {strides = array<i32>} : memref<2304xf32, #tpu.memory_space<vmem>>, vector<16xf32>,
    %get3A_911 = arith.constant 672 : index
    %get3A_912 = tpu.vector_load %arg13[%get3A_911] {strides = array<i32>} : memref<768xf32, #tpu.memory_space<vmem>>, vector<16xf32>,
    %get3A_913 = arith.constant 160 : index
    %get3A_914 = tpu.vector_load %arg14[%get3A_913] {strides = array<i32>} : memref<384xf32, #tpu.memory_space<vmem>>, vector<16xf32>,
    %add3A_915 = arith.addf %get3A_912, %get3A_914 : vector<16xf32>
    %swap3A_916 = arith.constant 2080 : index
    %swap3A_917 = tpu.vector_load %arg15[%swap3A_916] {strides = array<i32>} : memref<2304xf32, #tpu.memory_space<vmem>>, vector<16xf32>,
    tpu.vector_store %arg15[%swap3A_916], %add3A_915 {strides = array<i32>} : memref<2304xf32, #tpu.memory_space<vmem>>, vector<16xf32>,
    %get3A_918 = arith.constant 688 : index
    %get3A_919 = tpu.vector_load %arg13[%get3A_918] {strides = array<i32>} : memref<768xf32, #tpu.memory_space<vmem>>, vector<16xf32>,
    %get3A_920 = arith.constant 176 : index
    %get3A_921 = tpu.vector_load %arg14[%get3A_920] {strides = array<i32>} : memref<384xf32, #tpu.memory_space<vmem>>, vector<16xf32>,
    %add3A_922 = arith.addf %get3A_919, %get3A_921 : vector<16xf32>
    %swap3A_923 = arith.constant 2096 : index
    %swap3A_924 = tpu.vector_load %arg15[%swap3A_923] {strides = array<i32>} : memref<2304xf32, #tpu.memory_space<vmem>>, vector<16xf32>,
    tpu.vector_store %arg15[%swap3A_923], %add3A_922 {strides = array<i32>} : memref<2304xf32, #tpu.memory_space<vmem>>, vector<16xf32>,
    %get3A_925 = arith.constant 704 : index
    %get3A_926 = tpu.vector_load %arg13[%get3A_925] {strides = array<i32>} : memref<768xf32, #tpu.memory_space<vmem>>, vector<16xf32>,
    %get3A_927 = arith.constant 192 : index
    %get3A_928 = tpu.vector_load %arg14[%get3A_927] {strides = array<i32>} : memref<384xf32, #tpu.memory_space<vmem>>, vector<16xf32>,
    %add3A_929 = arith.addf %get3A_926, %get3A_928 : vector<16xf32>
    %swap3A_930 = arith.constant 2112 : index
    %swap3A_931 = tpu.vector_load %arg15[%swap3A_930] {strides = array<i32>} : memref<2304xf32, #tpu.memory_space<vmem>>, vector<16xf32>,
    tpu.vector_store %arg15[%swap3A_930], %add3A_929 {strides = array<i32>} : memref<2304xf32, #tpu.memory_space<vmem>>, vector<16xf32>,
    %get3A_932 = arith.constant 720 : index
    %get3A_933 = tpu.vector_load %arg13[%get3A_932] {strides = array<i32>} : memref<768xf32, #tpu.memory_space<vmem>>, vector<16xf32>,
    %get3A_934 = arith.constant 208 : index
    %get3A_935 = tpu.vector_load %arg14[%get3A_934] {strides = array<i32>} : memref<384xf32, #tpu.memory_space<vmem>>, vector<16xf32>,
    %add3A_936 = arith.addf %get3A_933, %get3A_935 : vector<16xf32>
    %swap3A_937 = arith.constant 2128 : index
    %swap3A_938 = tpu.vector_load %arg15[%swap3A_937] {strides = array<i32>} : memref<2304xf32, #tpu.memory_space<vmem>>, vector<16xf32>,
    tpu.vector_store %arg15[%swap3A_937], %add3A_936 {strides = array<i32>} : memref<2304xf32, #tpu.memory_space<vmem>>, vector<16xf32>,
    %get3A_939 = arith.constant 736 : index
    %get3A_940 = tpu.vector_load %arg13[%get3A_939] {strides = array<i32>} : memref<768xf32, #tpu.memory_space<vmem>>, vector<16xf32>,
    %get3A_941 = arith.constant 224 : index
    %get3A_942 = tpu.vector_load %arg14[%get3A_941] {strides = array<i32>} : memref<384xf32, #tpu.memory_space<vmem>>, vector<16xf32>,
    %add3A_943 = arith.addf %get3A_940, %get3A_942 : vector<16xf32>
    %swap3A_944 = arith.constant 2144 : index
    %swap3A_945 = tpu.vector_load %arg15[%swap3A_944] {strides = array<i32>} : memref<2304xf32, #tpu.memory_space<vmem>>, vector<16xf32>,
    tpu.vector_store %arg15[%swap3A_944], %add3A_943 {strides = array<i32>} : memref<2304xf32, #tpu.memory_space<vmem>>, vector<16xf32>,
    %get3A_946 = arith.constant 752 : index
    %get3A_947 = tpu.vector_load %arg13[%get3A_946] {strides = array<i32>} : memref<768xf32, #tpu.memory_space<vmem>>, vector<16xf32>,
    %get3A_948 = arith.constant 240 : index
    %get3A_949 = tpu.vector_load %arg14[%get3A_948] {strides = array<i32>} : memref<384xf32, #tpu.memory_space<vmem>>, vector<16xf32>,
    %add3A_950 = arith.addf %get3A_947, %get3A_949 : vector<16xf32>
    %swap3A_951 = arith.constant 2160 : index
    %swap3A_952 = tpu.vector_load %arg15[%swap3A_951] {strides = array<i32>} : memref<2304xf32, #tpu.memory_space<vmem>>, vector<16xf32>,
    tpu.vector_store %arg15[%swap3A_951], %add3A_950 {strides = array<i32>} : memref<2304xf32, #tpu.memory_space<vmem>>, vector<16xf32>,
    %get3A_953 = arith.constant 640 : index
    %get3A_954 = tpu.vector_load %arg13[%get3A_953] {strides = array<i32>} : memref<768xf32, #tpu.memory_space<vmem>>, vector<16xf32>,
    %get3A_955 = arith.constant 256 : index
    %get3A_956 = tpu.vector_load %arg14[%get3A_955] {strides = array<i32>} : memref<384xf32, #tpu.memory_space<vmem>>, vector<16xf32>,
    %add3A_957 = arith.addf %get3A_954, %get3A_956 : vector<16xf32>
    %swap3A_958 = arith.constant 2176 : index
    %swap3A_959 = tpu.vector_load %arg15[%swap3A_958] {strides = array<i32>} : memref<2304xf32, #tpu.memory_space<vmem>>, vector<16xf32>,
    tpu.vector_store %arg15[%swap3A_958], %add3A_957 {strides = array<i32>} : memref<2304xf32, #tpu.memory_space<vmem>>, vector<16xf32>,
    %get3A_960 = arith.constant 656 : index
    %get3A_961 = tpu.vector_load %arg13[%get3A_960] {strides = array<i32>} : memref<768xf32, #tpu.memory_space<vmem>>, vector<16xf32>,
    %get3A_962 = arith.constant 272 : index
    %get3A_963 = tpu.vector_load %arg14[%get3A_962] {strides = array<i32>} : memref<384xf32, #tpu.memory_space<vmem>>, vector<16xf32>,
    %add3A_964 = arith.addf %get3A_961, %get3A_963 : vector<16xf32>
    %swap3A_965 = arith.constant 2192 : index
    %swap3A_966 = tpu.vector_load %arg15[%swap3A_965] {strides = array<i32>} : memref<2304xf32, #tpu.memory_space<vmem>>, vector<16xf32>,
    tpu.vector_store %arg15[%swap3A_965], %add3A_964 {strides = array<i32>} : memref<2304xf32, #tpu.memory_space<vmem>>, vector<16xf32>,
    %get3A_967 = arith.constant 672 : index
    %get3A_968 = tpu.vector_load %arg13[%get3A_967] {strides = array<i32>} : memref<768xf32, #tpu.memory_space<vmem>>, vector<16xf32>,
    %get3A_969 = arith.constant 288 : index
    %get3A_970 = tpu.vector_load %arg14[%get3A_969] {strides = array<i32>} : memref<384xf32, #tpu.memory_space<vmem>>, vector<16xf32>,
    %add3A_971 = arith.addf %get3A_968, %get3A_970 : vector<16xf32>
    %swap3A_972 = arith.constant 2208 : index
    %swap3A_973 = tpu.vector_load %arg15[%swap3A_972] {strides = array<i32>} : memref<2304xf32, #tpu.memory_space<vmem>>, vector<16xf32>,
    tpu.vector_store %arg15[%swap3A_972], %add3A_971 {strides = array<i32>} : memref<2304xf32, #tpu.memory_space<vmem>>, vector<16xf32>,
    %get3A_974 = arith.constant 688 : index
    %get3A_975 = tpu.vector_load %arg13[%get3A_974] {strides = array<i32>} : memref<768xf32, #tpu.memory_space<vmem>>, vector<16xf32>,
    %get3A_976 = arith.constant 304 : index
    %get3A_977 = tpu.vector_load %arg14[%get3A_976] {strides = array<i32>} : memref<384xf32, #tpu.memory_space<vmem>>, vector<16xf32>,
    %add3A_978 = arith.addf %get3A_975, %get3A_977 : vector<16xf32>
    %swap3A_979 = arith.constant 2224 : index
    %swap3A_980 = tpu.vector_load %arg15[%swap3A_979] {strides = array<i32>} : memref<2304xf32, #tpu.memory_space<vmem>>, vector<16xf32>,
    tpu.vector_store %arg15[%swap3A_979], %add3A_978 {strides = array<i32>} : memref<2304xf32, #tpu.memory_space<vmem>>, vector<16xf32>,
    %get3A_981 = arith.constant 704 : index
    %get3A_982 = tpu.vector_load %arg13[%get3A_981] {strides = array<i32>} : memref<768xf32, #tpu.memory_space<vmem>>, vector<16xf32>,
    %get3A_983 = arith.constant 320 : index
    %get3A_984 = tpu.vector_load %arg14[%get3A_983] {strides = array<i32>} : memref<384xf32, #tpu.memory_space<vmem>>, vector<16xf32>,
    %add3A_985 = arith.addf %get3A_982, %get3A_984 : vector<16xf32>
    %swap3A_986 = arith.constant 2240 : index
    %swap3A_987 = tpu.vector_load %arg15[%swap3A_986] {strides = array<i32>} : memref<2304xf32, #tpu.memory_space<vmem>>, vector<16xf32>,
    tpu.vector_store %arg15[%swap3A_986], %add3A_985 {strides = array<i32>} : memref<2304xf32, #tpu.memory_space<vmem>>, vector<16xf32>,
    %get3A_988 = arith.constant 720 : index
    %get3A_989 = tpu.vector_load %arg13[%get3A_988] {strides = array<i32>} : memref<768xf32, #tpu.memory_space<vmem>>, vector<16xf32>,
    %get3A_990 = arith.constant 336 : index
    %get3A_991 = tpu.vector_load %arg14[%get3A_990] {strides = array<i32>} : memref<384xf32, #tpu.memory_space<vmem>>, vector<16xf32>,
    %add3A_992 = arith.addf %get3A_989, %get3A_991 : vector<16xf32>
    %swap3A_993 = arith.constant 2256 : index
    %swap3A_994 = tpu.vector_load %arg15[%swap3A_993] {strides = array<i32>} : memref<2304xf32, #tpu.memory_space<vmem>>, vector<16xf32>,
    tpu.vector_store %arg15[%swap3A_993], %add3A_992 {strides = array<i32>} : memref<2304xf32, #tpu.memory_space<vmem>>, vector<16xf32>,
    %get3A_995 = arith.constant 736 : index
    %get3A_996 = tpu.vector_load %arg13[%get3A_995] {strides = array<i32>} : memref<768xf32, #tpu.memory_space<vmem>>, vector<16xf32>,
    %get3A_997 = arith.constant 352 : index
    %get3A_998 = tpu.vector_load %arg14[%get3A_997] {strides = array<i32>} : memref<384xf32, #tpu.memory_space<vmem>>, vector<16xf32>,
    %add3A_999 = arith.addf %get3A_996, %get3A_998 : vector<16xf32>
    %swap3A_1000 = arith.constant 2272 : index
    %swap3A_1001 = tpu.vector_load %arg15[%swap3A_1000] {strides = array<i32>} : memref<2304xf32, #tpu.memory_space<vmem>>, vector<16xf32>,
    tpu.vector_store %arg15[%swap3A_1000], %add3A_999 {strides = array<i32>} : memref<2304xf32, #tpu.memory_space<vmem>>, vector<16xf32>,
    %get3A_1002 = arith.constant 752 : index
    %get3A_1003 = tpu.vector_load %arg13[%get3A_1002] {strides = array<i32>} : memref<768xf32, #tpu.memory_space<vmem>>, vector<16xf32>,
    %get3A_1004 = arith.constant 368 : index
    %get3A_1005 = tpu.vector_load %arg14[%get3A_1004] {strides = array<i32>} : memref<384xf32, #tpu.memory_space<vmem>>, vector<16xf32>,
    %add3A_1006 = arith.addf %get3A_1003, %get3A_1005 : vector<16xf32>
    %swap3A_1007 = arith.constant 2288 : index
    %swap3A_1008 = tpu.vector_load %arg15[%swap3A_1007] {strides = array<i32>} : memref<2304xf32, #tpu.memory_space<vmem>>, vector<16xf32>,
    tpu.vector_store %arg15[%swap3A_1007], %add3A_1006 {strides = array<i32>} : memref<2304xf32, #tpu.memory_space<vmem>>, vector<16xf32>,
    %add3A_1009 = arith.constant 0 : i32
    %add3A_1010 = arith.addi %mul3A_2, %add3A_1009 : i32
    %dma_start3A = arith.constant 0 : i32
    %dma_start3A_1011 = arith.constant 0 : i32
    %dma_start3A_1012 = arith.constant 0 : i32
    %dma_start3A_1013 = tpu.memref_slice %arg2[%dma_start3A, %add3A_1010, %dma_start3A_1012] : memref<6x16384x128xf32, #tpu.memory_space<hbm>> -> memref<1x128x128xf32, #tpu.memory_space<hbm>>
    %dma_start3A_1014 = tpu.memref_squeeze %dma_start3A_1013 : memref<1x128x128xf32, #tpu.memory_space<hbm>> -> memref<128x128xf32, #tpu.memory_space<hbm>>
    %dma_start3A_1015 = tpu.memref_slice %arg16[%dma_start3A_1011] : memref<2x!tpu.dma_semaphore, #tpu.memory_space<semaphore_mem>> -> memref<1x!tpu.dma_semaphore, #tpu.memory_space<semaphore_mem>>
    %dma_start3A_1016 = tpu.memref_squeeze %dma_start3A_1015 : memref<1x!tpu.dma_semaphore, #tpu.memory_space<semaphore_mem>> -> memref<!tpu.dma_semaphore, #tpu.memory_space<semaphore_mem>>
    %dma_start3A_1017 = arith.constant 0 : i32
    %dma_start3A_1018 = tpu.memref_slice %arg2[%dma_start3A, %add3A_1010, %dma_start3A_1017] : memref<6x16384x128xf32, #tpu.memory_space<hbm>> -> memref<1x128x128xf32, #tpu.memory_space<hbm>>
    %dma_start3A_1019 = tpu.memref_squeeze %dma_start3A_1018 : memref<1x128x128xf32, #tpu.memory_space<hbm>> -> memref<128x128xf32, #tpu.memory_space<hbm>>
    tpu.enqueue_dma source(%dma_start3A_1019 : memref<128x128xf32, #tpu.memory_space<hbm>>) target(%arg7 : memref<128x128xf32, #tpu.memory_space<vmem>>) target_semaphore(%dma_start3A_1016 : memref<!tpu.dma_semaphore, #tpu.memory_space<semaphore_mem>>)
    %add3A_1020 = arith.constant 0 : i32
    %add3A_1021 = arith.addi %add3A_1020, %add3A_1010 : i32
    %dma_start3A_1022 = arith.constant 0 : i32
    %dma_start3A_1023 = arith.constant 0 : i32
    %dma_start3A_1024 = tpu.memref_slice %arg11[%dma_start3A_1023] : memref<144xi32, #tpu.memory_space<vmem>> -> memref<128xi32, #tpu.memory_space<vmem>>
    %dma_start3A_1025 = tpu.memref_slice %arg3[%add3A_1021] : memref<98304xi32, #tpu.memory_space<hbm>> -> memref<128xi32, #tpu.memory_space<hbm>>
    %dma_start3A_1026 = tpu.memref_slice %arg17[%dma_start3A_1022] : memref<2x!tpu.dma_semaphore, #tpu.memory_space<semaphore_mem>> -> memref<1x!tpu.dma_semaphore, #tpu.memory_space<semaphore_mem>>
    %dma_start3A_1027 = tpu.memref_squeeze %dma_start3A_1026 : memref<1x!tpu.dma_semaphore, #tpu.memory_space<semaphore_mem>> -> memref<!tpu.dma_semaphore, #tpu.memory_space<semaphore_mem>>
    %dma_start3A_1028 = arith.constant 0 : i32
    %dma_start3A_1029 = tpu.memref_slice %arg11[%dma_start3A_1028] : memref<144xi32, #tpu.memory_space<vmem>> -> memref<128xi32, #tpu.memory_space<vmem>>
    %dma_start3A_1030 = tpu.memref_slice %arg3[%add3A_1021] : memref<98304xi32, #tpu.memory_space<hbm>> -> memref<128xi32, #tpu.memory_space<hbm>>
    tpu.enqueue_dma source(%dma_start3A_1030 : memref<128xi32, #tpu.memory_space<hbm>>) target(%dma_start3A_1029 : memref<128xi32, #tpu.memory_space<vmem>>) target_semaphore(%dma_start3A_1027 : memref<!tpu.dma_semaphore, #tpu.memory_space<semaphore_mem>>)
    %add3A_1031 = arith.constant 128 : i32
    %add3A_1032 = arith.addi %mul3A_2, %add3A_1031 : i32
    %dma_start3A_1033 = arith.constant 0 : i32
    %dma_start3A_1034 = arith.constant 1 : i32
    %dma_start3A_1035 = arith.constant 0 : i32
    %dma_start3A_1036 = tpu.memref_slice %arg2[%dma_start3A_1033, %add3A_1032, %dma_start3A_1035] : memref<6x16384x128xf32, #tpu.memory_space<hbm>> -> memref<1x128x128xf32, #tpu.memory_space<hbm>>
    %dma_start3A_1037 = tpu.memref_squeeze %dma_start3A_1036 : memref<1x128x128xf32, #tpu.memory_space<hbm>> -> memref<128x128xf32, #tpu.memory_space<hbm>>
    %dma_start3A_1038 = tpu.memref_slice %arg16[%dma_start3A_1034] : memref<2x!tpu.dma_semaphore, #tpu.memory_space<semaphore_mem>> -> memref<1x!tpu.dma_semaphore, #tpu.memory_space<semaphore_mem>>
    %dma_start3A_1039 = tpu.memref_squeeze %dma_start3A_1038 : memref<1x!tpu.dma_semaphore, #tpu.memory_space<semaphore_mem>> -> memref<!tpu.dma_semaphore, #tpu.memory_space<semaphore_mem>>
    %dma_start3A_1040 = arith.constant 0 : i32
    %dma_start3A_1041 = tpu.memref_slice %arg2[%dma_start3A_1033, %add3A_1032, %dma_start3A_1040] : memref<6x16384x128xf32, #tpu.memory_space<hbm>> -> memref<1x128x128xf32, #tpu.memory_space<hbm>>
    %dma_start3A_1042 = tpu.memref_squeeze %dma_start3A_1041 : memref<1x128x128xf32, #tpu.memory_space<hbm>> -> memref<128x128xf32, #tpu.memory_space<hbm>>
    tpu.enqueue_dma source(%dma_start3A_1042 : memref<128x128xf32, #tpu.memory_space<hbm>>) target(%arg8 : memref<128x128xf32, #tpu.memory_space<vmem>>) target_semaphore(%dma_start3A_1039 : memref<!tpu.dma_semaphore, #tpu.memory_space<semaphore_mem>>)
    %add3A_1043 = arith.constant 0 : i32
    %add3A_1044 = arith.addi %add3A_1043, %add3A_1032 : i32
    %dma_start3A_1045 = arith.constant 1 : i32
    %dma_start3A_1046 = arith.constant 0 : i32
    %dma_start3A_1047 = tpu.memref_slice %arg12[%dma_start3A_1046] : memref<144xi32, #tpu.memory_space<vmem>> -> memref<128xi32, #tpu.memory_space<vmem>>
    %dma_start3A_1048 = tpu.memref_slice %arg3[%add3A_1044] : memref<98304xi32, #tpu.memory_space<hbm>> -> memref<128xi32, #tpu.memory_space<hbm>>
    %dma_start3A_1049 = tpu.memref_slice %arg17[%dma_start3A_1045] : memref<2x!tpu.dma_semaphore, #tpu.memory_space<semaphore_mem>> -> memref<1x!tpu.dma_semaphore, #tpu.memory_space<semaphore_mem>>
    %dma_start3A_1050 = tpu.memref_squeeze %dma_start3A_1049 : memref<1x!tpu.dma_semaphore, #tpu.memory_space<semaphore_mem>> -> memref<!tpu.dma_semaphore, #tpu.memory_space<semaphore_mem>>
    %dma_start3A_1051 = arith.constant 0 : i32
    %dma_start3A_1052 = tpu.memref_slice %arg12[%dma_start3A_1051] : memref<144xi32, #tpu.memory_space<vmem>> -> memref<128xi32, #tpu.memory_space<vmem>>
    %dma_start3A_1053 = tpu.memref_slice %arg3[%add3A_1044] : memref<98304xi32, #tpu.memory_space<hbm>> -> memref<128xi32, #tpu.memory_space<hbm>>
    tpu.enqueue_dma source(%dma_start3A_1053 : memref<128xi32, #tpu.memory_space<hbm>>) target(%dma_start3A_1052 : memref<128xi32, #tpu.memory_space<vmem>>) target_semaphore(%dma_start3A_1050 : memref<!tpu.dma_semaphore, #tpu.memory_space<semaphore_mem>>)
    %scan3A = arith.constant 0 : i32
    %scan3A_1054 = arith.constant 0 : i32
    %scan3A_1055 = arith.constant 12 : i32
    %scan3A_1056 = arith.addi %scan3A_1054, %scan3A_1055 : i32
    %scan3A_1057 = arith.constant 1 : i32
    %scan3A_1058 = scf.for %scan3A_1083 = %scan3A_1054 to %scan3A_1056 step %scan3A_1057 iter_args(%scan3A_1084 = %scan3A) -> (i32)  : i32 {
      %mul3A_1085 = arith.constant 2 : i32
      %mul3A_1086 = arith.muli %mul3A_1085, %scan3A_1083 : i32
      %add3A_1087 = arith.constant 0 : i32
      %add3A_1088 = arith.addi %mul3A_1086, %add3A_1087 : i32
      %dma_wait3A_1089 = arith.constant 0 : i32
      %dma_wait3A_1090 = arith.constant 0 : i32
      %dma_wait3A_1091 = arith.constant 0 : i32
      %dma_wait3A_1092 = arith.constant 0 : i32
      %dma_wait3A_1093 = tpu.memref_slice %arg2[%dma_wait3A_1089, %dma_wait3A_1091, %dma_wait3A_1092] : memref<6x16384x128xf32, #tpu.memory_space<hbm>> -> memref<1x128x128xf32, #tpu.memory_space<hbm>>
      %dma_wait3A_1094 = tpu.memref_squeeze %dma_wait3A_1093 : memref<1x128x128xf32, #tpu.memory_space<hbm>> -> memref<128x128xf32, #tpu.memory_space<hbm>>
      %dma_wait3A_1095 = tpu.memref_slice %arg16[%dma_wait3A_1090] : memref<2x!tpu.dma_semaphore, #tpu.memory_space<semaphore_mem>> -> memref<1x!tpu.dma_semaphore, #tpu.memory_space<semaphore_mem>>
      %dma_wait3A_1096 = tpu.memref_squeeze %dma_wait3A_1095 : memref<1x!tpu.dma_semaphore, #tpu.memory_space<semaphore_mem>> -> memref<!tpu.dma_semaphore, #tpu.memory_space<semaphore_mem>>
      %dma_wait3A_1097 = arith.constant 0 : i32
      %dma_wait3A_1098 = arith.constant 0 : i32
      %dma_wait3A_1099 = tpu.memref_slice %arg2[%dma_wait3A_1089, %dma_wait3A_1097, %dma_wait3A_1098] : memref<6x16384x128xf32, #tpu.memory_space<hbm>> -> memref<1x128x128xf32, #tpu.memory_space<hbm>>
      %dma_wait3A_1100 = tpu.memref_squeeze %dma_wait3A_1099 : memref<1x128x128xf32, #tpu.memory_space<hbm>> -> memref<128x128xf32, #tpu.memory_space<hbm>>
      tpu.wait_dma2 semaphore(%dma_wait3A_1096 : memref<!tpu.dma_semaphore, #tpu.memory_space<semaphore_mem>>) src(%dma_wait3A_1100 : memref<128x128xf32, #tpu.memory_space<hbm>>) dst(%arg7 : memref<128x128xf32, #tpu.memory_space<vmem>>)
      %dma_wait3A_1101 = arith.constant 0 : i32
      %dma_wait3A_1102 = arith.constant 0 : i32
      %dma_wait3A_1103 = tpu.memref_slice %arg11[%dma_wait3A_1102] : memref<144xi32, #tpu.memory_space<vmem>> -> memref<128xi32, #tpu.memory_space<vmem>>
      %dma_wait3A_1104 = arith.constant 0 : i32
      %dma_wait3A_1105 = tpu.memref_slice %arg3[%dma_wait3A_1104] : memref<98304xi32, #tpu.memory_space<hbm>> -> memref<128xi32, #tpu.memory_space<hbm>>
      %dma_wait3A_1106 = tpu.memref_slice %arg17[%dma_wait3A_1101] : memref<2x!tpu.dma_semaphore, #tpu.memory_space<semaphore_mem>> -> memref<1x!tpu.dma_semaphore, #tpu.memory_space<semaphore_mem>>
      %dma_wait3A_1107 = tpu.memref_squeeze %dma_wait3A_1106 : memref<1x!tpu.dma_semaphore, #tpu.memory_space<semaphore_mem>> -> memref<!tpu.dma_semaphore, #tpu.memory_space<semaphore_mem>>
      %dma_wait3A_1108 = arith.constant 0 : i32
      %dma_wait3A_1109 = tpu.memref_slice %arg11[%dma_wait3A_1108] : memref<144xi32, #tpu.memory_space<vmem>> -> memref<128xi32, #tpu.memory_space<vmem>>
      %dma_wait3A_1110 = arith.constant 0 : i32
      %dma_wait3A_1111 = tpu.memref_slice %arg3[%dma_wait3A_1110] : memref<98304xi32, #tpu.memory_space<hbm>> -> memref<128xi32, #tpu.memory_space<hbm>>
      tpu.wait_dma2 semaphore(%dma_wait3A_1107 : memref<!tpu.dma_semaphore, #tpu.memory_space<semaphore_mem>>) src(%dma_wait3A_1111 : memref<128xi32, #tpu.memory_space<hbm>>) dst(%dma_wait3A_1109 : memref<128xi32, #tpu.memory_space<vmem>>)
      %ge3A = arith.constant 1 : i32
      %ge3A_1112 = arith.cmpi sge, %scan3A_1083, %ge3A : i32
      %convert_element_type3A = arith.extui %ge3A_1112 : i1 to i32
      %cond3A = arith.constant 0 : i32
      %cond3A_1113 = arith.cmpi ne, %convert_element_type3A, %cond3A : i32
      scf.if %cond3A_1113 {
        %dma_wait3A_1312 = arith.constant 0 : i32
        %dma_wait3A_1313 = arith.constant 0 : i32
        %dma_wait3A_1314 = arith.constant 0 : i32
        %dma_wait3A_1315 = arith.constant 0 : i32
        %dma_wait3A_1316 = tpu.memref_slice %arg6[%dma_wait3A_1312, %dma_wait3A_1314, %dma_wait3A_1315] : memref<6x16384x128xf32, #tpu.memory_space<hbm>> -> memref<1x128x128xf32, #tpu.memory_space<hbm>>
        %dma_wait3A_1317 = tpu.memref_squeeze %dma_wait3A_1316 : memref<1x128x128xf32, #tpu.memory_space<hbm>> -> memref<128x128xf32, #tpu.memory_space<hbm>>
        %dma_wait3A_1318 = tpu.memref_slice %arg18[%dma_wait3A_1313] : memref<2x!tpu.dma_semaphore, #tpu.memory_space<semaphore_mem>> -> memref<1x!tpu.dma_semaphore, #tpu.memory_space<semaphore_mem>>
        %dma_wait3A_1319 = tpu.memref_squeeze %dma_wait3A_1318 : memref<1x!tpu.dma_semaphore, #tpu.memory_space<semaphore_mem>> -> memref<!tpu.dma_semaphore, #tpu.memory_space<semaphore_mem>>
        %dma_wait3A_1320 = arith.constant 0 : i32
        %dma_wait3A_1321 = arith.constant 0 : i32
        %dma_wait3A_1322 = tpu.memref_slice %arg6[%dma_wait3A_1312, %dma_wait3A_1320, %dma_wait3A_1321] : memref<6x16384x128xf32, #tpu.memory_space<hbm>> -> memref<1x128x128xf32, #tpu.memory_space<hbm>>
        %dma_wait3A_1323 = tpu.memref_squeeze %dma_wait3A_1322 : memref<1x128x128xf32, #tpu.memory_space<hbm>> -> memref<128x128xf32, #tpu.memory_space<hbm>>
        tpu.wait_dma2 semaphore(%dma_wait3A_1319 : memref<!tpu.dma_semaphore, #tpu.memory_space<semaphore_mem>>) src(%arg9 : memref<128x128xf32, #tpu.memory_space<vmem>>) dst(%dma_wait3A_1323 : memref<128x128xf32, #tpu.memory_space<hbm>>)
      } else {
      }
      %jit3A = arith.constant 4 : i32
      %div3A = arith.divsi %add3A_1088, %jit3A : i32
      %sign3A = arith.constant 0 : i32
      %sign3A_1114 = arith.cmpi sgt, %add3A_1088, %sign3A : i32
      %sign3A_1115 = arith.extui %sign3A_1114 : i1 to i32
      %sign3A_1116 = arith.constant 0 : i32
      %sign3A_1117 = arith.cmpi slt, %add3A_1088, %sign3A_1116 : i32
      %sign3A_1118 = arith.extui %sign3A_1117 : i1 to i32
      %sign3A_1119 = arith.subi %sign3A_1115, %sign3A_1118 : i32
      %sign3A_1120 = arith.constant 0 : i32
      %sign3A_1121 = arith.cmpi sgt, %jit3A, %sign3A_1120 : i32
      %sign3A_1122 = arith.extui %sign3A_1121 : i1 to i32
      %sign3A_1123 = arith.constant 0 : i32
      %sign3A_1124 = arith.cmpi slt, %jit3A, %sign3A_1123 : i32
      %sign3A_1125 = arith.extui %sign3A_1124 : i1 to i32
      %sign3A_1126 = arith.subi %sign3A_1122, %sign3A_1125 : i32
      %ne3A = arith.cmpi ne, %sign3A_1119, %sign3A_1126 : i32
      %rem3A = arith.remsi %add3A_1088, %jit3A : i32
      %ne3A_1127 = arith.constant 0 : i32
      %ne3A_1128 = arith.cmpi ne, %rem3A, %ne3A_1127 : i32
      %and3A = arith.andi %ne3A, %ne3A_1128 : i1
      %sub3A = arith.constant 1 : i32
      %sub3A_1129 = arith.subi %div3A, %sub3A : i32
      %select_n3A = arith.select %and3A, %sub3A_1129, %div3A : i32
      %mul3A_1130 = arith.constant 3 : i32
      %mul3A_1131 = arith.muli %select_n3A, %mul3A_1130 : i32
      %parallel_loop3A = arith.constant 0 : i32
      %parallel_loop3A_1132 = arith.constant 128 : i32
      %parallel_loop3A_1133 = arith.constant 1 : i32
      scf.for %parallel_loop3A_1312 = %parallel_loop3A to %parallel_loop3A_1132 step %parallel_loop3A_1133  : i32 {
        %parallel_loop3A_1313 = arith.index_cast %parallel_loop3A_1312 : i32 to index
        %parallel_loop3A_1314 = tpu.vector_load %arg11[%parallel_loop3A_1313] {strides = array<i32>} : memref<144xi32, #tpu.memory_space<vmem>>, vector<16xi32>,
        %parallel_loop3A_1315 = vector.extract_strided_slice %parallel_loop3A_1314 {offsets = [0], sizes = [1], strides = [1]} : vector<16xi32> to vector<1xi32>
        %parallel_loop3A_1316 = vector.extract %parallel_loop3A_1315[0] : i32 from vector<1xi32>
        %parallel_loop3A_1317 = arith.addi %mul3A_1131, %parallel_loop3A_1316 : i32
        %parallel_loop3A_1318 = arith.constant 128 : i32
        %parallel_loop3A_1319 = arith.muli %parallel_loop3A_1317, %parallel_loop3A_1318 : i32
        %parallel_loop3A_1320 = arith.index_cast %parallel_loop3A_1312 : i32 to index
        %parallel_loop3A_1321 = arith.constant 0 : index
        %parallel_loop3A_1322 = tpu.vector_load %arg7[%parallel_loop3A_1320, %parallel_loop3A_1321] {strides = array<i32>} : memref<128x128xf32, #tpu.memory_space<vmem>>, vector<16xf32>,
        %parallel_loop3A_1323 = arith.constant 0 : i32
        %parallel_loop3A_1324 = arith.addi %parallel_loop3A_1319, %parallel_loop3A_1323 : i32
        %parallel_loop3A_1325 = arith.index_cast %parallel_loop3A_1324 : i32 to index
        %parallel_loop3A_1326 = tpu.vector_load %arg15[%parallel_loop3A_1325] {strides = array<i32>} : memref<2304xf32, #tpu.memory_space<vmem>>, vector<16xf32>,
        %parallel_loop3A_1327 = arith.addf %parallel_loop3A_1322, %parallel_loop3A_1326 : vector<16xf32>
        %parallel_loop3A_1328 = arith.index_cast %parallel_loop3A_1312 : i32 to index
        %parallel_loop3A_1329 = arith.constant 0 : index
        %parallel_loop3A_1330 = tpu.vector_load %arg9[%parallel_loop3A_1328, %parallel_loop3A_1329] {strides = array<i32>} : memref<128x128xf32, #tpu.memory_space<vmem>>, vector<16xf32>,
        tpu.vector_store %arg9[%parallel_loop3A_1328, %parallel_loop3A_1329], %parallel_loop3A_1327 {strides = array<i32>} : memref<128x128xf32, #tpu.memory_space<vmem>>, vector<16xf32>,
        %parallel_loop3A_1331 = arith.index_cast %parallel_loop3A_1312 : i32 to index
        %parallel_loop3A_1332 = arith.constant 16 : index
        %parallel_loop3A_1333 = tpu.vector_load %arg7[%parallel_loop3A_1331, %parallel_loop3A_1332] {strides = array<i32>} : memref<128x128xf32, #tpu.memory_space<vmem>>, vector<16xf32>,
        %parallel_loop3A_1334 = arith.constant 16 : i32
        %parallel_loop3A_1335 = arith.addi %parallel_loop3A_1319, %parallel_loop3A_1334 : i32
        %parallel_loop3A_1336 = arith.index_cast %parallel_loop3A_1335 : i32 to index
        %parallel_loop3A_1337 = tpu.vector_load %arg15[%parallel_loop3A_1336] {strides = array<i32>} : memref<2304xf32, #tpu.memory_space<vmem>>, vector<16xf32>,
        %parallel_loop3A_1338 = arith.addf %parallel_loop3A_1333, %parallel_loop3A_1337 : vector<16xf32>
        %parallel_loop3A_1339 = arith.index_cast %parallel_loop3A_1312 : i32 to index
        %parallel_loop3A_1340 = arith.constant 16 : index
        %parallel_loop3A_1341 = tpu.vector_load %arg9[%parallel_loop3A_1339, %parallel_loop3A_1340] {strides = array<i32>} : memref<128x128xf32, #tpu.memory_space<vmem>>, vector<16xf32>,
        tpu.vector_store %arg9[%parallel_loop3A_1339, %parallel_loop3A_1340], %parallel_loop3A_1338 {strides = array<i32>} : memref<128x128xf32, #tpu.memory_space<vmem>>, vector<16xf32>,
        %parallel_loop3A_1342 = arith.index_cast %parallel_loop3A_1312 : i32 to index
        %parallel_loop3A_1343 = arith.constant 32 : index
        %parallel_loop3A_1344 = tpu.vector_load %arg7[%parallel_loop3A_1342, %parallel_loop3A_1343] {strides = array<i32>} : memref<128x128xf32, #tpu.memory_space<vmem>>, vector<16xf32>,
        %parallel_loop3A_1345 = arith.constant 32 : i32
        %parallel_loop3A_1346 = arith.addi %parallel_loop3A_1319, %parallel_loop3A_1345 : i32
        %parallel_loop3A_1347 = arith.index_cast %parallel_loop3A_1346 : i32 to index
        %parallel_loop3A_1348 = tpu.vector_load %arg15[%parallel_loop3A_1347] {strides = array<i32>} : memref<2304xf32, #tpu.memory_space<vmem>>, vector<16xf32>,
        %parallel_loop3A_1349 = arith.addf %parallel_loop3A_1344, %parallel_loop3A_1348 : vector<16xf32>
        %parallel_loop3A_1350 = arith.index_cast %parallel_loop3A_1312 : i32 to index
        %parallel_loop3A_1351 = arith.constant 32 : index
        %parallel_loop3A_1352 = tpu.vector_load %arg9[%parallel_loop3A_1350, %parallel_loop3A_1351] {strides = array<i32>} : memref<128x128xf32, #tpu.memory_space<vmem>>, vector<16xf32>,
        tpu.vector_store %arg9[%parallel_loop3A_1350, %parallel_loop3A_1351], %parallel_loop3A_1349 {strides = array<i32>} : memref<128x128xf32, #tpu.memory_space<vmem>>, vector<16xf32>,
        %parallel_loop3A_1353 = arith.index_cast %parallel_loop3A_1312 : i32 to index
        %parallel_loop3A_1354 = arith.constant 48 : index
        %parallel_loop3A_1355 = tpu.vector_load %arg7[%parallel_loop3A_1353, %parallel_loop3A_1354] {strides = array<i32>} : memref<128x128xf32, #tpu.memory_space<vmem>>, vector<16xf32>,
        %parallel_loop3A_1356 = arith.constant 48 : i32
        %parallel_loop3A_1357 = arith.addi %parallel_loop3A_1319, %parallel_loop3A_1356 : i32
        %parallel_loop3A_1358 = arith.index_cast %parallel_loop3A_1357 : i32 to index
        %parallel_loop3A_1359 = tpu.vector_load %arg15[%parallel_loop3A_1358] {strides = array<i32>} : memref<2304xf32, #tpu.memory_space<vmem>>, vector<16xf32>,
        %parallel_loop3A_1360 = arith.addf %parallel_loop3A_1355, %parallel_loop3A_1359 : vector<16xf32>
        %parallel_loop3A_1361 = arith.index_cast %parallel_loop3A_1312 : i32 to index
        %parallel_loop3A_1362 = arith.constant 48 : index
        %parallel_loop3A_1363 = tpu.vector_load %arg9[%parallel_loop3A_1361, %parallel_loop3A_1362] {strides = array<i32>} : memref<128x128xf32, #tpu.memory_space<vmem>>, vector<16xf32>,
        tpu.vector_store %arg9[%parallel_loop3A_1361, %parallel_loop3A_1362], %parallel_loop3A_1360 {strides = array<i32>} : memref<128x128xf32, #tpu.memory_space<vmem>>, vector<16xf32>,
        %parallel_loop3A_1364 = arith.index_cast %parallel_loop3A_1312 : i32 to index
        %parallel_loop3A_1365 = arith.constant 64 : index
        %parallel_loop3A_1366 = tpu.vector_load %arg7[%parallel_loop3A_1364, %parallel_loop3A_1365] {strides = array<i32>} : memref<128x128xf32, #tpu.memory_space<vmem>>, vector<16xf32>,
        %parallel_loop3A_1367 = arith.constant 64 : i32
        %parallel_loop3A_1368 = arith.addi %parallel_loop3A_1319, %parallel_loop3A_1367 : i32
        %parallel_loop3A_1369 = arith.index_cast %parallel_loop3A_1368 : i32 to index
        %parallel_loop3A_1370 = tpu.vector_load %arg15[%parallel_loop3A_1369] {strides = array<i32>} : memref<2304xf32, #tpu.memory_space<vmem>>, vector<16xf32>,
        %parallel_loop3A_1371 = arith.addf %parallel_loop3A_1366, %parallel_loop3A_1370 : vector<16xf32>
        %parallel_loop3A_1372 = arith.index_cast %parallel_loop3A_1312 : i32 to index
        %parallel_loop3A_1373 = arith.constant 64 : index
        %parallel_loop3A_1374 = tpu.vector_load %arg9[%parallel_loop3A_1372, %parallel_loop3A_1373] {strides = array<i32>} : memref<128x128xf32, #tpu.memory_space<vmem>>, vector<16xf32>,
        tpu.vector_store %arg9[%parallel_loop3A_1372, %parallel_loop3A_1373], %parallel_loop3A_1371 {strides = array<i32>} : memref<128x128xf32, #tpu.memory_space<vmem>>, vector<16xf32>,
        %parallel_loop3A_1375 = arith.index_cast %parallel_loop3A_1312 : i32 to index
        %parallel_loop3A_1376 = arith.constant 80 : index
        %parallel_loop3A_1377 = tpu.vector_load %arg7[%parallel_loop3A_1375, %parallel_loop3A_1376] {strides = array<i32>} : memref<128x128xf32, #tpu.memory_space<vmem>>, vector<16xf32>,
        %parallel_loop3A_1378 = arith.constant 80 : i32
        %parallel_loop3A_1379 = arith.addi %parallel_loop3A_1319, %parallel_loop3A_1378 : i32
        %parallel_loop3A_1380 = arith.index_cast %parallel_loop3A_1379 : i32 to index
        %parallel_loop3A_1381 = tpu.vector_load %arg15[%parallel_loop3A_1380] {strides = array<i32>} : memref<2304xf32, #tpu.memory_space<vmem>>, vector<16xf32>,
        %parallel_loop3A_1382 = arith.addf %parallel_loop3A_1377, %parallel_loop3A_1381 : vector<16xf32>
        %parallel_loop3A_1383 = arith.index_cast %parallel_loop3A_1312 : i32 to index
        %parallel_loop3A_1384 = arith.constant 80 : index
        %parallel_loop3A_1385 = tpu.vector_load %arg9[%parallel_loop3A_1383, %parallel_loop3A_1384] {strides = array<i32>} : memref<128x128xf32, #tpu.memory_space<vmem>>, vector<16xf32>,
        tpu.vector_store %arg9[%parallel_loop3A_1383, %parallel_loop3A_1384], %parallel_loop3A_1382 {strides = array<i32>} : memref<128x128xf32, #tpu.memory_space<vmem>>, vector<16xf32>,
        %parallel_loop3A_1386 = arith.index_cast %parallel_loop3A_1312 : i32 to index
        %parallel_loop3A_1387 = arith.constant 96 : index
        %parallel_loop3A_1388 = tpu.vector_load %arg7[%parallel_loop3A_1386, %parallel_loop3A_1387] {strides = array<i32>} : memref<128x128xf32, #tpu.memory_space<vmem>>, vector<16xf32>,
        %parallel_loop3A_1389 = arith.constant 96 : i32
        %parallel_loop3A_1390 = arith.addi %parallel_loop3A_1319, %parallel_loop3A_1389 : i32
        %parallel_loop3A_1391 = arith.index_cast %parallel_loop3A_1390 : i32 to index
        %parallel_loop3A_1392 = tpu.vector_load %arg15[%parallel_loop3A_1391] {strides = array<i32>} : memref<2304xf32, #tpu.memory_space<vmem>>, vector<16xf32>,
        %parallel_loop3A_1393 = arith.addf %parallel_loop3A_1388, %parallel_loop3A_1392 : vector<16xf32>
        %parallel_loop3A_1394 = arith.index_cast %parallel_loop3A_1312 : i32 to index
        %parallel_loop3A_1395 = arith.constant 96 : index
        %parallel_loop3A_1396 = tpu.vector_load %arg9[%parallel_loop3A_1394, %parallel_loop3A_1395] {strides = array<i32>} : memref<128x128xf32, #tpu.memory_space<vmem>>, vector<16xf32>,
        tpu.vector_store %arg9[%parallel_loop3A_1394, %parallel_loop3A_1395], %parallel_loop3A_1393 {strides = array<i32>} : memref<128x128xf32, #tpu.memory_space<vmem>>, vector<16xf32>,
        %parallel_loop3A_1397 = arith.index_cast %parallel_loop3A_1312 : i32 to index
        %parallel_loop3A_1398 = arith.constant 112 : index
        %parallel_loop3A_1399 = tpu.vector_load %arg7[%parallel_loop3A_1397, %parallel_loop3A_1398] {strides = array<i32>} : memref<128x128xf32, #tpu.memory_space<vmem>>, vector<16xf32>,
        %parallel_loop3A_1400 = arith.constant 112 : i32
        %parallel_loop3A_1401 = arith.addi %parallel_loop3A_1319, %parallel_loop3A_1400 : i32
        %parallel_loop3A_1402 = arith.index_cast %parallel_loop3A_1401 : i32 to index
        %parallel_loop3A_1403 = tpu.vector_load %arg15[%parallel_loop3A_1402] {strides = array<i32>} : memref<2304xf32, #tpu.memory_space<vmem>>, vector<16xf32>,
        %parallel_loop3A_1404 = arith.addf %parallel_loop3A_1399, %parallel_loop3A_1403 : vector<16xf32>
        %parallel_loop3A_1405 = arith.index_cast %parallel_loop3A_1312 : i32 to index
        %parallel_loop3A_1406 = arith.constant 112 : index
        %parallel_loop3A_1407 = tpu.vector_load %arg9[%parallel_loop3A_1405, %parallel_loop3A_1406] {strides = array<i32>} : memref<128x128xf32, #tpu.memory_space<vmem>>, vector<16xf32>,
        tpu.vector_store %arg9[%parallel_loop3A_1405, %parallel_loop3A_1406], %parallel_loop3A_1404 {strides = array<i32>} : memref<128x128xf32, #tpu.memory_space<vmem>>, vector<16xf32>,
      } {sc.loop_unroll_factor = 4 : i64, sc.parallel_access}
      %jit3A_1134 = arith.constant 4 : i32
      %div3A_1135 = arith.divsi %add3A_1088, %jit3A_1134 : i32
      %sign3A_1136 = arith.constant 0 : i32
      %sign3A_1137 = arith.cmpi sgt, %add3A_1088, %sign3A_1136 : i32
      %sign3A_1138 = arith.extui %sign3A_1137 : i1 to i32
      %sign3A_1139 = arith.constant 0 : i32
      %sign3A_1140 = arith.cmpi slt, %add3A_1088, %sign3A_1139 : i32
      %sign3A_1141 = arith.extui %sign3A_1140 : i1 to i32
      %sign3A_1142 = arith.subi %sign3A_1138, %sign3A_1141 : i32
      %sign3A_1143 = arith.constant 0 : i32
      %sign3A_1144 = arith.cmpi sgt, %jit3A_1134, %sign3A_1143 : i32
      %sign3A_1145 = arith.extui %sign3A_1144 : i1 to i32
      %sign3A_1146 = arith.constant 0 : i32
      %sign3A_1147 = arith.cmpi slt, %jit3A_1134, %sign3A_1146 : i32
      %sign3A_1148 = arith.extui %sign3A_1147 : i1 to i32
      %sign3A_1149 = arith.subi %sign3A_1145, %sign3A_1148 : i32
      %ne3A_1150 = arith.cmpi ne, %sign3A_1142, %sign3A_1149 : i32
      %rem3A_1151 = arith.remsi %add3A_1088, %jit3A_1134 : i32
      %ne3A_1152 = arith.constant 0 : i32
      %ne3A_1153 = arith.cmpi ne, %rem3A_1151, %ne3A_1152 : i32
      %and3A_1154 = arith.andi %ne3A_1150, %ne3A_1153 : i1
      %sub3A_1155 = arith.constant 1 : i32
      %sub3A_1156 = arith.subi %div3A_1135, %sub3A_1155 : i32
      %select_n3A_1157 = arith.select %and3A_1154, %sub3A_1156, %div3A_1135 : i32
      %jit3A_1158 = arith.constant 4 : i32
      %eq3A = arith.constant 0 : i32
      %eq3A_1159 = arith.cmpi eq, %jit3A_1158, %eq3A : i32
      %jit3A_1160 = arith.constant 1 : i32
      %select_n3A_1161 = arith.select %eq3A_1159, %jit3A_1160, %jit3A_1158 : i32
      %rem3A_1162 = arith.remsi %add3A_1088, %select_n3A_1161 : i32
      %ne3A_1163 = arith.constant 0 : i32
      %ne3A_1164 = arith.cmpi ne, %rem3A_1162, %ne3A_1163 : i32
      %lt3A = arith.constant 0 : i32
      %lt3A_1165 = arith.cmpi slt, %rem3A_1162, %lt3A : i32
      %lt3A_1166 = arith.constant 0 : i32
      %lt3A_1167 = arith.cmpi slt, %select_n3A_1161, %lt3A_1166 : i32
      %ne3A_1168 = arith.xori %lt3A_1165, %lt3A_1167 : i1
      %and3A_1169 = arith.andi %ne3A_1168, %ne3A_1164 : i1
      %add3A_1170 = arith.addi %rem3A_1162, %select_n3A_1161 : i32
      %select_n3A_1171 = arith.select %and3A_1169, %add3A_1170, %rem3A_1162 : i32
      %mul3A_1172 = arith.constant 128 : i32
      %mul3A_1173 = arith.muli %select_n3A_1171, %mul3A_1172 : i32
      %add3A_1174 = arith.addi %mul3A_2, %mul3A_1173 : i32
      %dma_start3A_1175 = arith.constant 0 : i32
      %dma_start3A_1176 = arith.constant 0 : i32
      %dma_start3A_1177 = tpu.memref_slice %arg6[%select_n3A_1157, %add3A_1174, %dma_start3A_1176] : memref<6x16384x128xf32, #tpu.memory_space<hbm>> -> memref<1x128x128xf32, #tpu.memory_space<hbm>>
      %dma_start3A_1178 = tpu.memref_squeeze %dma_start3A_1177 : memref<1x128x128xf32, #tpu.memory_space<hbm>> -> memref<128x128xf32, #tpu.memory_space<hbm>>
      %dma_start3A_1179 = tpu.memref_slice %arg18[%dma_start3A_1175] : memref<2x!tpu.dma_semaphore, #tpu.memory_space<semaphore_mem>> -> memref<1x!tpu.dma_semaphore, #tpu.memory_space<semaphore_mem>>
      %dma_start3A_1180 = tpu.memref_squeeze %dma_start3A_1179 : memref<1x!tpu.dma_semaphore, #tpu.memory_space<semaphore_mem>> -> memref<!tpu.dma_semaphore, #tpu.memory_space<semaphore_mem>>
      %dma_start3A_1181 = arith.constant 0 : i32
      %dma_start3A_1182 = tpu.memref_slice %arg6[%select_n3A_1157, %add3A_1174, %dma_start3A_1181] : memref<6x16384x128xf32, #tpu.memory_space<hbm>> -> memref<1x128x128xf32, #tpu.memory_space<hbm>>
      %dma_start3A_1183 = tpu.memref_squeeze %dma_start3A_1182 : memref<1x128x128xf32, #tpu.memory_space<hbm>> -> memref<128x128xf32, #tpu.memory_space<hbm>>
      tpu.enqueue_dma source(%arg9 : memref<128x128xf32, #tpu.memory_space<vmem>>) target(%dma_start3A_1183 : memref<128x128xf32, #tpu.memory_space<hbm>>) target_semaphore(%dma_start3A_1180 : memref<!tpu.dma_semaphore, #tpu.memory_space<semaphore_mem>>)
      %add3A_1184 = arith.constant 2 : i32
      %add3A_1185 = arith.addi %add3A_1088, %add3A_1184 : i32
      %lt3A_1186 = arith.constant 24 : i32
      %lt3A_1187 = arith.cmpi slt, %add3A_1185, %lt3A_1186 : i32
      %convert_element_type3A_1188 = arith.extui %lt3A_1187 : i1 to i32
      %cond3A_1189 = arith.constant 0 : i32
      %cond3A_1190 = arith.cmpi ne, %convert_element_type3A_1188, %cond3A_1189 : i32
      scf.if %cond3A_1190 {
        %add3A_1312 = arith.constant 2 : i32
        %add3A_1313 = arith.addi %add3A_1088, %add3A_1312 : i32
        %jit3A_1314 = arith.constant 4 : i32
        %div3A_1315 = arith.divsi %add3A_1313, %jit3A_1314 : i32
        %sign3A_1316 = arith.constant 0 : i32
        %sign3A_1317 = arith.cmpi sgt, %add3A_1313, %sign3A_1316 : i32
        %sign3A_1318 = arith.extui %sign3A_1317 : i1 to i32
        %sign3A_1319 = arith.constant 0 : i32
        %sign3A_1320 = arith.cmpi slt, %add3A_1313, %sign3A_1319 : i32
        %sign3A_1321 = arith.extui %sign3A_1320 : i1 to i32
        %sign3A_1322 = arith.subi %sign3A_1318, %sign3A_1321 : i32
        %sign3A_1323 = arith.constant 0 : i32
        %sign3A_1324 = arith.cmpi sgt, %jit3A_1314, %sign3A_1323 : i32
        %sign3A_1325 = arith.extui %sign3A_1324 : i1 to i32
        %sign3A_1326 = arith.constant 0 : i32
        %sign3A_1327 = arith.cmpi slt, %jit3A_1314, %sign3A_1326 : i32
        %sign3A_1328 = arith.extui %sign3A_1327 : i1 to i32
        %sign3A_1329 = arith.subi %sign3A_1325, %sign3A_1328 : i32
        %ne3A_1330 = arith.cmpi ne, %sign3A_1322, %sign3A_1329 : i32
        %rem3A_1331 = arith.remsi %add3A_1313, %jit3A_1314 : i32
        %ne3A_1332 = arith.constant 0 : i32
        %ne3A_1333 = arith.cmpi ne, %rem3A_1331, %ne3A_1332 : i32
        %and3A_1334 = arith.andi %ne3A_1330, %ne3A_1333 : i1
        %sub3A_1335 = arith.constant 1 : i32
        %sub3A_1336 = arith.subi %div3A_1315, %sub3A_1335 : i32
        %select_n3A_1337 = arith.select %and3A_1334, %sub3A_1336, %div3A_1315 : i32
        %jit3A_1338 = arith.constant 4 : i32
        %eq3A_1339 = arith.constant 0 : i32
        %eq3A_1340 = arith.cmpi eq, %jit3A_1338, %eq3A_1339 : i32
        %jit3A_1341 = arith.constant 1 : i32
        %select_n3A_1342 = arith.select %eq3A_1340, %jit3A_1341, %jit3A_1338 : i32
        %rem3A_1343 = arith.remsi %add3A_1313, %select_n3A_1342 : i32
        %ne3A_1344 = arith.constant 0 : i32
        %ne3A_1345 = arith.cmpi ne, %rem3A_1343, %ne3A_1344 : i32
        %lt3A_1346 = arith.constant 0 : i32
        %lt3A_1347 = arith.cmpi slt, %rem3A_1343, %lt3A_1346 : i32
        %lt3A_1348 = arith.constant 0 : i32
        %lt3A_1349 = arith.cmpi slt, %select_n3A_1342, %lt3A_1348 : i32
        %ne3A_1350 = arith.xori %lt3A_1347, %lt3A_1349 : i1
        %and3A_1351 = arith.andi %ne3A_1350, %ne3A_1345 : i1
        %add3A_1352 = arith.addi %rem3A_1343, %select_n3A_1342 : i32
        %select_n3A_1353 = arith.select %and3A_1351, %add3A_1352, %rem3A_1343 : i32
        %mul3A_1354 = arith.constant 128 : i32
        %mul3A_1355 = arith.muli %select_n3A_1353, %mul3A_1354 : i32
        %add3A_1356 = arith.addi %mul3A_2, %mul3A_1355 : i32
        %dma_start3A_1357 = arith.constant 0 : i32
        %dma_start3A_1358 = arith.constant 0 : i32
        %dma_start3A_1359 = tpu.memref_slice %arg2[%select_n3A_1337, %add3A_1356, %dma_start3A_1358] : memref<6x16384x128xf32, #tpu.memory_space<hbm>> -> memref<1x128x128xf32, #tpu.memory_space<hbm>>
        %dma_start3A_1360 = tpu.memref_squeeze %dma_start3A_1359 : memref<1x128x128xf32, #tpu.memory_space<hbm>> -> memref<128x128xf32, #tpu.memory_space<hbm>>
        %dma_start3A_1361 = tpu.memref_slice %arg16[%dma_start3A_1357] : memref<2x!tpu.dma_semaphore, #tpu.memory_space<semaphore_mem>> -> memref<1x!tpu.dma_semaphore, #tpu.memory_space<semaphore_mem>>
        %dma_start3A_1362 = tpu.memref_squeeze %dma_start3A_1361 : memref<1x!tpu.dma_semaphore, #tpu.memory_space<semaphore_mem>> -> memref<!tpu.dma_semaphore, #tpu.memory_space<semaphore_mem>>
        %dma_start3A_1363 = arith.constant 0 : i32
        %dma_start3A_1364 = tpu.memref_slice %arg2[%select_n3A_1337, %add3A_1356, %dma_start3A_1363] : memref<6x16384x128xf32, #tpu.memory_space<hbm>> -> memref<1x128x128xf32, #tpu.memory_space<hbm>>
        %dma_start3A_1365 = tpu.memref_squeeze %dma_start3A_1364 : memref<1x128x128xf32, #tpu.memory_space<hbm>> -> memref<128x128xf32, #tpu.memory_space<hbm>>
        tpu.enqueue_dma source(%dma_start3A_1365 : memref<128x128xf32, #tpu.memory_space<hbm>>) target(%arg7 : memref<128x128xf32, #tpu.memory_space<vmem>>) target_semaphore(%dma_start3A_1362 : memref<!tpu.dma_semaphore, #tpu.memory_space<semaphore_mem>>)
        %mul3A_1366 = arith.constant 16384 : i32
        %mul3A_1367 = arith.muli %select_n3A_1337, %mul3A_1366 : i32
        %add3A_1368 = arith.addi %mul3A_1367, %add3A_1356 : i32
        %dma_start3A_1369 = arith.constant 0 : i32
        %dma_start3A_1370 = arith.constant 0 : i32
        %dma_start3A_1371 = tpu.memref_slice %arg11[%dma_start3A_1370] : memref<144xi32, #tpu.memory_space<vmem>> -> memref<128xi32, #tpu.memory_space<vmem>>
        %dma_start3A_1372 = tpu.memref_slice %arg3[%add3A_1368] : memref<98304xi32, #tpu.memory_space<hbm>> -> memref<128xi32, #tpu.memory_space<hbm>>
        %dma_start3A_1373 = tpu.memref_slice %arg17[%dma_start3A_1369] : memref<2x!tpu.dma_semaphore, #tpu.memory_space<semaphore_mem>> -> memref<1x!tpu.dma_semaphore, #tpu.memory_space<semaphore_mem>>
        %dma_start3A_1374 = tpu.memref_squeeze %dma_start3A_1373 : memref<1x!tpu.dma_semaphore, #tpu.memory_space<semaphore_mem>> -> memref<!tpu.dma_semaphore, #tpu.memory_space<semaphore_mem>>
        %dma_start3A_1375 = arith.constant 0 : i32
        %dma_start3A_1376 = tpu.memref_slice %arg11[%dma_start3A_1375] : memref<144xi32, #tpu.memory_space<vmem>> -> memref<128xi32, #tpu.memory_space<vmem>>
        %dma_start3A_1377 = tpu.memref_slice %arg3[%add3A_1368] : memref<98304xi32, #tpu.memory_space<hbm>> -> memref<128xi32, #tpu.memory_space<hbm>>
        tpu.enqueue_dma source(%dma_start3A_1377 : memref<128xi32, #tpu.memory_space<hbm>>) target(%dma_start3A_1376 : memref<128xi32, #tpu.memory_space<vmem>>) target_semaphore(%dma_start3A_1374 : memref<!tpu.dma_semaphore, #tpu.memory_space<semaphore_mem>>)
      } else {
      }
      %mul3A_1191 = arith.constant 2 : i32
      %mul3A_1192 = arith.muli %mul3A_1191, %scan3A_1083 : i32
      %add3A_1193 = arith.constant 1 : i32
      %add3A_1194 = arith.addi %mul3A_1192, %add3A_1193 : i32
      %dma_wait3A_1195 = arith.constant 0 : i32
      %dma_wait3A_1196 = arith.constant 1 : i32
      %dma_wait3A_1197 = arith.constant 0 : i32
      %dma_wait3A_1198 = arith.constant 0 : i32
      %dma_wait3A_1199 = tpu.memref_slice %arg2[%dma_wait3A_1195, %dma_wait3A_1197, %dma_wait3A_1198] : memref<6x16384x128xf32, #tpu.memory_space<hbm>> -> memref<1x128x128xf32, #tpu.memory_space<hbm>>
      %dma_wait3A_1200 = tpu.memref_squeeze %dma_wait3A_1199 : memref<1x128x128xf32, #tpu.memory_space<hbm>> -> memref<128x128xf32, #tpu.memory_space<hbm>>
      %dma_wait3A_1201 = tpu.memref_slice %arg16[%dma_wait3A_1196] : memref<2x!tpu.dma_semaphore, #tpu.memory_space<semaphore_mem>> -> memref<1x!tpu.dma_semaphore, #tpu.memory_space<semaphore_mem>>
      %dma_wait3A_1202 = tpu.memref_squeeze %dma_wait3A_1201 : memref<1x!tpu.dma_semaphore, #tpu.memory_space<semaphore_mem>> -> memref<!tpu.dma_semaphore, #tpu.memory_space<semaphore_mem>>
      %dma_wait3A_1203 = arith.constant 0 : i32
      %dma_wait3A_1204 = arith.constant 0 : i32
      %dma_wait3A_1205 = tpu.memref_slice %arg2[%dma_wait3A_1195, %dma_wait3A_1203, %dma_wait3A_1204] : memref<6x16384x128xf32, #tpu.memory_space<hbm>> -> memref<1x128x128xf32, #tpu.memory_space<hbm>>
      %dma_wait3A_1206 = tpu.memref_squeeze %dma_wait3A_1205 : memref<1x128x128xf32, #tpu.memory_space<hbm>> -> memref<128x128xf32, #tpu.memory_space<hbm>>
      tpu.wait_dma2 semaphore(%dma_wait3A_1202 : memref<!tpu.dma_semaphore, #tpu.memory_space<semaphore_mem>>) src(%dma_wait3A_1206 : memref<128x128xf32, #tpu.memory_space<hbm>>) dst(%arg8 : memref<128x128xf32, #tpu.memory_space<vmem>>)
      %dma_wait3A_1207 = arith.constant 1 : i32
      %dma_wait3A_1208 = arith.constant 0 : i32
      %dma_wait3A_1209 = tpu.memref_slice %arg12[%dma_wait3A_1208] : memref<144xi32, #tpu.memory_space<vmem>> -> memref<128xi32, #tpu.memory_space<vmem>>
      %dma_wait3A_1210 = arith.constant 0 : i32
      %dma_wait3A_1211 = tpu.memref_slice %arg3[%dma_wait3A_1210] : memref<98304xi32, #tpu.memory_space<hbm>> -> memref<128xi32, #tpu.memory_space<hbm>>
      %dma_wait3A_1212 = tpu.memref_slice %arg17[%dma_wait3A_1207] : memref<2x!tpu.dma_semaphore, #tpu.memory_space<semaphore_mem>> -> memref<1x!tpu.dma_semaphore, #tpu.memory_space<semaphore_mem>>
      %dma_wait3A_1213 = tpu.memref_squeeze %dma_wait3A_1212 : memref<1x!tpu.dma_semaphore, #tpu.memory_space<semaphore_mem>> -> memref<!tpu.dma_semaphore, #tpu.memory_space<semaphore_mem>>
      %dma_wait3A_1214 = arith.constant 0 : i32
      %dma_wait3A_1215 = tpu.memref_slice %arg12[%dma_wait3A_1214] : memref<144xi32, #tpu.memory_space<vmem>> -> memref<128xi32, #tpu.memory_space<vmem>>
      %dma_wait3A_1216 = arith.constant 0 : i32
      %dma_wait3A_1217 = tpu.memref_slice %arg3[%dma_wait3A_1216] : memref<98304xi32, #tpu.memory_space<hbm>> -> memref<128xi32, #tpu.memory_space<hbm>>
      tpu.wait_dma2 semaphore(%dma_wait3A_1213 : memref<!tpu.dma_semaphore, #tpu.memory_space<semaphore_mem>>) src(%dma_wait3A_1217 : memref<128xi32, #tpu.memory_space<hbm>>) dst(%dma_wait3A_1215 : memref<128xi32, #tpu.memory_space<vmem>>)
      %ge3A_1218 = arith.constant 1 : i32
      %ge3A_1219 = arith.cmpi sge, %scan3A_1083, %ge3A_1218 : i32
      %convert_element_type3A_1220 = arith.extui %ge3A_1219 : i1 to i32
      %cond3A_1221 = arith.constant 0 : i32
      %cond3A_1222 = arith.cmpi ne, %convert_element_type3A_1220, %cond3A_1221 : i32
      scf.if %cond3A_1222 {
        %dma_wait3A_1312 = arith.constant 0 : i32
        %dma_wait3A_1313 = arith.constant 1 : i32
        %dma_wait3A_1314 = arith.constant 0 : i32
        %dma_wait3A_1315 = arith.constant 0 : i32
        %dma_wait3A_1316 = tpu.memref_slice %arg6[%dma_wait3A_1312, %dma_wait3A_1314, %dma_wait3A_1315] : memref<6x16384x128xf32, #tpu.memory_space<hbm>> -> memref<1x128x128xf32, #tpu.memory_space<hbm>>
        %dma_wait3A_1317 = tpu.memref_squeeze %dma_wait3A_1316 : memref<1x128x128xf32, #tpu.memory_space<hbm>> -> memref<128x128xf32, #tpu.memory_space<hbm>>
        %dma_wait3A_1318 = tpu.memref_slice %arg18[%dma_wait3A_1313] : memref<2x!tpu.dma_semaphore, #tpu.memory_space<semaphore_mem>> -> memref<1x!tpu.dma_semaphore, #tpu.memory_space<semaphore_mem>>
        %dma_wait3A_1319 = tpu.memref_squeeze %dma_wait3A_1318 : memref<1x!tpu.dma_semaphore, #tpu.memory_space<semaphore_mem>> -> memref<!tpu.dma_semaphore, #tpu.memory_space<semaphore_mem>>
        %dma_wait3A_1320 = arith.constant 0 : i32
        %dma_wait3A_1321 = arith.constant 0 : i32
        %dma_wait3A_1322 = tpu.memref_slice %arg6[%dma_wait3A_1312, %dma_wait3A_1320, %dma_wait3A_1321] : memref<6x16384x128xf32, #tpu.memory_space<hbm>> -> memref<1x128x128xf32, #tpu.memory_space<hbm>>
        %dma_wait3A_1323 = tpu.memref_squeeze %dma_wait3A_1322 : memref<1x128x128xf32, #tpu.memory_space<hbm>> -> memref<128x128xf32, #tpu.memory_space<hbm>>
        tpu.wait_dma2 semaphore(%dma_wait3A_1319 : memref<!tpu.dma_semaphore, #tpu.memory_space<semaphore_mem>>) src(%arg10 : memref<128x128xf32, #tpu.memory_space<vmem>>) dst(%dma_wait3A_1323 : memref<128x128xf32, #tpu.memory_space<hbm>>)
      } else {
      }
      %jit3A_1223 = arith.constant 4 : i32
      %div3A_1224 = arith.divsi %add3A_1194, %jit3A_1223 : i32
      %sign3A_1225 = arith.constant 0 : i32
      %sign3A_1226 = arith.cmpi sgt, %add3A_1194, %sign3A_1225 : i32
      %sign3A_1227 = arith.extui %sign3A_1226 : i1 to i32
      %sign3A_1228 = arith.constant 0 : i32
      %sign3A_1229 = arith.cmpi slt, %add3A_1194, %sign3A_1228 : i32
      %sign3A_1230 = arith.extui %sign3A_1229 : i1 to i32
      %sign3A_1231 = arith.subi %sign3A_1227, %sign3A_1230 : i32
      %sign3A_1232 = arith.constant 0 : i32
      %sign3A_1233 = arith.cmpi sgt, %jit3A_1223, %sign3A_1232 : i32
      %sign3A_1234 = arith.extui %sign3A_1233 : i1 to i32
      %sign3A_1235 = arith.constant 0 : i32
      %sign3A_1236 = arith.cmpi slt, %jit3A_1223, %sign3A_1235 : i32
      %sign3A_1237 = arith.extui %sign3A_1236 : i1 to i32
      %sign3A_1238 = arith.subi %sign3A_1234, %sign3A_1237 : i32
      %ne3A_1239 = arith.cmpi ne, %sign3A_1231, %sign3A_1238 : i32
      %rem3A_1240 = arith.remsi %add3A_1194, %jit3A_1223 : i32
      %ne3A_1241 = arith.constant 0 : i32
      %ne3A_1242 = arith.cmpi ne, %rem3A_1240, %ne3A_1241 : i32
      %and3A_1243 = arith.andi %ne3A_1239, %ne3A_1242 : i1
      %sub3A_1244 = arith.constant 1 : i32
      %sub3A_1245 = arith.subi %div3A_1224, %sub3A_1244 : i32
      %select_n3A_1246 = arith.select %and3A_1243, %sub3A_1245, %div3A_1224 : i32
      %mul3A_1247 = arith.constant 3 : i32
      %mul3A_1248 = arith.muli %select_n3A_1246, %mul3A_1247 : i32
      %parallel_loop3A_1249 = arith.constant 0 : i32
      %parallel_loop3A_1250 = arith.constant 128 : i32
      %parallel_loop3A_1251 = arith.constant 1 : i32
      scf.for %parallel_loop3A_1312 = %parallel_loop3A_1249 to %parallel_loop3A_1250 step %parallel_loop3A_1251  : i32 {
        %parallel_loop3A_1313 = arith.index_cast %parallel_loop3A_1312 : i32 to index
        %parallel_loop3A_1314 = tpu.vector_load %arg12[%parallel_loop3A_1313] {strides = array<i32>} : memref<144xi32, #tpu.memory_space<vmem>>, vector<16xi32>,
        %parallel_loop3A_1315 = vector.extract_strided_slice %parallel_loop3A_1314 {offsets = [0], sizes = [1], strides = [1]} : vector<16xi32> to vector<1xi32>
        %parallel_loop3A_1316 = vector.extract %parallel_loop3A_1315[0] : i32 from vector<1xi32>
        %parallel_loop3A_1317 = arith.addi %mul3A_1248, %parallel_loop3A_1316 : i32
        %parallel_loop3A_1318 = arith.constant 128 : i32
        %parallel_loop3A_1319 = arith.muli %parallel_loop3A_1317, %parallel_loop3A_1318 : i32
        %parallel_loop3A_1320 = arith.index_cast %parallel_loop3A_1312 : i32 to index
        %parallel_loop3A_1321 = arith.constant 0 : index
        %parallel_loop3A_1322 = tpu.vector_load %arg8[%parallel_loop3A_1320, %parallel_loop3A_1321] {strides = array<i32>} : memref<128x128xf32, #tpu.memory_space<vmem>>, vector<16xf32>,
        %parallel_loop3A_1323 = arith.constant 0 : i32
        %parallel_loop3A_1324 = arith.addi %parallel_loop3A_1319, %parallel_loop3A_1323 : i32
        %parallel_loop3A_1325 = arith.index_cast %parallel_loop3A_1324 : i32 to index
        %parallel_loop3A_1326 = tpu.vector_load %arg15[%parallel_loop3A_1325] {strides = array<i32>} : memref<2304xf32, #tpu.memory_space<vmem>>, vector<16xf32>,
        %parallel_loop3A_1327 = arith.addf %parallel_loop3A_1322, %parallel_loop3A_1326 : vector<16xf32>
        %parallel_loop3A_1328 = arith.index_cast %parallel_loop3A_1312 : i32 to index
        %parallel_loop3A_1329 = arith.constant 0 : index
        %parallel_loop3A_1330 = tpu.vector_load %arg10[%parallel_loop3A_1328, %parallel_loop3A_1329] {strides = array<i32>} : memref<128x128xf32, #tpu.memory_space<vmem>>, vector<16xf32>,
        tpu.vector_store %arg10[%parallel_loop3A_1328, %parallel_loop3A_1329], %parallel_loop3A_1327 {strides = array<i32>} : memref<128x128xf32, #tpu.memory_space<vmem>>, vector<16xf32>,
        %parallel_loop3A_1331 = arith.index_cast %parallel_loop3A_1312 : i32 to index
        %parallel_loop3A_1332 = arith.constant 16 : index
        %parallel_loop3A_1333 = tpu.vector_load %arg8[%parallel_loop3A_1331, %parallel_loop3A_1332] {strides = array<i32>} : memref<128x128xf32, #tpu.memory_space<vmem>>, vector<16xf32>,
        %parallel_loop3A_1334 = arith.constant 16 : i32
        %parallel_loop3A_1335 = arith.addi %parallel_loop3A_1319, %parallel_loop3A_1334 : i32
        %parallel_loop3A_1336 = arith.index_cast %parallel_loop3A_1335 : i32 to index
        %parallel_loop3A_1337 = tpu.vector_load %arg15[%parallel_loop3A_1336] {strides = array<i32>} : memref<2304xf32, #tpu.memory_space<vmem>>, vector<16xf32>,
        %parallel_loop3A_1338 = arith.addf %parallel_loop3A_1333, %parallel_loop3A_1337 : vector<16xf32>
        %parallel_loop3A_1339 = arith.index_cast %parallel_loop3A_1312 : i32 to index
        %parallel_loop3A_1340 = arith.constant 16 : index
        %parallel_loop3A_1341 = tpu.vector_load %arg10[%parallel_loop3A_1339, %parallel_loop3A_1340] {strides = array<i32>} : memref<128x128xf32, #tpu.memory_space<vmem>>, vector<16xf32>,
        tpu.vector_store %arg10[%parallel_loop3A_1339, %parallel_loop3A_1340], %parallel_loop3A_1338 {strides = array<i32>} : memref<128x128xf32, #tpu.memory_space<vmem>>, vector<16xf32>,
        %parallel_loop3A_1342 = arith.index_cast %parallel_loop3A_1312 : i32 to index
        %parallel_loop3A_1343 = arith.constant 32 : index
        %parallel_loop3A_1344 = tpu.vector_load %arg8[%parallel_loop3A_1342, %parallel_loop3A_1343] {strides = array<i32>} : memref<128x128xf32, #tpu.memory_space<vmem>>, vector<16xf32>,
        %parallel_loop3A_1345 = arith.constant 32 : i32
        %parallel_loop3A_1346 = arith.addi %parallel_loop3A_1319, %parallel_loop3A_1345 : i32
        %parallel_loop3A_1347 = arith.index_cast %parallel_loop3A_1346 : i32 to index
        %parallel_loop3A_1348 = tpu.vector_load %arg15[%parallel_loop3A_1347] {strides = array<i32>} : memref<2304xf32, #tpu.memory_space<vmem>>, vector<16xf32>,
        %parallel_loop3A_1349 = arith.addf %parallel_loop3A_1344, %parallel_loop3A_1348 : vector<16xf32>
        %parallel_loop3A_1350 = arith.index_cast %parallel_loop3A_1312 : i32 to index
        %parallel_loop3A_1351 = arith.constant 32 : index
        %parallel_loop3A_1352 = tpu.vector_load %arg10[%parallel_loop3A_1350, %parallel_loop3A_1351] {strides = array<i32>} : memref<128x128xf32, #tpu.memory_space<vmem>>, vector<16xf32>,
        tpu.vector_store %arg10[%parallel_loop3A_1350, %parallel_loop3A_1351], %parallel_loop3A_1349 {strides = array<i32>} : memref<128x128xf32, #tpu.memory_space<vmem>>, vector<16xf32>,
        %parallel_loop3A_1353 = arith.index_cast %parallel_loop3A_1312 : i32 to index
        %parallel_loop3A_1354 = arith.constant 48 : index
        %parallel_loop3A_1355 = tpu.vector_load %arg8[%parallel_loop3A_1353, %parallel_loop3A_1354] {strides = array<i32>} : memref<128x128xf32, #tpu.memory_space<vmem>>, vector<16xf32>,
        %parallel_loop3A_1356 = arith.constant 48 : i32
        %parallel_loop3A_1357 = arith.addi %parallel_loop3A_1319, %parallel_loop3A_1356 : i32
        %parallel_loop3A_1358 = arith.index_cast %parallel_loop3A_1357 : i32 to index
        %parallel_loop3A_1359 = tpu.vector_load %arg15[%parallel_loop3A_1358] {strides = array<i32>} : memref<2304xf32, #tpu.memory_space<vmem>>, vector<16xf32>,
        %parallel_loop3A_1360 = arith.addf %parallel_loop3A_1355, %parallel_loop3A_1359 : vector<16xf32>
        %parallel_loop3A_1361 = arith.index_cast %parallel_loop3A_1312 : i32 to index
        %parallel_loop3A_1362 = arith.constant 48 : index
        %parallel_loop3A_1363 = tpu.vector_load %arg10[%parallel_loop3A_1361, %parallel_loop3A_1362] {strides = array<i32>} : memref<128x128xf32, #tpu.memory_space<vmem>>, vector<16xf32>,
        tpu.vector_store %arg10[%parallel_loop3A_1361, %parallel_loop3A_1362], %parallel_loop3A_1360 {strides = array<i32>} : memref<128x128xf32, #tpu.memory_space<vmem>>, vector<16xf32>,
        %parallel_loop3A_1364 = arith.index_cast %parallel_loop3A_1312 : i32 to index
        %parallel_loop3A_1365 = arith.constant 64 : index
        %parallel_loop3A_1366 = tpu.vector_load %arg8[%parallel_loop3A_1364, %parallel_loop3A_1365] {strides = array<i32>} : memref<128x128xf32, #tpu.memory_space<vmem>>, vector<16xf32>,
        %parallel_loop3A_1367 = arith.constant 64 : i32
        %parallel_loop3A_1368 = arith.addi %parallel_loop3A_1319, %parallel_loop3A_1367 : i32
        %parallel_loop3A_1369 = arith.index_cast %parallel_loop3A_1368 : i32 to index
        %parallel_loop3A_1370 = tpu.vector_load %arg15[%parallel_loop3A_1369] {strides = array<i32>} : memref<2304xf32, #tpu.memory_space<vmem>>, vector<16xf32>,
        %parallel_loop3A_1371 = arith.addf %parallel_loop3A_1366, %parallel_loop3A_1370 : vector<16xf32>
        %parallel_loop3A_1372 = arith.index_cast %parallel_loop3A_1312 : i32 to index
        %parallel_loop3A_1373 = arith.constant 64 : index
        %parallel_loop3A_1374 = tpu.vector_load %arg10[%parallel_loop3A_1372, %parallel_loop3A_1373] {strides = array<i32>} : memref<128x128xf32, #tpu.memory_space<vmem>>, vector<16xf32>,
        tpu.vector_store %arg10[%parallel_loop3A_1372, %parallel_loop3A_1373], %parallel_loop3A_1371 {strides = array<i32>} : memref<128x128xf32, #tpu.memory_space<vmem>>, vector<16xf32>,
        %parallel_loop3A_1375 = arith.index_cast %parallel_loop3A_1312 : i32 to index
        %parallel_loop3A_1376 = arith.constant 80 : index
        %parallel_loop3A_1377 = tpu.vector_load %arg8[%parallel_loop3A_1375, %parallel_loop3A_1376] {strides = array<i32>} : memref<128x128xf32, #tpu.memory_space<vmem>>, vector<16xf32>,
        %parallel_loop3A_1378 = arith.constant 80 : i32
        %parallel_loop3A_1379 = arith.addi %parallel_loop3A_1319, %parallel_loop3A_1378 : i32
        %parallel_loop3A_1380 = arith.index_cast %parallel_loop3A_1379 : i32 to index
        %parallel_loop3A_1381 = tpu.vector_load %arg15[%parallel_loop3A_1380] {strides = array<i32>} : memref<2304xf32, #tpu.memory_space<vmem>>, vector<16xf32>,
        %parallel_loop3A_1382 = arith.addf %parallel_loop3A_1377, %parallel_loop3A_1381 : vector<16xf32>
        %parallel_loop3A_1383 = arith.index_cast %parallel_loop3A_1312 : i32 to index
        %parallel_loop3A_1384 = arith.constant 80 : index
        %parallel_loop3A_1385 = tpu.vector_load %arg10[%parallel_loop3A_1383, %parallel_loop3A_1384] {strides = array<i32>} : memref<128x128xf32, #tpu.memory_space<vmem>>, vector<16xf32>,
        tpu.vector_store %arg10[%parallel_loop3A_1383, %parallel_loop3A_1384], %parallel_loop3A_1382 {strides = array<i32>} : memref<128x128xf32, #tpu.memory_space<vmem>>, vector<16xf32>,
        %parallel_loop3A_1386 = arith.index_cast %parallel_loop3A_1312 : i32 to index
        %parallel_loop3A_1387 = arith.constant 96 : index
        %parallel_loop3A_1388 = tpu.vector_load %arg8[%parallel_loop3A_1386, %parallel_loop3A_1387] {strides = array<i32>} : memref<128x128xf32, #tpu.memory_space<vmem>>, vector<16xf32>,
        %parallel_loop3A_1389 = arith.constant 96 : i32
        %parallel_loop3A_1390 = arith.addi %parallel_loop3A_1319, %parallel_loop3A_1389 : i32
        %parallel_loop3A_1391 = arith.index_cast %parallel_loop3A_1390 : i32 to index
        %parallel_loop3A_1392 = tpu.vector_load %arg15[%parallel_loop3A_1391] {strides = array<i32>} : memref<2304xf32, #tpu.memory_space<vmem>>, vector<16xf32>,
        %parallel_loop3A_1393 = arith.addf %parallel_loop3A_1388, %parallel_loop3A_1392 : vector<16xf32>
        %parallel_loop3A_1394 = arith.index_cast %parallel_loop3A_1312 : i32 to index
        %parallel_loop3A_1395 = arith.constant 96 : index
        %parallel_loop3A_1396 = tpu.vector_load %arg10[%parallel_loop3A_1394, %parallel_loop3A_1395] {strides = array<i32>} : memref<128x128xf32, #tpu.memory_space<vmem>>, vector<16xf32>,
        tpu.vector_store %arg10[%parallel_loop3A_1394, %parallel_loop3A_1395], %parallel_loop3A_1393 {strides = array<i32>} : memref<128x128xf32, #tpu.memory_space<vmem>>, vector<16xf32>,
        %parallel_loop3A_1397 = arith.index_cast %parallel_loop3A_1312 : i32 to index
        %parallel_loop3A_1398 = arith.constant 112 : index
        %parallel_loop3A_1399 = tpu.vector_load %arg8[%parallel_loop3A_1397, %parallel_loop3A_1398] {strides = array<i32>} : memref<128x128xf32, #tpu.memory_space<vmem>>, vector<16xf32>,
        %parallel_loop3A_1400 = arith.constant 112 : i32
        %parallel_loop3A_1401 = arith.addi %parallel_loop3A_1319, %parallel_loop3A_1400 : i32
        %parallel_loop3A_1402 = arith.index_cast %parallel_loop3A_1401 : i32 to index
        %parallel_loop3A_1403 = tpu.vector_load %arg15[%parallel_loop3A_1402] {strides = array<i32>} : memref<2304xf32, #tpu.memory_space<vmem>>, vector<16xf32>,
        %parallel_loop3A_1404 = arith.addf %parallel_loop3A_1399, %parallel_loop3A_1403 : vector<16xf32>
        %parallel_loop3A_1405 = arith.index_cast %parallel_loop3A_1312 : i32 to index
        %parallel_loop3A_1406 = arith.constant 112 : index
        %parallel_loop3A_1407 = tpu.vector_load %arg10[%parallel_loop3A_1405, %parallel_loop3A_1406] {strides = array<i32>} : memref<128x128xf32, #tpu.memory_space<vmem>>, vector<16xf32>,
        tpu.vector_store %arg10[%parallel_loop3A_1405, %parallel_loop3A_1406], %parallel_loop3A_1404 {strides = array<i32>} : memref<128x128xf32, #tpu.memory_space<vmem>>, vector<16xf32>,
      } {sc.loop_unroll_factor = 4 : i64, sc.parallel_access}
      %jit3A_1252 = arith.constant 4 : i32
      %div3A_1253 = arith.divsi %add3A_1194, %jit3A_1252 : i32
      %sign3A_1254 = arith.constant 0 : i32
      %sign3A_1255 = arith.cmpi sgt, %add3A_1194, %sign3A_1254 : i32
      %sign3A_1256 = arith.extui %sign3A_1255 : i1 to i32
      %sign3A_1257 = arith.constant 0 : i32
      %sign3A_1258 = arith.cmpi slt, %add3A_1194, %sign3A_1257 : i32
      %sign3A_1259 = arith.extui %sign3A_1258 : i1 to i32
      %sign3A_1260 = arith.subi %sign3A_1256, %sign3A_1259 : i32
      %sign3A_1261 = arith.constant 0 : i32
      %sign3A_1262 = arith.cmpi sgt, %jit3A_1252, %sign3A_1261 : i32
      %sign3A_1263 = arith.extui %sign3A_1262 : i1 to i32
      %sign3A_1264 = arith.constant 0 : i32
      %sign3A_1265 = arith.cmpi slt, %jit3A_1252, %sign3A_1264 : i32
      %sign3A_1266 = arith.extui %sign3A_1265 : i1 to i32
      %sign3A_1267 = arith.subi %sign3A_1263, %sign3A_1266 : i32
      %ne3A_1268 = arith.cmpi ne, %sign3A_1260, %sign3A_1267 : i32
      %rem3A_1269 = arith.remsi %add3A_1194, %jit3A_1252 : i32
      %ne3A_1270 = arith.constant 0 : i32
      %ne3A_1271 = arith.cmpi ne, %rem3A_1269, %ne3A_1270 : i32
      %and3A_1272 = arith.andi %ne3A_1268, %ne3A_1271 : i1
      %sub3A_1273 = arith.constant 1 : i32
      %sub3A_1274 = arith.subi %div3A_1253, %sub3A_1273 : i32
      %select_n3A_1275 = arith.select %and3A_1272, %sub3A_1274, %div3A_1253 : i32
      %jit3A_1276 = arith.constant 4 : i32
      %eq3A_1277 = arith.constant 0 : i32
      %eq3A_1278 = arith.cmpi eq, %jit3A_1276, %eq3A_1277 : i32
      %jit3A_1279 = arith.constant 1 : i32
      %select_n3A_1280 = arith.select %eq3A_1278, %jit3A_1279, %jit3A_1276 : i32
      %rem3A_1281 = arith.remsi %add3A_1194, %select_n3A_1280 : i32
      %ne3A_1282 = arith.constant 0 : i32
      %ne3A_1283 = arith.cmpi ne, %rem3A_1281, %ne3A_1282 : i32
      %lt3A_1284 = arith.constant 0 : i32
      %lt3A_1285 = arith.cmpi slt, %rem3A_1281, %lt3A_1284 : i32
      %lt3A_1286 = arith.constant 0 : i32
      %lt3A_1287 = arith.cmpi slt, %select_n3A_1280, %lt3A_1286 : i32
      %ne3A_1288 = arith.xori %lt3A_1285, %lt3A_1287 : i1
      %and3A_1289 = arith.andi %ne3A_1288, %ne3A_1283 : i1
      %add3A_1290 = arith.addi %rem3A_1281, %select_n3A_1280 : i32
      %select_n3A_1291 = arith.select %and3A_1289, %add3A_1290, %rem3A_1281 : i32
      %mul3A_1292 = arith.constant 128 : i32
      %mul3A_1293 = arith.muli %select_n3A_1291, %mul3A_1292 : i32
      %add3A_1294 = arith.addi %mul3A_2, %mul3A_1293 : i32
      %dma_start3A_1295 = arith.constant 1 : i32
      %dma_start3A_1296 = arith.constant 0 : i32
      %dma_start3A_1297 = tpu.memref_slice %arg6[%select_n3A_1275, %add3A_1294, %dma_start3A_1296] : memref<6x16384x128xf32, #tpu.memory_space<hbm>> -> memref<1x128x128xf32, #tpu.memory_space<hbm>>
      %dma_start3A_1298 = tpu.memref_squeeze %dma_start3A_1297 : memref<1x128x128xf32, #tpu.memory_space<hbm>> -> memref<128x128xf32, #tpu.memory_space<hbm>>
      %dma_start3A_1299 = tpu.memref_slice %arg18[%dma_start3A_1295] : memref<2x!tpu.dma_semaphore, #tpu.memory_space<semaphore_mem>> -> memref<1x!tpu.dma_semaphore, #tpu.memory_space<semaphore_mem>>
      %dma_start3A_1300 = tpu.memref_squeeze %dma_start3A_1299 : memref<1x!tpu.dma_semaphore, #tpu.memory_space<semaphore_mem>> -> memref<!tpu.dma_semaphore, #tpu.memory_space<semaphore_mem>>
      %dma_start3A_1301 = arith.constant 0 : i32
      %dma_start3A_1302 = tpu.memref_slice %arg6[%select_n3A_1275, %add3A_1294, %dma_start3A_1301] : memref<6x16384x128xf32, #tpu.memory_space<hbm>> -> memref<1x128x128xf32, #tpu.memory_space<hbm>>
      %dma_start3A_1303 = tpu.memref_squeeze %dma_start3A_1302 : memref<1x128x128xf32, #tpu.memory_space<hbm>> -> memref<128x128xf32, #tpu.memory_space<hbm>>
      tpu.enqueue_dma source(%arg10 : memref<128x128xf32, #tpu.memory_space<vmem>>) target(%dma_start3A_1303 : memref<128x128xf32, #tpu.memory_space<hbm>>) target_semaphore(%dma_start3A_1300 : memref<!tpu.dma_semaphore, #tpu.memory_space<semaphore_mem>>)
      %add3A_1304 = arith.constant 2 : i32
      %add3A_1305 = arith.addi %add3A_1194, %add3A_1304 : i32
      %lt3A_1306 = arith.constant 24 : i32
      %lt3A_1307 = arith.cmpi slt, %add3A_1305, %lt3A_1306 : i32
      %convert_element_type3A_1308 = arith.extui %lt3A_1307 : i1 to i32
      %cond3A_1309 = arith.constant 0 : i32
      %cond3A_1310 = arith.cmpi ne, %convert_element_type3A_1308, %cond3A_1309 : i32
      scf.if %cond3A_1310 {
        %add3A_1312 = arith.constant 2 : i32
        %add3A_1313 = arith.addi %add3A_1194, %add3A_1312 : i32
        %jit3A_1314 = arith.constant 4 : i32
        %div3A_1315 = arith.divsi %add3A_1313, %jit3A_1314 : i32
        %sign3A_1316 = arith.constant 0 : i32
        %sign3A_1317 = arith.cmpi sgt, %add3A_1313, %sign3A_1316 : i32
        %sign3A_1318 = arith.extui %sign3A_1317 : i1 to i32
        %sign3A_1319 = arith.constant 0 : i32
        %sign3A_1320 = arith.cmpi slt, %add3A_1313, %sign3A_1319 : i32
        %sign3A_1321 = arith.extui %sign3A_1320 : i1 to i32
        %sign3A_1322 = arith.subi %sign3A_1318, %sign3A_1321 : i32
        %sign3A_1323 = arith.constant 0 : i32
        %sign3A_1324 = arith.cmpi sgt, %jit3A_1314, %sign3A_1323 : i32
        %sign3A_1325 = arith.extui %sign3A_1324 : i1 to i32
        %sign3A_1326 = arith.constant 0 : i32
        %sign3A_1327 = arith.cmpi slt, %jit3A_1314, %sign3A_1326 : i32
        %sign3A_1328 = arith.extui %sign3A_1327 : i1 to i32
        %sign3A_1329 = arith.subi %sign3A_1325, %sign3A_1328 : i32
        %ne3A_1330 = arith.cmpi ne, %sign3A_1322, %sign3A_1329 : i32
        %rem3A_1331 = arith.remsi %add3A_1313, %jit3A_1314 : i32
        %ne3A_1332 = arith.constant 0 : i32
        %ne3A_1333 = arith.cmpi ne, %rem3A_1331, %ne3A_1332 : i32
        %and3A_1334 = arith.andi %ne3A_1330, %ne3A_1333 : i1
        %sub3A_1335 = arith.constant 1 : i32
        %sub3A_1336 = arith.subi %div3A_1315, %sub3A_1335 : i32
        %select_n3A_1337 = arith.select %and3A_1334, %sub3A_1336, %div3A_1315 : i32
        %jit3A_1338 = arith.constant 4 : i32
        %eq3A_1339 = arith.constant 0 : i32
        %eq3A_1340 = arith.cmpi eq, %jit3A_1338, %eq3A_1339 : i32
        %jit3A_1341 = arith.constant 1 : i32
        %select_n3A_1342 = arith.select %eq3A_1340, %jit3A_1341, %jit3A_1338 : i32
        %rem3A_1343 = arith.remsi %add3A_1313, %select_n3A_1342 : i32
        %ne3A_1344 = arith.constant 0 : i32
        %ne3A_1345 = arith.cmpi ne, %rem3A_1343, %ne3A_1344 : i32
        %lt3A_1346 = arith.constant 0 : i32
        %lt3A_1347 = arith.cmpi slt, %rem3A_1343, %lt3A_1346 : i32
        %lt3A_1348 = arith.constant 0 : i32
        %lt3A_1349 = arith.cmpi slt, %select_n3A_1342, %lt3A_1348 : i32
        %ne3A_1350 = arith.xori %lt3A_1347, %lt3A_1349 : i1
        %and3A_1351 = arith.andi %ne3A_1350, %ne3A_1345 : i1
        %add3A_1352 = arith.addi %rem3A_1343, %select_n3A_1342 : i32
        %select_n3A_1353 = arith.select %and3A_1351, %add3A_1352, %rem3A_1343 : i32
        %mul3A_1354 = arith.constant 128 : i32
        %mul3A_1355 = arith.muli %select_n3A_1353, %mul3A_1354 : i32
        %add3A_1356 = arith.addi %mul3A_2, %mul3A_1355 : i32
        %dma_start3A_1357 = arith.constant 1 : i32
        %dma_start3A_1358 = arith.constant 0 : i32
        %dma_start3A_1359 = tpu.memref_slice %arg2[%select_n3A_1337, %add3A_1356, %dma_start3A_1358] : memref<6x16384x128xf32, #tpu.memory_space<hbm>> -> memref<1x128x128xf32, #tpu.memory_space<hbm>>
        %dma_start3A_1360 = tpu.memref_squeeze %dma_start3A_1359 : memref<1x128x128xf32, #tpu.memory_space<hbm>> -> memref<128x128xf32, #tpu.memory_space<hbm>>
        %dma_start3A_1361 = tpu.memref_slice %arg16[%dma_start3A_1357] : memref<2x!tpu.dma_semaphore, #tpu.memory_space<semaphore_mem>> -> memref<1x!tpu.dma_semaphore, #tpu.memory_space<semaphore_mem>>
        %dma_start3A_1362 = tpu.memref_squeeze %dma_start3A_1361 : memref<1x!tpu.dma_semaphore, #tpu.memory_space<semaphore_mem>> -> memref<!tpu.dma_semaphore, #tpu.memory_space<semaphore_mem>>
        %dma_start3A_1363 = arith.constant 0 : i32
        %dma_start3A_1364 = tpu.memref_slice %arg2[%select_n3A_1337, %add3A_1356, %dma_start3A_1363] : memref<6x16384x128xf32, #tpu.memory_space<hbm>> -> memref<1x128x128xf32, #tpu.memory_space<hbm>>
        %dma_start3A_1365 = tpu.memref_squeeze %dma_start3A_1364 : memref<1x128x128xf32, #tpu.memory_space<hbm>> -> memref<128x128xf32, #tpu.memory_space<hbm>>
        tpu.enqueue_dma source(%dma_start3A_1365 : memref<128x128xf32, #tpu.memory_space<hbm>>) target(%arg8 : memref<128x128xf32, #tpu.memory_space<vmem>>) target_semaphore(%dma_start3A_1362 : memref<!tpu.dma_semaphore, #tpu.memory_space<semaphore_mem>>)
        %mul3A_1366 = arith.constant 16384 : i32
        %mul3A_1367 = arith.muli %select_n3A_1337, %mul3A_1366 : i32
        %add3A_1368 = arith.addi %mul3A_1367, %add3A_1356 : i32
        %dma_start3A_1369 = arith.constant 1 : i32
        %dma_start3A_1370 = arith.constant 0 : i32
        %dma_start3A_1371 = tpu.memref_slice %arg12[%dma_start3A_1370] : memref<144xi32, #tpu.memory_space<vmem>> -> memref<128xi32, #tpu.memory_space<vmem>>
        %dma_start3A_1372 = tpu.memref_slice %arg3[%add3A_1368] : memref<98304xi32, #tpu.memory_space<hbm>> -> memref<128xi32, #tpu.memory_space<hbm>>
        %dma_start3A_1373 = tpu.memref_slice %arg17[%dma_start3A_1369] : memref<2x!tpu.dma_semaphore, #tpu.memory_space<semaphore_mem>> -> memref<1x!tpu.dma_semaphore, #tpu.memory_space<semaphore_mem>>
        %dma_start3A_1374 = tpu.memref_squeeze %dma_start3A_1373 : memref<1x!tpu.dma_semaphore, #tpu.memory_space<semaphore_mem>> -> memref<!tpu.dma_semaphore, #tpu.memory_space<semaphore_mem>>
        %dma_start3A_1375 = arith.constant 0 : i32
        %dma_start3A_1376 = tpu.memref_slice %arg12[%dma_start3A_1375] : memref<144xi32, #tpu.memory_space<vmem>> -> memref<128xi32, #tpu.memory_space<vmem>>
        %dma_start3A_1377 = tpu.memref_slice %arg3[%add3A_1368] : memref<98304xi32, #tpu.memory_space<hbm>> -> memref<128xi32, #tpu.memory_space<hbm>>
        tpu.enqueue_dma source(%dma_start3A_1377 : memref<128xi32, #tpu.memory_space<hbm>>) target(%dma_start3A_1376 : memref<128xi32, #tpu.memory_space<vmem>>) target_semaphore(%dma_start3A_1374 : memref<!tpu.dma_semaphore, #tpu.memory_space<semaphore_mem>>)
      } else {
      }
      %scan3A_1311 = arith.constant 0 : i32
      scf.yield %scan3A_1311 : i32
    }
    %scan3A_1059 = arith.constant 12 : i32
    %dma_wait3A = arith.constant 0 : i32
    %dma_wait3A_1060 = arith.constant 0 : i32
    %dma_wait3A_1061 = arith.constant 0 : i32
    %dma_wait3A_1062 = arith.constant 0 : i32
    %dma_wait3A_1063 = tpu.memref_slice %arg6[%dma_wait3A, %dma_wait3A_1061, %dma_wait3A_1062] : memref<6x16384x128xf32, #tpu.memory_space<hbm>> -> memref<1x128x128xf32, #tpu.memory_space<hbm>>
    %dma_wait3A_1064 = tpu.memref_squeeze %dma_wait3A_1063 : memref<1x128x128xf32, #tpu.memory_space<hbm>> -> memref<128x128xf32, #tpu.memory_space<hbm>>
    %dma_wait3A_1065 = tpu.memref_slice %arg18[%dma_wait3A_1060] : memref<2x!tpu.dma_semaphore, #tpu.memory_space<semaphore_mem>> -> memref<1x!tpu.dma_semaphore, #tpu.memory_space<semaphore_mem>>
    %dma_wait3A_1066 = tpu.memref_squeeze %dma_wait3A_1065 : memref<1x!tpu.dma_semaphore, #tpu.memory_space<semaphore_mem>> -> memref<!tpu.dma_semaphore, #tpu.memory_space<semaphore_mem>>
    %dma_wait3A_1067 = arith.constant 0 : i32
    %dma_wait3A_1068 = arith.constant 0 : i32
    %dma_wait3A_1069 = tpu.memref_slice %arg6[%dma_wait3A, %dma_wait3A_1067, %dma_wait3A_1068] : memref<6x16384x128xf32, #tpu.memory_space<hbm>> -> memref<1x128x128xf32, #tpu.memory_space<hbm>>
    %dma_wait3A_1070 = tpu.memref_squeeze %dma_wait3A_1069 : memref<1x128x128xf32, #tpu.memory_space<hbm>> -> memref<128x128xf32, #tpu.memory_space<hbm>>
    tpu.wait_dma2 semaphore(%dma_wait3A_1066 : memref<!tpu.dma_semaphore, #tpu.memory_space<semaphore_mem>>) src(%arg9 : memref<128x128xf32, #tpu.memory_space<vmem>>) dst(%dma_wait3A_1070 : memref<128x128xf32, #tpu.memory_space<hbm>>)
    %dma_wait3A_1071 = arith.constant 0 : i32
    %dma_wait3A_1072 = arith.constant 1 : i32
    %dma_wait3A_1073 = arith.constant 0 : i32
    %dma_wait3A_1074 = arith.constant 0 : i32
    %dma_wait3A_1075 = tpu.memref_slice %arg6[%dma_wait3A_1071, %dma_wait3A_1073, %dma_wait3A_1074] : memref<6x16384x128xf32, #tpu.memory_space<hbm>> -> memref<1x128x128xf32, #tpu.memory_space<hbm>>
    %dma_wait3A_1076 = tpu.memref_squeeze %dma_wait3A_1075 : memref<1x128x128xf32, #tpu.memory_space<hbm>> -> memref<128x128xf32, #tpu.memory_space<hbm>>
    %dma_wait3A_1077 = tpu.memref_slice %arg18[%dma_wait3A_1072] : memref<2x!tpu.dma_semaphore, #tpu.memory_space<semaphore_mem>> -> memref<1x!tpu.dma_semaphore, #tpu.memory_space<semaphore_mem>>
    %dma_wait3A_1078 = tpu.memref_squeeze %dma_wait3A_1077 : memref<1x!tpu.dma_semaphore, #tpu.memory_space<semaphore_mem>> -> memref<!tpu.dma_semaphore, #tpu.memory_space<semaphore_mem>>
    %dma_wait3A_1079 = arith.constant 0 : i32
    %dma_wait3A_1080 = arith.constant 0 : i32
    %dma_wait3A_1081 = tpu.memref_slice %arg6[%dma_wait3A_1071, %dma_wait3A_1079, %dma_wait3A_1080] : memref<6x16384x128xf32, #tpu.memory_space<hbm>> -> memref<1x128x128xf32, #tpu.memory_space<hbm>>
    %dma_wait3A_1082 = tpu.memref_squeeze %dma_wait3A_1081 : memref<1x128x128xf32, #tpu.memory_space<hbm>> -> memref<128x128xf32, #tpu.memory_space<hbm>>
    tpu.wait_dma2 semaphore(%dma_wait3A_1078 : memref<!tpu.dma_semaphore, #tpu.memory_space<semaphore_mem>>) src(%arg10 : memref<128x128xf32, #tpu.memory_space<vmem>>) dst(%dma_wait3A_1082 : memref<128x128xf32, #tpu.memory_space<hbm>>)
    return
  }
}

</mosaic_0001>

<sc_bundles>
// kernel: kernel.3.cloned.1.call-start
scs
__scs_entry_jumppad:
0x0: {  	(pc) =	sbr.rel $0x88, $3  }
0x1: {  	(tag) =	ssettag $0x0;
	lr =	simm.s32 $0x1  }
0x2: {  	[smem:$0x3F9D] =	sst lr;
	_ =	strace $0xD0000000  }
0x3: {  	_ = 	snop  }
0x4: {  	_ = 	snop  }
0x5: {  	_ = 	snop  }
0x6: {  	_ = 	snop  }
0x7: {  	_ = 	snop  }
__scs_overlays_trampoline_lowered:
0x8: {  	[smem:$0x3FAC] =	sst s0  }
0x9: {  	[smem:$0x3FAD] =	sst s1  }
0xa: {  	[smem:$0x3FAE] =	sst s2  }
0xb: {  	[smem:$0x3FAF] =	sst s3  }
0xc: {  	[smem:$0x3FB0] =	sst s4  }
0xd: {  	[smem:$0x3FB1] =	sst s5  }
0xe: {  	[smem:$0x3FB2] =	sst s6  }
0xf: {  	[smem:$0x3FB3] =	sst s7  }
0x10: {  	[smem:$0x3FB4] =	sst s8  }
0x11: {  	[smem:$0x3FB5] =	sst s9;
	s0 =	simm.s32 @!p0 $0x0  }
0x12: {  	s1 =	sld [smem:$0x3F9B];
	s0 =	simm.s32 @p0 $0x1  }
0x13: {  	[smem:$0x3FB6] =	sst s0;
	s0 =	simm.s32 @!p1 $0x0  }
0x14: {  	s2 =	sld [smem:$0x3F9A];
	s0 =	simm.s32 @p1 $0x1  }
0x15: {  	[smem:$0x3FB7] =	sst s0;
	s0 =	simm.s32 @!p2 $0x0  }
0x16: {  	s3 =	sld [smem:$0x3FDB];
	s0 =	simm.s32 @p2 $0x1  }
0x17: {  	s4 =	simm.s32 $0x1BF5;
	[smem:$0x3FB9] =	sst s0  }
0x18: {  	s0 =	sld [smem:$0x3F9C];
	_ =	swait.ge [sflag:s4], $0x0  }
0x19: {  	s7 =	sld [smem:$0x3F9D]  }
0x1a: {  	s8 =	sadd.s32 $0xFFFFE003, lr  }
0x1b: {  	s9 =	sadd.s32 $0xFFFFFEF7, lr;
	s5 =	simm.s32 $0xFFFFFFFF;
	p2 =	slt.u32 s8, $0xFFFFF086  }
0x1c: {  	p1 =	slt.u32 s9, $0xF7A;
	s5 =	simm.s32 @!p2 $0x0  }
0x1d: {  	s5 =	simm.s32 @p1 $0x1;
	p0 =	seq.s32 s7, s2  }
0x1e: {  	s7 =	smul.u32 @!p0 $0xF7A, s2;
	p2 =	seq.s32 @!p0 s5, $0x0  }
0x1f: {  	s9 =	smul.u32 $0xF7A, s1;
	s8 =	simm.s32 @!p0 $0x1BF5;
	p2 =	por !p2, p0  }
0x20: {  	[sflag:s8] =	ssyncset.s32 @!p0 $0xFFFFF086;
	s6 =	sadd.s32 @!p0 s3, s7;
	s7 =	simm.s32 @!p0 $0x108  }
0x21: {  	s3 =	sadd.s32 s3, s9;
	s6 =	sadd.s32 @!p0 $0x88, s6;
	s7 =	simm.s32 @p2 $0x1082  }
0x22: {  	[simem:s7], [sflag:s8] =	dma.local @!p0 [hbm:s6], $0xF7A  }
0x23: {  	s9 =	sor.u32 $0xD0000000, s2;
	s6 =	simm.s32 $0x108;
	_ =	swait.ge @!p0 [sflag:s8], $0x0  }
0x24: {  	s3 =	sadd.s32 $0x88, s3;
	s6 =	simm.s32 @!p1 $0x1082;
	[sflag:s4] =	ssyncset.s32 $0xFFFFF086  }
0x25: {  	[simem:s6], [sflag:s4] =	dma.local [hbm:s3], $0xF7A  }
0x26: {  	[smem:$0x3F9D] =	sst s1;
	(tag) =	ssettag s2;
	_ =	strace s9  }
0x27: {  	s1 =	sld [smem:$0x3FAD]  }
0x28: {  	s2 =	sld [smem:$0x3FAE]  }
0x29: {  	s4 =	sld [smem:$0x3FB0]  }
0x2a: {  	p0 =	seq.s32 s5, $0x0;
	s5 =	sld [smem:$0x3FB1]  }
0x2b: {  	s6 =	sld [smem:$0x3FB2]  }
0x2c: {  	s7 =	sld [smem:$0x3FB3]  }
0x2d: {  	s3 =	simm.s32 $0x108;
	s8 =	sld [smem:$0x3FB4]  }
0x2e: {  	s3 =	simm.s32 @!p0 $0x1082;
	s9 =	sld [smem:$0x3FB5]  }
0x2f: {  	lr =	sadd.s32 s0, s3;
	s0 =	sld [smem:$0x3FAC]  }
0x30: {  	s3 =	sld [smem:$0x3FAF]  }
0x31: {  	[smem:$0x3FB8] =	sst s10  }
0x32: {  	s10 =	sld [smem:$0x3FB6];
	_ =	sdelay $0x3  }
0x33: {  	p0 =	seq.s32 s10, $0x1;
	s10 =	sld [smem:$0x3FB8];
	_ =	sdelay $0x3  }
0x34: {  	[smem:$0x3FB8] =	sst s10  }
0x35: {  	s10 =	sld [smem:$0x3FB7];
	_ =	sdelay $0x3  }
0x36: {  	p1 =	seq.s32 s10, $0x1;
	s10 =	sld [smem:$0x3FB8];
	_ =	sdelay $0x3  }
0x37: {  	[smem:$0x3FB8] =	sst s10  }
0x38: {  	s10 =	sld [smem:$0x3FB9]  }
0x39: {  	_ = 	snop;
	(pc) =	sbr.ind lr, $3  }
0x3a: {  	_ = 	snop  }
0x3b: {  	_ = 	snop  }
0x3c: {  	p2 =	seq.s32 s10, $0x1;
	s10 =	sld [smem:$0x3FB8]  }
0x3d: {  	_ =	shalt  }
0x3e: {  	_ =	shalt  }
0x3f: {  	_ =	shalt  }
0x40: {  	_ =	shalt  }
0x41: {  	_ =	shalt  }
0x42: {  	_ =	shalt  }
0x43: {  	_ =	shalt  }
0x44: {  	_ =	shalt  }
0x45: {  	_ =	shalt  }
0x46: {  	_ =	shalt  }
0x47: {  	_ =	shalt  }
0x48: {  	_ =	shalt  }
0x49: {  	_ =	shalt  }
0x4a: {  	_ =	shalt  }
0x4b: {  	_ =	shalt  }
0x4c: {  	_ =	shalt  }
0x4d: {  	_ =	shalt  }
0x4e: {  	_ =	shalt  }
0x4f: {  	_ =	shalt  }
0x50: {  	_ =	shalt  }
0x51: {  	_ =	shalt  }
0x52: {  	_ =	shalt  }
0x53: {  	_ =	shalt  }
0x54: {  	_ =	shalt  }
0x55: {  	_ =	shalt  }
0x56: {  	_ =	shalt  }
0x57: {  	_ =	shalt  }
0x58: {  	_ =	shalt  }
0x59: {  	_ =	shalt  }
0x5a: {  	_ =	shalt  }
0x5b: {  	_ =	shalt  }
0x5c: {  	_ =	shalt  }
0x5d: {  	_ =	shalt  }
0x5e: {  	_ =	shalt  }
0x5f: {  	_ =	shalt  }
0x60: {  	_ =	shalt  }
0x61: {  	_ =	shalt  }
0x62: {  	_ =	shalt  }
0x63: {  	_ =	shalt  }
0x64: {  	_ =	shalt  }
0x65: {  	_ =	shalt  }
0x66: {  	_ =	shalt  }
0x67: {  	_ =	shalt  }
0x68: {  	_ =	shalt  }
0x69: {  	_ =	shalt  }
0x6a: {  	_ =	shalt  }
0x6b: {  	_ =	shalt  }
0x6c: {  	_ =	shalt  }
0x6d: {  	_ =	shalt  }
0x6e: {  	_ =	shalt  }
0x6f: {  	_ =	shalt  }
0x70: {  	_ =	shalt  }
0x71: {  	_ =	shalt  }
0x72: {  	_ =	shalt  }
0x73: {  	_ =	shalt  }
0x74: {  	_ =	shalt  }
0x75: {  	_ =	shalt  }
0x76: {  	_ =	shalt  }
0x77: {  	_ =	shalt  }
0x78: {  	_ =	shalt  }
0x79: {  	_ =	shalt  }
0x7a: {  	_ =	shalt  }
0x7b: {  	_ =	shalt  }
0x7c: {  	_ =	shalt  }
0x7d: {  	_ =	shalt  }
0x7e: {  	_ =	shalt  }
0x7f: {  	_ =	shalt  }
0x80: {  	_ =	shalt  }
0x81: {  	_ =	shalt  }
0x82: {  	_ =	shalt  }
0x83: {  	_ =	shalt  }
0x84: {  	_ =	shalt  }
0x85: {  	_ =	shalt  }
0x86: {  	_ =	shalt  }
0x87: {  	_ =	shalt  }
.Lfunc_end0:
.L_simem_size_0:
called_computation_lowered:
.L_overlay_start_0:
0x88: {  	s2 =	sld [smem:$0x3FD9]  }
0x89: {  	s3 =	sld [smem:$0x3FFE];
	_ =	sdelay $0x1  }
0x8a: {  	s1 =	srdreg.scid  }
0x8b: {  	s0 =	sand.u32 $0x1, s1  }
0x8c: {  	s17 =	sshll.u32 s0, $0xA;
	s2 =	sadd.s32 s3, s2  }
0x8d: {  	s2 =	sadd.s32 s2, s17  }
0x8e: {  	[smem:$0x3FC4] =	sst s2  }
0x8f: {  	_ = 	snop  }
0x90: {  	s2 =	sld [smem:$0x3FC9]  }
0x91: {  	s18 =	sld [smem:$0x3FC7]  }
0x92: {  	s4 =	sld [smem:$0x3FC6]  }
0x93: {  	s5 =	sld [smem:$0x3FD0];
	(tm) =	ssettm $0x1  }
0x94: {  	s6 =	sld [smem:$0x3FFB];
	_ =	sdelay $0x3  }
0x95: {  	_ =	strace s6  }
0x96: {  	s6 =	sld [smem:$0x3FFC];
	_ =	sdelay $0x3  }
0x97: {  	_ =	strace s6  }
0x98: {  	s6 =	sld [smem:$0x3FFD];
	_ =	sdelay $0x3  }
0x99: {  	_ =	strace s6  }
0x9a: {  	_ =	strace $0x8FFFFFFF  }
0x9b: {  	s19 =	sld [smem:$0x3FDB];
	_ =	sdelay $0x1  }
0x9c: {  	s7 =	simm.s32 $_scs_section_size  }
0x9d: {  	s8 =	simm.s32 $_size__tile_overlayer_lowered;
	s9 =	simm.s32 $_tile_overlayer_lowered  }
0x9e: {  	s22 =	simm.s32 $0x1BFF;
	s21 =	sshll.u32 s9, $0x1;
	s6 =	sadd.s32 s7, s19  }
0x9f: {  	s10 =	simm.s32 $0x0;
	s20 =	sshll.u32 s8, $0x1;
	s8 =	sadd.s32 s21, s6  }
0xa0: {  	[timem:s10], [sflag:s22] =	dma.local [hbm:s8], s20  }
0xa1: {  	_ =	swait.ge [sflag:s22], s20  }
0xa2: {  	s7 =	ssub.s32 $0x0, s20;
	[sflag:s22] =	ssyncset.done $0x0  }
0xa3: {  	[sflag:s22] =	ssyncadd.s32 s7;
	_ =	sdelay $0x1  }
0xa4: {  	s23 =	simm.s32 $0x1B8B  }
0xa5: {  	_ =	swait.ge [sflag:s23], $0x1  }
0xa6: {  	[sflag:s23] =	ssyncset.done $0x0  }
0xa7: {  	s25 =	simm.s32 $0x1B8E;
	s24 =	sld [smem:$0x3FFE];
	[sflag:s23] =	ssyncadd.s32 $0xFFFFFFFF  }
0xa8: {  	s26 =	simm.s32 $execute0_lowered;
	[smem:$0x3FD2] =	sst s25  }
0xa9: {  	s8 =	sshll.u32 s26, $0x1;
	_ =	strace $0x80000046;
	[dreg:$0x1] =	wrdreg $0xFFFFFFFF  }
0xaa: {  	s28 =	simm.s32 $_size_execute0_lowered;
	s6 =	sadd.s32 s6, s8;
	[dreg:$0x0] =	wrdreg $0x0  }
0xab: {  	s8 =	sshll.u32 s28, $0x1;
	[dreg:$0x2] =	wrdreg s6  }
0xac: {  	[dreg:$0x3] =	wrdreg s8  }
0xad: {  	[dreg:$0x4] =	wrdreg $0xC0  }
0xae: {  	_ =	task [dreg:s10], $0x5FFFF  }
0xaf: {  	[dreg:$0x1] =	wrdreg $0xFFFFFFFF  }
0xb0: {  	[dreg:$0x0] =	wrdreg $0x60  }
0xb1: {  	[dreg:$0x2] =	wrdreg s2  }
0xb2: {  	[dreg:$0x3] =	wrdreg s24  }
0xb3: {  	[dreg:$0x4] =	wrdreg s18  }
0xb4: {  	[dreg:$0x5] =	wrdreg s4  }
0xb5: {  	[dreg:$0x6] =	wrdreg s5  }
0xb6: {  	[dreg:$0x7] =	wrdreg $0x9  }
0xb7: {  	_ =	task.clear_ibuf [dreg:s10], $0x8FFFF;
	_ =	strace $0x90000046  }
0xb8: {  	s29 =	simm.s32 $0x9;
	_ =	strace $0x80000048  }
0xb9: {  	_ =	swait.ge [sflag:s29], $0x1  }
0xba: {  	[sflag:s29] =	ssyncadd.s32 $0xFFFFFFFF  }
0xbb: {  	_ =	strace $0x90000048  }
0xbc: {  	_ =	sfence  }
0xbd: {  	s30 =	sld [smem:$0x0];
	_ =	sdelay $0x2  }
0xbe: {  	s31 =	sshll.u32 s1, $0xD;
	s1 =	sshrl.u32 s1, $0x2  }
0xbf: {  	s3 =	sand.u32 $0x4000, s31;
	s1 =	sadd.s32 s1, s30  }
0xc0: {  	s0 =	sor.u32 s3, s0;
	s1 =	sshll.u32 s1, $0x11  }
0xc1: {  	s0 =	sor.u32 s1, s0  }
0xc2: {  	s0 =	sadd.s32 $0x8F2B, s0  }
0xc3: {  	[sflag:s0] =	ssyncadd.remote.s32 $0x1  }
0xc4: {  	_ =	sfence.sel $0xFFFF  }
0xc5: {  	[dreg:$0x0] =	wrdreg $0xFFFFFFFF;
	(pc) =	sbr.abs _section_cstart, $3  }
0xc6: {  	[dreg:$0x1] =	wrdreg $0xFFFFFFFF  }
0xc7: {  	_ =	task.clear_ibuf [dreg:s10], $0x2FFFF;
	_ =	strace $0x9FFFFFFF  }
0xc8: {  	(tm) =	ssettm $0x7FFFFFFF  }
0xc9: {  	_ =	shalt  }
tec
execute0_lowered:
.L_overlay_start_1:
0x0: {  	(tag) =	ssettag $0x1  }
0x1: {  	s1 =	rddreg [dreg:$0x0]  }
0x2: {  	s0 =	rddreg [dreg:$0x1]  }
0x3: {  	s4 =	rddreg [dreg:$0x4];
	s6 =	simm.s32 $0x0;
	s2 =	srdreg.scid  }
0x4: {  	s5 =	stileid.u32;
	s18 =	simm.s32 $0x4000;
	s19 =	simm.s32 $0x10100  }
0x5: {  	s20 =	simm.s32 $0x1;
	s21 =	simm.s32 $0x3;
	s22 =	simm.s32 $0x8000  }
0x6: {  	s23 =	simm.s32 $0x2;
	[smem:$0x7FF] =	sst s6;
	s2 =	sand.u32 $0x1, s2  }
0x7: {  	s5 =	sshll.u32 s5, $0xA;
	s3 =	ssub.s32 $0x2, s2;
	s2 =	sshll.u32 s2, $0x9  }
0x8: {  	s8 =	sadd.s32 $0x400, s0;
	s9 =	sshrl.u32 s3, $0x1;
	s7 =	sor.u32 s2, s5  }
0x9: {  	_ =	strace $0x80000047;
	s26 =	ssub.s32 s3, s9;
	s2 =	sshll.u32 s7, $0x4  }
0xa: {  	s28 =	sshrl.u32 s7, $0x3;
	s29 =	sor.u32 $0x80, s7;
	s2 =	sadd.s32 s1, s2  }
.Ltmp0:
0xb: {  	s0 =	smax.u32 s26, $0x1;
	[dreg:$0x6] =	wrdreg s2;
	(pc) =	sbr.rel .LBB2_1-.Ltmp0, $4  }
0xc: {  	s3 =	sshrl.u32 s29, $0x3;
	s2 =	sadd.s32 s8, s28;
	[dreg:$0xa] =	wrdreg s0  }
0xd: {  	s30 =	sshll.u32 s29, $0x4;
	s31 =	sadd.s32 s8, s3;
	[dreg:$0x7] =	wrdreg s2  }
0xe: {  	s24 =	simm.s32 $0x4;
	s2 =	sadd.s32 s1, s30;
	[dreg:$0x9] =	wrdreg s31  }
0xf: {  	s25 =	simm.s32 $0xC000;
	s3 =	simm.s32 $0x0;
	[dreg:$0x8] =	wrdreg s2  }
.LBB2_8:
0x10: {  	s0 =	simm.s32 $0x5  }
0x11: {  	_ =	swait.ge [sflag:s0], $0x4000  }
0x12: {  	[sflag:s0] =	ssyncset.done $0x0  }
0x13: {  	s2 =	simm.s32 $0x6;
	[sflag:s0] =	ssyncadd.s32 $0xFFFFC000  }
0x14: {  	_ =	swait.ge [sflag:s2], $0x4000  }
0x15: {  	s3 =	rddreg [dreg:$0xb]  }
0x16: {  	s31 =	rddreg [dreg:$0xa];
	s3 =	sadd.s32 $0x1, s3  }
0x17: {  	p0 =	sne.s32 s3, s31  }
.Ltmp1:
0x18: {  	_ = 	snop;
	(pc) =	sbr.rel @!p0 .LBB2_9-.Ltmp1, $3  }
0x19: {  	_ =	sdelay $0x1  }
0x1a: {  	[sflag:s2] =	ssyncset.done $0x0  }
0x1b: {  	[sflag:s2] =	ssyncadd.s32 $0xFFFFC000  }
.LBB2_1:
0x1c: {  	[dreg:$0xb] =	wrdreg s3  }
0x1d: {  	s0 =	rddreg [dreg:$0x3];
	s2 =	simm.s32 $0x10200;
	s14 =	simm.s32 $0x7  }
0x1e: {  	[tilespmem:s2], [sflag:$0x7] =	stream.linear.gather [hbm4b:s0+s6], $0x300, $0x38;
	[tilespmem:$0x10F80] =	vst v63  }
0x1f: {  	_ =	swait.ge [sflag:s14], $0x300  }
0x20: {  	[sflag:s14] =	ssyncset.done $0x0  }
0x21: {  	[sflag:s14] =	ssyncadd.s32 $0xFFFFFD00  }
0x22: {  	s16 =	simm.s32 $0x10500;
	s15 =	rddreg [dreg:$0x2]  }
0x23: {  	[tilespmem:s16], [sflag:$0x7] =	stream.linear.gather [hbm4b:s15+s6], $0x180, $0x38;
	[tilespmem:$0x10F80] =	vst v63  }
0x24: {  	_ =	swait.ge [sflag:s14], $0x180  }
0x25: {  	[sflag:s14] =	ssyncset.done $0x0  }
0x26: {  	[sflag:s14] =	ssyncadd.s32 $0xFFFFFE80  }
0x27: {  	v62 =	vld [tilespmem:$0x10280];
	_ =	sdelay $0x4  }
0x28: {  	[tilespmem:$0x1F960] =	vst v62;
	v62 =	vld [tilespmem:$0x10580];
	_ =	sdelay $0x4  }
0x29: {  	[tilespmem:$0x1F970] =	vst v62;
	v62 =	vld [tilespmem:$0x10290];
	_ =	sdelay $0x4  }
0x2a: {  	[tilespmem:$0x1F980] =	vst v62;
	v62 =	vld [tilespmem:$0x10590];
	_ =	sdelay $0x4  }
0x2b: {  	[tilespmem:$0x1F990] =	vst v62;
	v62 =	vld [tilespmem:$0x102A0];
	_ =	sdelay $0x4  }
0x2c: {  	[tilespmem:$0x1F9A0] =	vst v62;
	v62 =	vld [tilespmem:$0x105A0];
	_ =	sdelay $0x4  }
0x2d: {  	[tilespmem:$0x1F9B0] =	vst v62;
	v62 =	vld [tilespmem:$0x102B0];
	_ =	sdelay $0x4  }
0x2e: {  	[tilespmem:$0x1F9C0] =	vst v62;
	v62 =	vld [tilespmem:$0x105B0];
	_ =	sdelay $0x4  }
0x2f: {  	[tilespmem:$0x1F9D0] =	vst v62;
	v62 =	vld [tilespmem:$0x102C0];
	_ =	sdelay $0x4  }
0x30: {  	[tilespmem:$0x1F9E0] =	vst v62;
	v62 =	vld [tilespmem:$0x105C0];
	_ =	sdelay $0x4  }
0x31: {  	[tilespmem:$0x1F9F0] =	vst v62;
	v62 =	vld [tilespmem:$0x102D0];
	_ =	sdelay $0x4  }
0x32: {  	[tilespmem:$0x1FA00] =	vst v62;
	v62 =	vld [tilespmem:$0x105D0];
	_ =	sdelay $0x4  }
0x33: {  	[tilespmem:$0x1FA10] =	vst v62;
	v62 =	vld [tilespmem:$0x102E0];
	_ =	sdelay $0x4  }
0x34: {  	[tilespmem:$0x1FA20] =	vst v62;
	v62 =	vld [tilespmem:$0x105E0];
	_ =	sdelay $0x4  }
0x35: {  	[tilespmem:$0x1FA30] =	vst v62;
	v62 =	vld [tilespmem:$0x102F0];
	_ =	sdelay $0x4  }
0x36: {  	[tilespmem:$0x1FA40] =	vst v62;
	v62 =	vld [tilespmem:$0x105F0];
	_ =	sdelay $0x4  }
0x37: {  	[tilespmem:$0x1FA50] =	vst v62;
	v62 =	vld [tilespmem:$0x10280];
	_ =	sdelay $0x4  }
0x38: {  	[tilespmem:$0x1FA60] =	vst v62;
	v62 =	vld [tilespmem:$0x10600];
	_ =	sdelay $0x4  }
0x39: {  	[tilespmem:$0x1FA70] =	vst v62;
	v62 =	vld [tilespmem:$0x10290];
	_ =	sdelay $0x4  }
0x3a: {  	[tilespmem:$0x1FA80] =	vst v62;
	v62 =	vld [tilespmem:$0x10610];
	_ =	sdelay $0x4  }
0x3b: {  	[tilespmem:$0x1FA90] =	vst v62;
	v62 =	vld [tilespmem:$0x102A0];
	_ =	sdelay $0x4  }
0x3c: {  	[tilespmem:$0x1FAA0] =	vst v62;
	v62 =	vld [tilespmem:$0x10620];
	_ =	sdelay $0x4  }
0x3d: {  	[tilespmem:$0x1FAB0] =	vst v62;
	v62 =	vld [tilespmem:$0x102B0];
	_ =	sdelay $0x4  }
0x3e: {  	[tilespmem:$0x1FAC0] =	vst v62;
	v62 =	vld [tilespmem:$0x10630];
	_ =	sdelay $0x4  }
0x3f: {  	[tilespmem:$0x1FAD0] =	vst v62;
	v62 =	vld [tilespmem:$0x102C0];
	_ =	sdelay $0x4  }
0x40: {  	[tilespmem:$0x1FAE0] =	vst v62;
	v62 =	vld [tilespmem:$0x10640];
	_ =	sdelay $0x4  }
0x41: {  	[tilespmem:$0x1FAF0] =	vst v62;
	v62 =	vld [tilespmem:$0x102D0];
	_ =	sdelay $0x4  }
0x42: {  	[tilespmem:$0x1FB00] =	vst v62;
	v62 =	vld [tilespmem:$0x10650];
	_ =	sdelay $0x4  }
0x43: {  	[tilespmem:$0x1FB10] =	vst v62;
	v62 =	vld [tilespmem:$0x102E0];
	_ =	sdelay $0x4  }
0x44: {  	[tilespmem:$0x1FB20] =	vst v62;
	v62 =	vld [tilespmem:$0x10660];
	_ =	sdelay $0x1  }
0x45: {  	v3 =	vld [tilespmem:$0x10200]  }
0x46: {  	v0 =	vld [tilespmem:$0x10500]  }
0x47: {  	v4 =	vld [tilespmem:$0x10210]  }
0x48: {  	[tilespmem:$0x1FB30] =	vst v62;
	v62 =	vld [tilespmem:$0x102F0]  }
0x49: {  	v1 =	vld [tilespmem:$0x10510]  }
0x4a: {  	v6 =	vld [tilespmem:$0x10220]  }
0x4b: {  	v2 =	vld [tilespmem:$0x10520]  }
0x4c: {  	v8 =	vld [tilespmem:$0x10230]  }
0x4d: {  	[tilespmem:$0x1FB40] =	vst v62;
	v62 =	vld [tilespmem:$0x10670]  }
0x4e: {  	v5 =	vld [tilespmem:$0x10530]  }
0x4f: {  	v10 =	vld [tilespmem:$0x10240]  }
0x50: {  	v7 =	vld [tilespmem:$0x10540]  }
0x51: {  	v12 =	vld [tilespmem:$0x10250]  }
0x52: {  	[tilespmem:$0x1FB50] =	vst v62;
	v62 =	vld [tilespmem:$0x10300]  }
0x53: {  	v9 =	vld [tilespmem:$0x10550]  }
0x54: {  	v14 =	vld [tilespmem:$0x10260]  }
0x55: {  	v11 =	vld [tilespmem:$0x10560]  }
0x56: {  	v16 =	vld [tilespmem:$0x10270]  }
0x57: {  	[tilespmem:$0x1FB60] =	vst v62;
	v62 =	vld [tilespmem:$0x10500]  }
0x58: {  	v13 =	vld [tilespmem:$0x10570]  }
0x59: {  	v18 =	vld [tilespmem:$0x10200]  }
0x5a: {  	v15 =	vld [tilespmem:$0x10580]  }
0x5b: {  	v20 =	vld [tilespmem:$0x10210]  }
0x5c: {  	[tilespmem:$0x1FB70] =	vst v62;
	v62 =	vld [tilespmem:$0x10310]  }
0x5d: {  	v17 =	vld [tilespmem:$0x10590]  }
0x5e: {  	v22 =	vld [tilespmem:$0x10220]  }
0x5f: {  	v19 =	vld [tilespmem:$0x105A0]  }
0x60: {  	v24 =	vld [tilespmem:$0x10230]  }
0x61: {  	[tilespmem:$0x1FB80] =	vst v62;
	v62 =	vld [tilespmem:$0x10510]  }
0x62: {  	v21 =	vld [tilespmem:$0x105B0]  }
0x63: {  	v26 =	vld [tilespmem:$0x10240]  }
0x64: {  	v23 =	vld [tilespmem:$0x105C0]  }
0x65: {  	v28 =	vld [tilespmem:$0x10250]  }
0x66: {  	[tilespmem:$0x1FB90] =	vst v62;
	v62 =	vld [tilespmem:$0x10320]  }
0x67: {  	v25 =	vld [tilespmem:$0x105D0]  }
0x68: {  	v30 =	vld [tilespmem:$0x10260]  }
0x69: {  	v27 =	vld [tilespmem:$0x105E0]  }
0x6a: {  	v32 =	vld [tilespmem:$0x10270]  }
0x6b: {  	[tilespmem:$0x1FBA0] =	vst v62;
	v62 =	vld [tilespmem:$0x10520]  }
0x6c: {  	v29 =	vld [tilespmem:$0x105F0]  }
0x6d: {  	v34 =	vld [tilespmem:$0x10200]  }
0x6e: {  	v31 =	vld [tilespmem:$0x10600]  }
0x6f: {  	v63 =	vld [tilespmem:$0x10210]  }
0x70: {  	[tilespmem:$0x1FBB0] =	vst v62;
	v62 =	vld [tilespmem:$0x10330]  }
0x71: {  	v33 =	vld [tilespmem:$0x10610]  }
0x72: {  	v54 =	vld [tilespmem:$0x10220]  }
0x73: {  	v35 =	vld [tilespmem:$0x10620]  }
0x74: {  	v55 =	vld [tilespmem:$0x10230]  }
0x75: {  	[tilespmem:$0x1FBC0] =	vst v62;
	v62 =	vld [tilespmem:$0x10530]  }
0x76: {  	v36 =	vld [tilespmem:$0x10630]  }
0x77: {  	v46 =	vld [tilespmem:$0x10240]  }
0x78: {  	v37 =	vld [tilespmem:$0x10640]  }
0x79: {  	v43 =	vld [tilespmem:$0x10250]  }
0x7a: {  	[tilespmem:$0x1FBD0] =	vst v62;
	v62 =	vld [tilespmem:$0x10340]  }
0x7b: {  	v38 =	vld [tilespmem:$0x10650]  }
0x7c: {  	v40 =	vld [tilespmem:$0x10260]  }
0x7d: {  	v39 =	vld [tilespmem:$0x10660]  }
0x7e: {  	v44 =	vld [tilespmem:$0x10270]  }
0x7f: {  	[tilespmem:$0x1FBE0] =	vst v62;
	v62 =	vld [tilespmem:$0x10540]  }
0x80: {  	v41 =	vld [tilespmem:$0x10670]  }
0x81: {  	v45 =	vld [tilespmem:$0x10280]  }
0x82: {  	v42 =	vld [tilespmem:$0x10500]  }
0x83: {  	v48 =	vld [tilespmem:$0x10290]  }
0x84: {  	[tilespmem:$0x1FBF0] =	vst v62;
	v62 =	vld [tilespmem:$0x10350]  }
0x85: {  	v47 =	vld [tilespmem:$0x10510]  }
0x86: {  	v50 =	vld [tilespmem:$0x102A0]  }
0x87: {  	v49 =	vld [tilespmem:$0x10520]  }
0x88: {  	v53 =	vld [tilespmem:$0x102B0]  }
0x89: {  	[tilespmem:$0x1FC00] =	vst v62;
	v62 =	vld [tilespmem:$0x10550]  }
0x8a: {  	v51 =	vld [tilespmem:$0x10530]  }
0x8b: {  	v56 =	vld [tilespmem:$0x102C0]  }
0x8c: {  	v52 =	vld [tilespmem:$0x10540]  }
0x8d: {  	v61 =	vld [tilespmem:$0x102F0]  }
0x8e: {  	[tilespmem:$0x1FC10] =	vst v62;
	v62 =	vld [tilespmem:$0x10360]  }
0x8f: {  	v58 =	vld [tilespmem:$0x102D0]  }
0x90: {  	v57 =	vld [tilespmem:$0x10550]  }
0x91: {  	v60 =	vld [tilespmem:$0x102E0]  }
0x92: {  	v59 =	vld [tilespmem:$0x10560];
	[tilespmem:$0x1F950] =	vst v61  }
0x93: {  	v61 =	vld [tilespmem:$0x10570];
	[tilespmem:$0x1FC20] =	vst v62  }
0x94: {  	v62 =	vld [tilespmem:$0x10560]  }
0x95: {  	v0 =	vadd.f32 v0, v3;
	v3 =	vld [tilespmem:$0x103B0]  }
0x96: {  	v1 =	vadd.f32 v1, v4;
	v4 =	vld [tilespmem:$0x10530]  }
0x97: {  	[tilespmem:$0x10680] =	vst v0;
	v0 =	vadd.f32 v2, v6;
	v6 =	vld [tilespmem:$0x103C0]  }
0x98: {  	v5 =	vadd.f32 v5, v8;
	v7 =	vadd.f32 v7, v10;
	v8 =	vld [tilespmem:$0x10540]  }
0x99: {  	v9 =	vadd.f32 v9, v12;
	v12 =	vadd.f32 v11, v14;
	v10 =	vld [tilespmem:$0x103D0]  }
0x9a: {  	v16 =	vadd.f32 v13, v16;
	v14 =	vld [tilespmem:$0x10550]  }
0x9b: {  	[tilespmem:$0x106E0] =	vst v12;
	v12 =	vld [tilespmem:$0x10380]  }
0x9c: {  	[tilespmem:$0x106F0] =	vst v16;
	v16 =	vld [tilespmem:$0x10390]  }
0x9d: {  	[tilespmem:$0x106B0] =	vst v5;
	v5 =	vadd.f32 v15, v18;
	v18 =	vld [tilespmem:$0x10590]  }
0x9e: {  	[tilespmem:$0x106C0] =	vst v7;
	v7 =	vadd.f32 v17, v20;
	v20 =	vld [tilespmem:$0x103A0]  }
0x9f: {  	[tilespmem:$0x106D0] =	vst v9;
	v9 =	vadd.f32 v19, v22;
	v22 =	vld [tilespmem:$0x105A0]  }
0xa0: {  	v11 =	vadd.f32 v21, v24;
	v24 =	vld [tilespmem:$0x103B0]  }
0xa1: {  	v13 =	vadd.f32 v23, v26;
	v26 =	vld [tilespmem:$0x105B0]  }
0xa2: {  	v15 =	vadd.f32 v25, v28;
	v28 =	vld [tilespmem:$0x103C0]  }
0xa3: {  	v17 =	vadd.f32 v27, v30;
	v30 =	vld [tilespmem:$0x105C0]  }
0xa4: {  	v19 =	vadd.f32 v29, v32;
	v32 =	vld [tilespmem:$0x103D0]  }
0xa5: {  	v23 =	vadd.f32 v33, v63;
	v63 =	vld [tilespmem:$0x105D0]  }
0xa6: {  	v25 =	vadd.f32 v35, v54;
	v35 =	vld [tilespmem:$0x103E0]  }
0xa7: {  	v27 =	vadd.f32 v36, v55;
	v55 =	vld [tilespmem:$0x105E0]  }
0xa8: {  	v21 =	vadd.f32 v31, v34;
	v54 =	vld [tilespmem:$0x103F0]  }
0xa9: {  	v31 =	vadd.f32 v38, v43;
	v34 =	vadd.f32 v41, v44;
	v43 =	vld [tilespmem:$0x105F0]  }
0xaa: {  	v29 =	vadd.f32 v37, v46;
	v46 =	vld [tilespmem:$0x10380]  }
0xab: {  	[tilespmem:$0x107F0] =	vst v34;
	v34 =	vld [tilespmem:$0x10390]  }
0xac: {  	[tilespmem:$0x10790] =	vst v23;
	v23 =	vld [tilespmem:$0x10610]  }
0xad: {  	v44 =	vld [tilespmem:$0x1F950]  }
0xae: {  	[tilespmem:$0x1FC30] =	vst v62;
	v62 =	vld [tilespmem:$0x10370]  }
0xaf: {  	v37 =	vadd.f32 v47, v48;
	v47 =	vld [tilespmem:$0x1F960]  }
0xb0: {  	v48 =	vld [tilespmem:$0x1F970]  }
0xb1: {  	v38 =	vadd.f32 v49, v50;
	v50 =	vld [tilespmem:$0x1F980]  }
0xb2: {  	v33 =	vadd.f32 v39, v40;
	v39 =	vadd.f32 v51, v53;
	v51 =	vld [tilespmem:$0x1F990]  }
0xb3: {  	[tilespmem:$0x1FC40] =	vst v62;
	v62 =	vld [tilespmem:$0x10570]  }
0xb4: {  	v53 =	vld [tilespmem:$0x1F9A0]  }
0xb5: {  	v40 =	vadd.f32 v52, v56;
	v56 =	vld [tilespmem:$0x1F9B0]  }
0xb6: {  	v41 =	vadd.f32 v57, v58;
	v58 =	vld [tilespmem:$0x1F9C0]  }
0xb7: {  	v36 =	vadd.f32 v42, v45;
	v42 =	vadd.f32 v59, v60;
	v59 =	vld [tilespmem:$0x1F9D0]  }
0xb8: {  	[tilespmem:$0x1FC50] =	vst v62;
	v62 =	vld [tilespmem:$0x10300]  }
0xb9: {  	[tilespmem:$0x10740] =	vst v13;
	v13 =	vld [tilespmem:$0x1FA10]  }
0xba: {  	[tilespmem:$0x10780] =	vst v21;
	v21 =	vld [tilespmem:$0x1FA50]  }
0xbb: {  	[tilespmem:$0x10730] =	vst v11;
	v11 =	vld [tilespmem:$0x103E0]  }
0xbc: {  	[tilespmem:$0x107D0] =	vst v31;
	v31 =	vld [tilespmem:$0x1FAA0]  }
0xbd: {  	[tilespmem:$0x1FC60] =	vst v62;
	v62 =	vld [tilespmem:$0x10580]  }
0xbe: {  	[tilespmem:$0x10830] =	vst v39;
	v39 =	vld [tilespmem:$0x1FAE0]  }
0xbf: {  	[tilespmem:$0x10840] =	vst v40;
	v40 =	vld [tilespmem:$0x1FAF0]  }
0xc0: {  	v2 =	vld [tilespmem:$0x10630]  }
0xc1: {  	[tilespmem:$0x10690] =	vst v1;
	v1 =	vld [tilespmem:$0x10440]  }
0xc2: {  	[tilespmem:$0x1FC70] =	vst v62;
	v62 =	vld [tilespmem:$0x10310]  }
0xc3: {  	[tilespmem:$0x10750] =	vst v15;
	v15 =	vld [tilespmem:$0x10620]  }
0xc4: {  	[tilespmem:$0x10710] =	vst v7;
	v7 =	vld [tilespmem:$0x103C0]  }
0xc5: {  	[tilespmem:$0x10720] =	vst v9;
	v9 =	vld [tilespmem:$0x103D0]  }
0xc6: {  	[tilespmem:$0x10760] =	vst v17;
	v17 =	vld [tilespmem:$0x1FA20]  }
0xc7: {  	[tilespmem:$0x1FC80] =	vst v62;
	v62 =	vld [tilespmem:$0x10590]  }
0xc8: {  	[tilespmem:$0x107A0] =	vst v25;
	v25 =	vld [tilespmem:$0x1FA70]  }
0xc9: {  	[tilespmem:$0x107C0] =	vst v29;
	v29 =	vld [tilespmem:$0x1FA90]  }
0xca: {  	[tilespmem:$0x10800] =	vst v36;
	v36 =	vld [tilespmem:$0x1FAC0]  }
0xcb: {  	[tilespmem:$0x10810] =	vst v37;
	v37 =	vld [tilespmem:$0x1FAD0]  }
0xcc: {  	[tilespmem:$0x1FC90] =	vst v62;
	v62 =	vld [tilespmem:$0x10320]  }
0xcd: {  	[tilespmem:$0x10860] =	vst v42;
	v42 =	vld [tilespmem:$0x1FB00]  }
0xce: {  	[tilespmem:$0x1FEB0] =	vst v4;
	v4 =	vld [tilespmem:$0x103E0]  }
0xcf: {  	[tilespmem:$0x1FEC0] =	vst v6;
	v6 =	vld [tilespmem:$0x10560]  }
0xd0: {  	[tilespmem:$0x1FED0] =	vst v8;
	v8 =	vld [tilespmem:$0x103F0]  }
0xd1: {  	[tilespmem:$0x1FCA0] =	vst v62;
	v62 =	vld [tilespmem:$0x105A0]  }
0xd2: {  	[tilespmem:$0x1FEE0] =	vst v10;
	v10 =	vld [tilespmem:$0x10570]  }
0xd3: {  	[tilespmem:$0x1FEF0] =	vst v14;
	v14 =	vld [tilespmem:$0x10580]  }
0xd4: {  	[tilespmem:$0x1FFF0] =	vst v35;
	v35 =	vld [tilespmem:$0x10600]  }
0xd5: {  	[tilespmem:$0x1FFB0] =	vst v26;
	v26 =	vld [tilespmem:$0x103A0]  }
0xd6: {  	[tilespmem:$0x1FCB0] =	vst v62;
	v62 =	vld [tilespmem:$0x10330]  }
0xd7: {  	v45 =	vadd.f32 v61, v44;
	v61 =	vld [tilespmem:$0x1F9E0]  }
0xd8: {  	[tilespmem:$0x1FF40] =	vst v12;
	v12 =	vld [tilespmem:$0x1FA00]  }
0xd9: {  	[tilespmem:$0x1FF70] =	vst v18;
	v18 =	vld [tilespmem:$0x1FA30]  }
0xda: {  	[tilespmem:$0x1FF80] =	vst v20;
	v20 =	vld [tilespmem:$0x1FA40]  }
0xdb: {  	[tilespmem:$0x1FCC0] =	vst v62;
	v62 =	vld [tilespmem:$0x105B0]  }
0xdc: {  	[tilespmem:$0x1FFA0] =	vst v24;
	v24 =	vld [tilespmem:$0x1FA60]  }
0xdd: {  	[tilespmem:$0x1FFC0] =	vst v28;
	v28 =	vld [tilespmem:$0x1FA80]  }
0xde: {  	[tilespmem:$0x1FFE0] =	vst v32;
	v32 =	vld [tilespmem:$0x1FAB0]  }
0xdf: {  	v44 =	vld [tilespmem:$0x1FB10]  }
0xe0: {  	[tilespmem:$0x1FCD0] =	vst v62;
	v62 =	vld [tilespmem:$0x10340]  }
0xe1: {  	v49 =	vadd.f32 v48, v47;
	v47 =	vld [tilespmem:$0x1FB20]  }
0xe2: {  	v48 =	vld [tilespmem:$0x1FB30]  }
0xe3: {  	v52 =	vadd.f32 v51, v50;
	v50 =	vld [tilespmem:$0x1FB40]  }
0xe4: {  	v51 =	vld [tilespmem:$0x1FB50]  }
0xe5: {  	[tilespmem:$0x1FCE0] =	vst v62;
	v62 =	vld [tilespmem:$0x105C0]  }
0xe6: {  	v57 =	vadd.f32 v56, v53;
	v53 =	vld [tilespmem:$0x1FB60]  }
0xe7: {  	v56 =	vld [tilespmem:$0x1FB70]  }
0xe8: {  	v60 =	vadd.f32 v59, v58;
	v58 =	vld [tilespmem:$0x1FB80]  }
0xe9: {  	v59 =	vld [tilespmem:$0x1FB90]  }
0xea: {  	[tilespmem:$0x1FCF0] =	vst v62;
	v62 =	vld [tilespmem:$0x10350]  }
0xeb: {  	[tilespmem:$0x10850] =	vst v41;
	v41 =	vadd.f32 v40, v39;
	v39 =	vld [tilespmem:$0x1FC00]  }
0xec: {  	v40 =	vld [tilespmem:$0x1FC10]  }
0xed: {  	v54 =	vadd.f32 v43, v54;
	v43 =	vld [tilespmem:$0x10460]  }
0xee: {  	v23 =	vadd.f32 v23, v34;
	v34 =	vld [tilespmem:$0x10470]  }
0xef: {  	[tilespmem:$0x1FD00] =	vst v62;
	v62 =	vld [tilespmem:$0x105D0]  }
0xf0: {  	[tilespmem:$0x10820] =	vst v38;
	v38 =	vadd.f32 v37, v36;
	v36 =	vld [tilespmem:$0x1FBE0]  }
0xf1: {  	[tilespmem:$0x1FF60] =	vst v16;
	v37 =	vld [tilespmem:$0x1FBF0]  }
0xf2: {  	[tilespmem:$0x106A0] =	vst v0;
	v0 =	vld [tilespmem:$0x1FF60]  }
0xf3: {  	[tilespmem:$0x1FF50] =	vst v14;
	v14 =	vld [tilespmem:$0x103B0]  }
0xf4: {  	[tilespmem:$0x1FD10] =	vst v62;
	v62 =	vld [tilespmem:$0x10360]  }
0xf5: {  	[tilespmem:$0x1FF10] =	vst v6;
	v6 =	vld [tilespmem:$0x10630]  }
0xf6: {  	[tilespmem:$0x1FF00] =	vst v4;
	v4 =	vld [tilespmem:$0x1F9F0]  }
0xf7: {  	[tilespmem:$0x1FF20] =	vst v8;
	v8 =	vld [tilespmem:$0x10640]  }
0xf8: {  	[tilespmem:$0x1FF30] =	vst v10;
	v10 =	vld [tilespmem:$0x10650]  }
0xf9: {  	[tilespmem:$0x1FD20] =	vst v62;
	v62 =	vld [tilespmem:$0x105E0]  }
0xfa: {  	v16 =	vadd.f32 v13, v12;
	v12 =	vld [tilespmem:$0x10660]  }
0xfb: {  	v13 =	vld [tilespmem:$0x103F0]  }
0xfc: {  	[tilespmem:$0x10770] =	vst v19;
	v19 =	vadd.f32 v18, v17;
	v17 =	vld [tilespmem:$0x10400]  }
0xfd: {  	v18 =	vld [tilespmem:$0x10500]  }
0xfe: {  	[tilespmem:$0x1FD30] =	vst v62;
	v62 =	vld [tilespmem:$0x10370]  }
0xff: {  	[tilespmem:$0x1FF90] =	vst v22;
	v22 =	vadd.f32 v21, v20;
	v20 =	vld [tilespmem:$0x10510]  }
0x100: {  	v21 =	vld [tilespmem:$0x10420]  }
0x101: {  	[tilespmem:$0x107B0] =	vst v27;
	v27 =	vadd.f32 v25, v24;
	v24 =	vld [tilespmem:$0x10430]  }
0x102: {  	v25 =	vld [tilespmem:$0x10530]  }
0x103: {  	[tilespmem:$0x1FD40] =	vst v62;
	v62 =	vld [tilespmem:$0x105F0]  }
0x104: {  	[tilespmem:$0x107E0] =	vst v33;
	v33 =	vadd.f32 v32, v31;
	v31 =	vld [tilespmem:$0x1FBC0]  }
0x105: {  	v32 =	vld [tilespmem:$0x1FBD0]  }
0x106: {  	[tilespmem:$0x1FFD0] =	vst v30;
	v30 =	vadd.f32 v29, v28;
	v28 =	vld [tilespmem:$0x10540]  }
0x107: {  	v29 =	vld [tilespmem:$0x10450]  }
0x108: {  	[tilespmem:$0x1FD50] =	vst v62;
	v62 =	vld [tilespmem:$0x10300]  }
0x109: {  	[tilespmem:$0x10870] =	vst v45;
	v45 =	vadd.f32 v44, v42;
	v42 =	vld [tilespmem:$0x1FC20]  }
0x10a: {  	v44 =	vld [tilespmem:$0x1FC30]  }
0x10b: {  	[tilespmem:$0x10940] =	vst v41;
	v41 =	vadd.f32 v40, v39;
	v39 =	vld [tilespmem:$0x10410]  }
0x10c: {  	v15 =	vadd.f32 v15, v26;
	v26 =	vld [tilespmem:$0x10670]  }
0x10d: {  	[tilespmem:$0x1FD60] =	vst v62;
	v62 =	vld [tilespmem:$0x10600]  }
0x10e: {  	v35 =	vadd.f32 v35, v46;
	v46 =	vld [tilespmem:$0x104C0]  }
0x10f: {  	[tilespmem:$0x10880] =	vst v49;
	v49 =	vadd.f32 v48, v47;
	v47 =	vld [tilespmem:$0x1FC40]  }
0x110: {  	[tilespmem:$0x10930] =	vst v38;
	v38 =	vadd.f32 v37, v36;
	v36 =	vld [tilespmem:$0x10570]  }
0x111: {  	v37 =	vld [tilespmem:$0x10400]  }
0x112: {  	[tilespmem:$0x1FD70] =	vst v62;
	v62 =	vld [tilespmem:$0x10310]  }
0x113: {  	[tilespmem:$0x108D0] =	vst v16;
	v16 =	vld [tilespmem:$0x10670]  }
0x114: {  	[tilespmem:$0x108E0] =	vst v19;
	v19 =	vld [tilespmem:$0x10410]  }
0x115: {  	[tilespmem:$0x108F0] =	vst v22;
	v22 =	vld [tilespmem:$0x10520]  }
0x116: {  	[tilespmem:$0x10900] =	vst v27;
	v27 =	vld [tilespmem:$0x10440]  }
0x117: {  	[tilespmem:$0x1FD80] =	vst v62;
	v62 =	vld [tilespmem:$0x10610]  }
0x118: {  	[tilespmem:$0x10910] =	vst v30;
	v30 =	vld [tilespmem:$0x10550]  }
0x119: {  	[tilespmem:$0x109D0] =	vst v41;
	v41 =	vld [tilespmem:$0x1FF30]  }
0x11a: {  	[tilespmem:$0x109C0] =	vst v38;
	v38 =	vld [tilespmem:$0x10580]  }
0x11b: {  	[tilespmem:$0x10700] =	vst v5;
	v5 =	vadd.f32 v4, v61;
	v61 =	vld [tilespmem:$0x1FBA0]  }
0x11c: {  	[tilespmem:$0x1FD90] =	vst v62;
	v62 =	vld [tilespmem:$0x10320]  }
0x11d: {  	v4 =	vld [tilespmem:$0x1FBB0]  }
0x11e: {  	[tilespmem:$0x10920] =	vst v33;
	v33 =	vadd.f32 v32, v31;
	v31 =	vld [tilespmem:$0x10460]  }
0x11f: {  	v32 =	vld [tilespmem:$0x10560]  }
0x120: {  	v6 =	vadd.f32 v6, v14;
	v14 =	vld [tilespmem:$0x10480]  }
0x121: {  	[tilespmem:$0x1FDA0] =	vst v62;
	v62 =	vld [tilespmem:$0x10620]  }
0x122: {  	v7 =	vadd.f32 v8, v7;
	v8 =	vld [tilespmem:$0x10500]  }
0x123: {  	[tilespmem:$0x10BF0] =	vst v54;
	v54 =	vadd.f32 v10, v9;
	v9 =	vld [tilespmem:$0x10490]  }
0x124: {  	v10 =	vld [tilespmem:$0x10510]  }
0x125: {  	[tilespmem:$0x10C20] =	vst v15;
	v15 =	vadd.f32 v12, v11;
	v11 =	vld [tilespmem:$0x104A0]  }
0x126: {  	[tilespmem:$0x1FDB0] =	vst v62;
	v62 =	vld [tilespmem:$0x10330]  }
0x127: {  	v12 =	vld [tilespmem:$0x10520]  }
0x128: {  	v18 =	vadd.f32 v18, v17;
	v17 =	vld [tilespmem:$0x10540]  }
0x129: {  	v48 =	vld [tilespmem:$0x1FC50]  }
0x12a: {  	[tilespmem:$0x109B0] =	vst v33;
	v33 =	vld [tilespmem:$0x10470]  }
0x12b: {  	[tilespmem:$0x1FDC0] =	vst v62;
	v62 =	vld [tilespmem:$0x10630]  }
0x12c: {  	v16 =	vadd.f32 v16, v13;
	v13 =	vld [tilespmem:$0x104B0]  }
0x12d: {  	[tilespmem:$0x10C60] =	vst v15;
	v15 =	vld [tilespmem:$0x10530]  }
0x12e: {  	[tilespmem:$0x10C80] =	vst v18;
	v18 =	vld [tilespmem:$0x104D0]  }
0x12f: {  	v20 =	vadd.f32 v20, v19;
	v19 =	vld [tilespmem:$0x10550]  }
0x130: {  	[tilespmem:$0x1FDD0] =	vst v62;
	v62 =	vld [tilespmem:$0x10340]  }
0x131: {  	[tilespmem:$0x10C10] =	vst v23;
	v24 =	vadd.f32 v25, v24;
	v23 =	vadd.f32 v22, v21;
	v21 =	vld [tilespmem:$0x10560]  }
0x132: {  	[tilespmem:$0x10890] =	vst v52;
	v22 =	vld [tilespmem:$0x104F0]  }
0x133: {  	[tilespmem:$0x10CB0] =	vst v24;
	v24 =	vld [tilespmem:$0x10480]  }
0x134: {  	[tilespmem:$0x10C70] =	vst v16;
	v16 =	vld [tilespmem:$0x104C0]  }
0x135: {  	[tilespmem:$0x1FDE0] =	vst v62;
	v62 =	vld [tilespmem:$0x10640]  }
0x136: {  	v25 =	vadd.f32 v28, v27;
	[tilespmem:$0x10C90] =	vst v20;
	v20 =	vld [tilespmem:$0x104E0]  }
0x137: {  	v27 =	vadd.f32 v30, v29;
	[tilespmem:$0x10CA0] =	vst v23;
	v23 =	vld [tilespmem:$0x10570]  }
0x138: {  	[tilespmem:$0x10CC0] =	vst v25;
	v25 =	vld [tilespmem:$0x10580]  }
0x139: {  	[tilespmem:$0x10CD0] =	vst v27;
	v27 =	vld [tilespmem:$0x10490]  }
0x13a: {  	v28 =	vadd.f32 v32, v31;
	[tilespmem:$0x1FDF0] =	vst v62;
	v62 =	vld [tilespmem:$0x10350]  }
0x13b: {  	v52 =	vadd.f32 v51, v50;
	[tilespmem:$0x10C50] =	vst v54;
	v54 =	vadd.f32 v8, v14;
	v50 =	vld [tilespmem:$0x1FC60]  }
0x13c: {  	v29 =	vadd.f32 v36, v33;
	[tilespmem:$0x10CE0] =	vst v28;
	v28 =	vld [tilespmem:$0x10590]  }
0x13d: {  	[tilespmem:$0x10E00] =	vst v54;
	v54 =	vld [tilespmem:$0x10660]  }
0x13e: {  	[tilespmem:$0x10CF0] =	vst v29;
	v29 =	vld [tilespmem:$0x104A0]  }
0x13f: {  	[tilespmem:$0x1FE00] =	vst v62;
	v62 =	vld [tilespmem:$0x10650]  }
0x140: {  	v51 =	vld [tilespmem:$0x1FC70]  }
0x141: {  	[tilespmem:$0x108A0] =	vst v57;
	v57 =	vadd.f32 v56, v53;
	v53 =	vld [tilespmem:$0x1FC80]  }
0x142: {  	v56 =	vld [tilespmem:$0x1FC90]  }
0x143: {  	[tilespmem:$0x10950] =	vst v45;
	v45 =	vadd.f32 v44, v42;
	v42 =	vld [tilespmem:$0x1FCE0]  }
0x144: {  	[tilespmem:$0x1FE10] =	vst v62;
	v62 =	vld [tilespmem:$0x10360]  }
0x145: {  	v44 =	vld [tilespmem:$0x1FCF0]  }
0x146: {  	[tilespmem:$0x108B0] =	vst v60;
	v60 =	vadd.f32 v59, v58;
	v58 =	vld [tilespmem:$0x1FCA0]  }
0x147: {  	v59 =	vld [tilespmem:$0x1FCB0]  }
0x148: {  	[tilespmem:$0x108C0] =	vst v5;
	v5 =	vadd.f32 v4, v61;
	v61 =	vld [tilespmem:$0x1FCC0]  }
0x149: {  	[tilespmem:$0x1FE20] =	vst v62;
	v62 =	vld [tilespmem:$0x10660]  }
0x14a: {  	[tilespmem:$0x109E0] =	vst v45;
	v4 =	vld [tilespmem:$0x1FCD0];
	v45 =	vadd.f32 v44, v42  }
0x14b: {  	v44 =	vld [tilespmem:$0x10420]  }
0x14c: {  	[tilespmem:$0x10A40] =	vst v45;
	v45 =	vld [tilespmem:$0x105A0]  }
0x14d: {  	[tilespmem:$0x10960] =	vst v49;
	v49 =	vadd.f32 v48, v47;
	v47 =	vld [tilespmem:$0x1FD00]  }
0x14e: {  	[tilespmem:$0x1FE30] =	vst v62;
	v62 =	vld [tilespmem:$0x10370]  }
0x14f: {  	v42 =	vld [tilespmem:$0x10590]  }
0x150: {  	v48 =	vld [tilespmem:$0x1FD10]  }
0x151: {  	v32 =	vadd.f32 v45, v44;
	v44 =	vld [tilespmem:$0x104B0]  }
0x152: {  	v45 =	vld [tilespmem:$0x105B0]  }
0x153: {  	[tilespmem:$0x1FE40] =	vst v62;
	v62 =	vld [tilespmem:$0x10670]  }
0x154: {  	[tilespmem:$0x10D20] =	vst v32;
	v32 =	vld [tilespmem:$0x10490]  }
0x155: {  	[tilespmem:$0x109F0] =	vst v49;
	v49 =	vadd.f32 v48, v47;
	v47 =	vld [tilespmem:$0x10430]  }
0x156: {  	v48 =	vld [tilespmem:$0x105B0]  }
0x157: {  	[tilespmem:$0x10970] =	vst v52;
	v52 =	vadd.f32 v51, v50;
	v50 =	vld [tilespmem:$0x1FD20]  }
0x158: {  	[tilespmem:$0x1FE50] =	vst v62;
	v62 =	vld [tilespmem:$0x10380]  }
0x159: {  	[tilespmem:$0x10A50] =	vst v49;
	v49 =	vld [tilespmem:$0x10440]  }
0x15a: {  	v51 =	vld [tilespmem:$0x1FD30]  }
0x15b: {  	v33 =	vadd.f32 v48, v47;
	v47 =	vld [tilespmem:$0x105C0]  }
0x15c: {  	[tilespmem:$0x10980] =	vst v57;
	v57 =	vadd.f32 v56, v53;
	v53 =	vld [tilespmem:$0x1FD40]  }
0x15d: {  	[tilespmem:$0x1FE60] =	vst v62;
	v62 =	vld [tilespmem:$0x10500]  }
0x15e: {  	v56 =	vld [tilespmem:$0x1FD50]  }
0x15f: {  	[tilespmem:$0x109A0] =	vst v5;
	v5 =	vadd.f32 v4, v61;
	v61 =	vld [tilespmem:$0x1FD80]  }
0x160: {  	v4 =	vld [tilespmem:$0x1FD90]  }
0x161: {  	[tilespmem:$0x10990] =	vst v60;
	v60 =	vadd.f32 v59, v58;
	v58 =	vld [tilespmem:$0x1FD60]  }
0x162: {  	[tilespmem:$0x1FE70] =	vst v62;
	v62 =	vld [tilespmem:$0x10390]  }
0x163: {  	v59 =	vld [tilespmem:$0x1FD70]  }
0x164: {  	[tilespmem:$0x10A00] =	vst v52;
	v52 =	vadd.f32 v51, v50;
	v50 =	vld [tilespmem:$0x1FDA0]  }
0x165: {  	[tilespmem:$0x10A30] =	vst v5;
	v5 =	vadd.f32 v4, v61;
	v61 =	vld [tilespmem:$0x1FE00]  }
0x166: {  	v4 =	vld [tilespmem:$0x1FE10]  }
0x167: {  	[tilespmem:$0x1FE80] =	vst v62;
	v62 =	vld [tilespmem:$0x10510]  }
0x168: {  	[tilespmem:$0x10A20] =	vst v60;
	v60 =	vadd.f32 v59, v58;
	v58 =	vld [tilespmem:$0x1FDE0]  }
0x169: {  	v59 =	vld [tilespmem:$0x1FDF0]  }
0x16a: {  	v51 =	vld [tilespmem:$0x1FDB0]  }
0x16b: {  	[tilespmem:$0x10A90] =	vst v5;
	v5 =	vadd.f32 v4, v61;
	v61 =	vld [tilespmem:$0x1FE60]  }
0x16c: {  	[tilespmem:$0x1FE90] =	vst v62;
	v62 =	vld [tilespmem:$0x103A0]  }
0x16d: {  	v4 =	vld [tilespmem:$0x1FE70]  }
0x16e: {  	[tilespmem:$0x10A80] =	vst v60;
	v60 =	vadd.f32 v59, v58;
	v58 =	vld [tilespmem:$0x1FE40]  }
0x16f: {  	v59 =	vld [tilespmem:$0x1FE50]  }
0x170: {  	[tilespmem:$0x10A10] =	vst v57;
	v57 =	vadd.f32 v56, v53;
	v53 =	vld [tilespmem:$0x1FDC0]  }
0x171: {  	[tilespmem:$0x1FEA0] =	vst v62;
	v62 =	vld [tilespmem:$0x10520]  }
0x172: {  	[tilespmem:$0x10AD0] =	vst v5;
	v5 =	vadd.f32 v4, v61;
	v61 =	vld [tilespmem:$0x1FEA0]  }
0x173: {  	v4 =	vld [tilespmem:$0x1FEB0]  }
0x174: {  	[tilespmem:$0x10AC0] =	vst v60;
	v60 =	vadd.f32 v59, v58;
	v58 =	vld [tilespmem:$0x1FE80]  }
0x175: {  	[tilespmem:$0x10A60] =	vst v52;
	v52 =	vadd.f32 v51, v50;
	v59 =	vld [tilespmem:$0x1FE90]  }
0x176: {  	v50 =	vld [tilespmem:$0x105C0]  }
0x177: {  	v51 =	vld [tilespmem:$0x10450];
	[tilespmem:$0x10AA0] =	vst v52;
	v62 =	vadd.f32 v62, v61  }
0x178: {  	[tilespmem:$0x10B00] =	vst v5;
	v5 =	vadd.f32 v4, v3;
	v4 =	vld [tilespmem:$0x1FEF0]  }
0x179: {  	[tilespmem:$0x10B20] =	vst v62;
	v62 =	vld [tilespmem:$0x1FEE0]  }
0x17a: {  	v52 =	vld [tilespmem:$0x105D0];
	[tilespmem:$0x10AF0] =	vst v60;
	v60 =	vadd.f32 v59, v58  }
0x17b: {  	v56 =	vld [tilespmem:$0x1FDD0]  }
0x17c: {  	[tilespmem:$0x10B10] =	vst v60;
	v60 =	vld [tilespmem:$0x1FEC0]  }
0x17d: {  	v61 =	vld [tilespmem:$0x1FED0]  }
0x17e: {  	[tilespmem:$0x10B30] =	vst v5;
	v5 =	vadd.f32 v4, v62;
	v62 =	vld [tilespmem:$0x1FF00]  }
0x17f: {  	v4 =	vld [tilespmem:$0x1FF10]  }
0x180: {  	[tilespmem:$0x10B50] =	vst v5;
	v5 =	vld [tilespmem:$0x1FF20]  }
0x181: {  	[tilespmem:$0x10C00] =	vst v35;
	v35 =	vadd.f32 v50, v49;
	v49 =	vld [tilespmem:$0x104D0]  }
0x182: {  	v36 =	vadd.f32 v52, v51;
	v51 =	vld [tilespmem:$0x105D0];
	v40 =	vadd.f32 v61, v60  }
0x183: {  	[tilespmem:$0x10A70] =	vst v57;
	v57 =	vadd.f32 v56, v53;
	v53 =	vld [tilespmem:$0x1FE20]  }
0x184: {  	v56 =	vld [tilespmem:$0x1FE30];
	[tilespmem:$0x10B40] =	vst v40;
	v40 =	vadd.f32 v4, v62  }
0x185: {  	v4 =	vld [tilespmem:$0x1FF40];
	v41 =	vadd.f32 v41, v5  }
0x186: {  	[tilespmem:$0x10B60] =	vst v40;
	v40 =	vld [tilespmem:$0x1FF50]  }
0x187: {  	[tilespmem:$0x10B70] =	vst v41;
	v41 =	vld [tilespmem:$0x1FF70]  }
0x188: {  	[tilespmem:$0x10C30] =	vst v6;
	v52 =	vadd.f32 v26, v34;
	v34 =	vld [tilespmem:$0x10610]  }
0x189: {  	[tilespmem:$0x10D50] =	vst v36;
	v36 =	vld [tilespmem:$0x104A0]  }
0x18a: {  	v30 =	vadd.f32 v38, v37;
	[tilespmem:$0x10AB0] =	vst v57;
	v57 =	vadd.f32 v56, v53;
	v53 =	vld [tilespmem:$0x10460]  }
0x18b: {  	[tilespmem:$0x10C40] =	vst v7;
	v56 =	vld [tilespmem:$0x105E0];
	v40 =	vadd.f32 v40, v4  }
0x18c: {  	[tilespmem:$0x10D00] =	vst v30;
	v41 =	vadd.f32 v41, v0;
	v0 =	vld [tilespmem:$0x1FF80]  }
0x18d: {  	[tilespmem:$0x10B80] =	vst v40;
	v40 =	vld [tilespmem:$0x1FF90]  }
0x18e: {  	v31 =	vadd.f32 v42, v39;
	[tilespmem:$0x10DF0] =	vst v52;
	v52 =	vld [tilespmem:$0x104E0]  }
0x18f: {  	[tilespmem:$0x10AE0] =	vst v57;
	v57 =	vld [tilespmem:$0x10470]  }
0x190: {  	[tilespmem:$0x10D10] =	vst v31;
	v37 =	vadd.f32 v56, v53;
	v53 =	vld [tilespmem:$0x104E0]  }
0x191: {  	v56 =	vadd.f32 v10, v9;
	[tilespmem:$0x10B90] =	vst v41;
	v41 =	vld [tilespmem:$0x1FFB0]  }
0x192: {  	[tilespmem:$0x10D30] =	vst v33;
	v33 =	vadd.f32 v21, v20;
	v40 =	vadd.f32 v40, v0;
	v0 =	vld [tilespmem:$0x1FFA0]  }
0x193: {  	[tilespmem:$0x10E10] =	vst v56;
	v56 =	vld [tilespmem:$0x104F0]  }
0x194: {  	[tilespmem:$0x10E60] =	vst v33;
	v3 =	vld [tilespmem:$0x10430]  }
0x195: {  	[tilespmem:$0x10D40] =	vst v35;
	v26 =	vadd.f32 v19, v18;
	v58 =	vld [tilespmem:$0x105F0]  }
0x196: {  	[tilespmem:$0x10BA0] =	vst v40;
	v40 =	vld [tilespmem:$0x1FFD0]  }
0x197: {  	v35 =	vadd.f32 v23, v22;
	[tilespmem:$0x10E50] =	vst v26;
	v41 =	vadd.f32 v41, v0;
	v0 =	vld [tilespmem:$0x1FFC0]  }
0x198: {  	[tilespmem:$0x10D60] =	vst v37;
	v37 =	vadd.f32 v25, v24;
	v59 =	vld [tilespmem:$0x10400]  }
0x199: {  	[tilespmem:$0x10E70] =	vst v35;
	v2 =	vadd.f32 v2, v3;
	v60 =	vld [tilespmem:$0x10600]  }
0x19a: {  	[tilespmem:$0x10E80] =	vst v37;
	v38 =	vadd.f32 v58, v57;
	v57 =	vld [tilespmem:$0x104F0]  }
0x19b: {  	[tilespmem:$0x10DB0] =	vst v2;
	v61 =	vld [tilespmem:$0x10410]  }
0x19c: {  	[tilespmem:$0x10BB0] =	vst v41;
	v41 =	vld [tilespmem:$0x1FFE0];
	v40 =	vadd.f32 v40, v0  }
0x19d: {  	v58 =	vadd.f32 v12, v11;
	[tilespmem:$0x10D70] =	vst v38;
	v62 =	vld [tilespmem:$0x10610]  }
0x19e: {  	v39 =	vadd.f32 v60, v59;
	[tilespmem:$0x10BC0] =	vst v40;
	v40 =	vld [tilespmem:$0x1FFF0]  }
0x19f: {  	[tilespmem:$0x10E20] =	vst v58;
	v60 =	vadd.f32 v15, v13;
	v5 =	vld [tilespmem:$0x10420]  }
0x1a0: {  	[tilespmem:$0x10D80] =	vst v39;
	v39 =	vadd.f32 v28, v27;
	v4 =	vld [tilespmem:$0x10620]  }
0x1a1: {  	[tilespmem:$0x10E30] =	vst v60;
	v0 =	vld [tilespmem:$0x10640];
	v41 =	vadd.f32 v63, v41  }
0x1a2: {  	[tilespmem:$0x10E90] =	vst v39;
	v42 =	vadd.f32 v62, v61;
	v62 =	vadd.f32 v17, v16;
	v63 =	vld [tilespmem:$0x10450]  }
0x1a3: {  	[tilespmem:$0x10BD0] =	vst v41;
	v41 =	vld [tilespmem:$0x105A0];
	v40 =	vadd.f32 v55, v40  }
0x1a4: {  	[tilespmem:$0x10E40] =	vst v62;
	v55 =	vld [tilespmem:$0x10650]  }
0x1a5: {  	v62 =	vadd.f32 v54, v52;
	[tilespmem:$0x10BE0] =	vst v40;
	v40 =	vld [tilespmem:$0x10660]  }
0x1a6: {  	v38 =	vld [tilespmem:$0x10620];
	[tilespmem:$0x10D90] =	vst v42;
	v4 =	vadd.f32 v4, v5  }
0x1a7: {  	v58 =	vld [tilespmem:$0x10670];
	[tilespmem:$0x10F60] =	vst v62;
	v0 =	vadd.f32 v0, v1  }
0x1a8: {  	v59 =	vld [tilespmem:$0x105F0];
	[tilespmem:$0x10DA0] =	vst v4;
	v41 =	vadd.f32 v41, v29  }
0x1a9: {  	v61 =	vld [tilespmem:$0x10480];
	[tilespmem:$0x10DC0] =	vst v0;
	v48 =	vadd.f32 v55, v63  }
0x1aa: {  	v42 =	vld [tilespmem:$0x10630];
	[tilespmem:$0x10EA0] =	vst v41;
	v50 =	vadd.f32 v40, v43  }
0x1ab: {  	v55 =	vld [tilespmem:$0x105E0];
	[tilespmem:$0x10DD0] =	vst v48;
	v43 =	vadd.f32 v45, v44  }
0x1ac: {  	v63 =	vld [tilespmem:$0x10600];
	v45 =	vadd.f32 v47, v46;
	[tilespmem:$0x10DE0] =	vst v50  }
0x1ad: {  	v40 =	vld [tilespmem:$0x104B0];
	v47 =	vadd.f32 v51, v49;
	[tilespmem:$0x10EB0] =	vst v43  }
0x1ae: {  	v44 =	vld [tilespmem:$0x104C0];
	v51 =	vadd.f32 v59, v57;
	[tilespmem:$0x10EC0] =	vst v45  }
0x1af: {  	v46 =	vld [tilespmem:$0x10640];
	v57 =	vadd.f32 v38, v36;
	[tilespmem:$0x10ED0] =	vst v47  }
0x1b0: {  	v48 =	vld [tilespmem:$0x104D0];
	[tilespmem:$0x10EF0] =	vst v51;
	v49 =	vadd.f32 v55, v53  }
0x1b1: {  	v50 =	vld [tilespmem:$0x10650];
	[tilespmem:$0x10F20] =	vst v57;
	v53 =	vadd.f32 v63, v61  }
0x1b2: {  	v55 =	vadd.f32 v34, v32;
	[tilespmem:$0x10EE0] =	vst v49  }
0x1b3: {  	v63 =	vadd.f32 v58, v56;
	[tilespmem:$0x10F00] =	vst v53  }
0x1b4: {  	[tilespmem:$0x10F10] =	vst v55;
	v59 =	vadd.f32 v42, v40  }
0x1b5: {  	v60 =	vadd.f32 v46, v44;
	[tilespmem:$0x10F70] =	vst v63  }
0x1b6: {  	[tilespmem:$0x10F30] =	vst v59;
	v61 =	vadd.f32 v50, v48  }
0x1b7: {  	[tilespmem:$0x10F40] =	vst v60  }
0x1b8: {  	s17 =	rddreg [dreg:$0x6];
	[tilespmem:$0x10F50] =	vst v61  }
0x1b9: {  	[tilespmem:s6], [sflag:$0x1] =	stream.linear.gather [hbm4b:s17+s6], $0x4000, $0x38;
	[tilespmem:$0x10F80] =	vst v63  }
0x1ba: {  	s28 =	simm.s32 $0x10000;
	s26 =	rddreg [dreg:$0x7]  }
0x1bb: {  	[tilespmem:s28], [sflag:$0x3] =	stream.linear.gather [hbm4b:s26+s6], $0x80, $0x38;
	[tilespmem:$0x10F80] =	vst v63  }
0x1bc: {  	s29 =	rddreg [dreg:$0x8]  }
0x1bd: {  	[tilespmem:s18], [sflag:$0x2] =	stream.linear.gather [hbm4b:s29+s6], $0x4000, $0x38;
	[tilespmem:$0x10F80] =	vst v63  }
0x1be: {  	s30 =	simm.s32 $0x0;
	s31 =	rddreg [dreg:$0x9]  }
0x1bf: {  	[tilespmem:s19], [sflag:$0x4] =	stream.linear.gather [hbm4b:s31+s6], $0x80, $0x38;
	[tilespmem:$0x10F80] =	vst v63  }
.LBB2_2:
0x1c0: {  	_ =	swait.ge [sflag:s20], $0x4000  }
0x1c1: {  	[sflag:s20] =	ssyncset.done $0x0  }
0x1c2: {  	[sflag:s20] =	ssyncadd.s32 $0xFFFFC000  }
0x1c3: {  	_ =	swait.ge [sflag:s21], $0x80  }
0x1c4: {  	p0 =	seq.s32 s30, $0x0;
	[sflag:s21] =	ssyncset.done $0x0  }
0x1c5: {  	s0 =	simm.s32 @!p0 $0x5;
	[sflag:s21] =	ssyncadd.s32 $0xFFFFFF80  }
0x1c6: {  	_ =	swait.ge @!p0 [sflag:s0], $0x4000  }
0x1c7: {  	[sflag:s0] =	ssyncset.done @!p0 $0x0  }
0x1c8: {  	s26 =	simm.s32 $0x10002;
	[sflag:s0] =	ssyncadd.s32 @!p0 $0xFFFFC000  }
0x1c9: {  	v0 =	vld [tilespmem:s26+$0x1];
	_ =	sdelay $0x1  }
0x1ca: {  	v1 =	vld [tilespmem:s26+$0xFFFFFFFF]  }
0x1cb: {  	v2 =	vld [tilespmem:s26+$0x0]  }
0x1cc: {  	v3 =	vld [tilespmem:s26+$0xFFFFFFFE]  }
0x1cd: {  	(v2sf) =	vpush v0, $0x0;
	_ =	sdelay $0x1  }
0x1ce: {  	(v2sf) =	vpush v1, $0x0  }
0x1cf: {  	(v2sf) =	vpush v2, $0x0  }
0x1d0: {  	(v2sf) =	vpush v3, $0x0;
	_ =	sdelay $0x8  }
0x1d1: {  	s5 =	sshrl.u32 s30, $0x1  }
0x1d2: {  	s31 =	smul.u32 $0x3, s5  }
0x1d3: {  	s28 =	spop (v2sf)  }
0x1d4: {  	s0 =	sadd.s32 s31, s28  }
0x1d5: {  	s3 =	simm.s32 $0x100;
	s2 =	spop (v2sf);
	s0 =	sshll.u32 s0, $0x9  }
0x1d6: {  	v0 =	vld [tilespmem:s3+$0x80];
	s10 =	spop (v2sf);
	s9 =	sshra.s32 s0, $0x2  }
0x1d7: {  	s29 =	spop (v2sf);
	v1 =	vld [tilespmem:s9+$0x10680]  }
0x1d8: {  	s0 =	sadd.s32 s31, s29  }
0x1d9: {  	s2 =	sadd.s32 s31, s2;
	s0 =	sshll.u32 s0, $0x9  }
0x1da: {  	v2 =	vld [tilespmem:s3+$0xFFFFFF00];
	s2 =	sshll.u32 s2, $0x9;
	s13 =	sshra.s32 s0, $0x2  }
0x1db: {  	s0 =	sshra.s32 s2, $0x2;
	v3 =	vld [tilespmem:s13+$0x10680]  }
0x1dc: {  	v4 =	vld [tilespmem:s0+$0x10680];
	v0 =	vadd.f32 v1, v0  }
0x1dd: {  	s2 =	simm.s32 $0x8100;
	v1 =	vld [tilespmem:s3+$0xFFFFFF80]  }
0x1de: {  	[tilespmem:s2+$0x80] =	vst v0  }
0x1df: {  	s10 =	sadd.s32 s31, s10;
	v0 =	vld [tilespmem:s3+$0x90]  }
0x1e0: {  	s10 =	sshll.u32 s10, $0x9;
	v2 =	vadd.f32 v3, v2;
	v3 =	vld [tilespmem:s9+$0x10690]  }
0x1e1: {  	v6 =	vld [tilespmem:s3+$0x0];
	s14 =	sshra.s32 s10, $0x2  }
0x1e2: {  	v5 =	vld [tilespmem:s14+$0x10680];
	v1 =	vadd.f32 v4, v1;
	[tilespmem:s2+$0xFFFFFF00] =	vst v2  }
0x1e3: {  	v2 =	vld [tilespmem:s3+$0xFFFFFF10]  }
0x1e4: {  	[tilespmem:s2+$0xFFFFFF80] =	vst v1;
	v1 =	vld [tilespmem:s13+$0x10690]  }
0x1e5: {  	v4 =	vld [tilespmem:s3+$0xFFFFFF90];
	v0 =	vadd.f32 v3, v0  }
0x1e6: {  	s11 =	simm.s32 $0x10006;
	v3 =	vld [tilespmem:s0+$0x10690]  }
0x1e7: {  	v7 =	vld [tilespmem:s11+$0x1];
	v5 =	vadd.f32 v5, v6;
	[tilespmem:s2+$0x90] =	vst v0  }
0x1e8: {  	v0 =	vld [tilespmem:s3+$0xA0]  }
0x1e9: {  	[tilespmem:s2+$0x0] =	vst v5;
	v1 =	vadd.f32 v1, v2;
	v2 =	vld [tilespmem:s9+$0x106A0]  }
0x1ea: {  	v5 =	vld [tilespmem:s3+$0x10]  }
0x1eb: {  	v6 =	vld [tilespmem:s14+$0x10690];
	[tilespmem:s2+$0xFFFFFF10] =	vst v1;
	v1 =	vadd.f32 v3, v4  }
0x1ec: {  	v3 =	vld [tilespmem:s3+$0xFFFFFF20]  }
0x1ed: {  	v4 =	vld [tilespmem:s13+$0x106A0];
	[tilespmem:s2+$0xFFFFFF90] =	vst v1  }
0x1ee: {  	v1 =	vld [tilespmem:s3+$0xFFFFFFA0];
	v0 =	vadd.f32 v2, v0  }
0x1ef: {  	v2 =	vld [tilespmem:s0+$0x106A0]  }
0x1f0: {  	v9 =	vld [tilespmem:s11+$0xFFFFFFFF];
	v5 =	vadd.f32 v6, v5;
	[tilespmem:s2+$0xA0] =	vst v0  }
0x1f1: {  	v0 =	vld [tilespmem:s3+$0xB0]  }
0x1f2: {  	[tilespmem:s2+$0x10] =	vst v5;
	v3 =	vadd.f32 v4, v3;
	v4 =	vld [tilespmem:s9+$0x106B0]  }
0x1f3: {  	v5 =	vld [tilespmem:s3+$0x20]  }
0x1f4: {  	[tilespmem:s2+$0xFFFFFF20] =	vst v3;
	v1 =	vadd.f32 v2, v1;
	v2 =	vld [tilespmem:s14+$0x106A0]  }
0x1f5: {  	v3 =	vld [tilespmem:s3+$0xFFFFFF30]  }
0x1f6: {  	v6 =	vld [tilespmem:s13+$0x106B0];
	[tilespmem:s2+$0xFFFFFFA0] =	vst v1  }
0x1f7: {  	v1 =	vld [tilespmem:s3+$0xFFFFFFB0];
	v0 =	vadd.f32 v4, v0  }
0x1f8: {  	v4 =	vld [tilespmem:s0+$0x106B0]  }
0x1f9: {  	v10 =	vld [tilespmem:s11+$0xFFFFFFFE];
	v2 =	vadd.f32 v2, v5;
	[tilespmem:s2+$0xB0] =	vst v0  }
0x1fa: {  	v0 =	vld [tilespmem:s3+$0xC0]  }
0x1fb: {  	v3 =	vadd.f32 v6, v3;
	[tilespmem:s2+$0x20] =	vst v2;
	v2 =	vld [tilespmem:s9+$0x106C0]  }
0x1fc: {  	v5 =	vld [tilespmem:s3+$0x30]  }
0x1fd: {  	[tilespmem:s2+$0xFFFFFF30] =	vst v3;
	v1 =	vadd.f32 v4, v1;
	v3 =	vld [tilespmem:s14+$0x106B0]  }
0x1fe: {  	v4 =	vld [tilespmem:s3+$0xFFFFFF40]  }
0x1ff: {  	v6 =	vld [tilespmem:s13+$0x106C0];
	[tilespmem:s2+$0xFFFFFFB0] =	vst v1  }
0x200: {  	v1 =	vld [tilespmem:s3+$0xFFFFFFC0];
	v0 =	vadd.f32 v2, v0  }
0x201: {  	v2 =	vld [tilespmem:s0+$0x106C0]  }
0x202: {  	v3 =	vadd.f32 v3, v5;
	v5 =	vld [tilespmem:s11+$0x0];
	[tilespmem:s2+$0xC0] =	vst v0  }
0x203: {  	v0 =	vld [tilespmem:s3+$0xD0]  }
0x204: {  	v8 =	vld [tilespmem:s9+$0x106D0]  }
0x205: {  	(v2sf) =	vpush v7, $0x0  }
0x206: {  	v4 =	vadd.f32 v6, v4;
	[tilespmem:s2+$0x30] =	vst v3  }
0x207: {  	(v2sf) =	vpush v9, $0x0;
	v3 =	vld [tilespmem:s3+$0x40]  }
0x208: {  	[tilespmem:s2+$0xFFFFFF40] =	vst v4;
	v4 =	vld [tilespmem:s14+$0x106C0];
	v1 =	vadd.f32 v2, v1;
	(v2sf) =	vpush v5, $0x0  }
0x209: {  	v6 =	vld [tilespmem:s3+$0xFFFFFF50];
	(v2sf) =	vpush v10, $0x0;
	v0 =	vadd.f32 v8, v0  }
0x20a: {  	v2 =	vld [tilespmem:s13+$0x106D0];
	[tilespmem:s2+$0xFFFFFFC0] =	vst v1  }
0x20b: {  	v5 =	vld [tilespmem:s3+$0xFFFFFFD0];
	[tilespmem:s2+$0xD0] =	vst v0  }
0x20c: {  	v0 =	vld [tilespmem:s3+$0xE0]  }
0x20d: {  	v1 =	vld [tilespmem:s9+$0x106E0]  }
0x20e: {  	s16 =	simm.s32 $0x300;
	v3 =	vadd.f32 v4, v3;
	v4 =	vld [tilespmem:s0+$0x106D0]  }
0x20f: {  	v46 =	vld [tilespmem:s16+$0xFFFFFF00]  }
0x210: {  	v13 =	vld [tilespmem:s16+$0xFFFFFF80]  }
0x211: {  	v8 =	vld [tilespmem:s16+$0x80];
	v2 =	vadd.f32 v2, v6;
	[tilespmem:s2+$0x40] =	vst v3  }
0x212: {  	v3 =	vld [tilespmem:s3+$0x50];
	v0 =	vadd.f32 v1, v0  }
0x213: {  	[tilespmem:s2+$0xFFFFFF50] =	vst v2;
	v2 =	vld [tilespmem:s14+$0x106D0];
	v4 =	vadd.f32 v4, v5  }
0x214: {  	s12 =	spop (v2sf);
	v6 =	vld [tilespmem:s13+$0x106E0];
	[tilespmem:s2+$0xE0] =	vst v0  }
0x215: {  	[tilespmem:s2+$0xFFFFFFD0] =	vst v4;
	v4 =	vld [tilespmem:s9+$0x106F0];
	s9 =	sadd.s32 s31, s12  }
0x216: {  	s15 =	spop (v2sf);
	v1 =	vld [tilespmem:s3+$0xFFFFFF60];
	s9 =	sshll.u32 s9, $0x9  }
0x217: {  	v5 =	vld [tilespmem:s3+$0xFFFFFFE0];
	s12 =	sshra.s32 s9, $0x2;
	s17 =	spop (v2sf)  }
0x218: {  	v45 =	vld [tilespmem:s12+$0x10680];
	s26 =	spop (v2sf)  }
0x219: {  	v7 =	vld [tilespmem:s0+$0x106E0];
	v2 =	vadd.f32 v2, v3;
	s11 =	sadd.s32 s31, s17;
	s17 =	sadd.s32 s31, s26  }
0x21a: {  	s10 =	sadd.s32 s31, s15;
	v0 =	vld [tilespmem:s3+$0xF0];
	s29 =	sshll.u32 s17, $0x9  }
0x21b: {  	s10 =	sshll.u32 s10, $0x9;
	[tilespmem:s2+$0x50] =	vst v2;
	v2 =	vld [tilespmem:s16+$0x0];
	s28 =	sshll.u32 s11, $0x9;
	s11 =	sshra.s32 s29, $0x2  }
0x21c: {  	s9 =	sshra.s32 s10, $0x2;
	v1 =	vadd.f32 v6, v1;
	v3 =	vld [tilespmem:s11+$0x10680]  }
0x21d: {  	v11 =	vld [tilespmem:s9+$0x10680];
	v8 =	vadd.f32 v45, v8  }
0x21e: {  	[tilespmem:s2+$0xFFFFFF60] =	vst v1;
	v1 =	vld [tilespmem:s14+$0x106E0];
	s10 =	sshra.s32 s28, $0x2;
	s17 =	simm.s32 $0x8300  }
0x21f: {  	v12 =	vld [tilespmem:s10+$0x10680];
	[tilespmem:s17+$0x80] =	vst v8  }
0x220: {  	v5 =	vadd.f32 v7, v5;
	v6 =	vld [tilespmem:s16+$0x90]  }
0x221: {  	v47 =	vld [tilespmem:s12+$0x10690];
	v3 =	vadd.f32 v3, v46  }
0x222: {  	v55 =	vld [tilespmem:s13+$0x106F0];
	[tilespmem:s2+$0xFFFFFFE0] =	vst v5  }
0x223: {  	v62 =	vld [tilespmem:s0+$0x106F0];
	v48 =	vadd.f32 v11, v13;
	[tilespmem:s17+$0xFFFFFF00] =	vst v3  }
0x224: {  	v49 =	vld [tilespmem:s16+$0xFFFFFF10]  }
0x225: {  	[tilespmem:s17+$0xFFFFFF80] =	vst v48;
	v2 =	vadd.f32 v12, v2;
	v50 =	vld [tilespmem:s11+$0x10690]  }
0x226: {  	v51 =	vld [tilespmem:s16+$0xFFFFFF90];
	v6 =	vadd.f32 v47, v6  }
0x227: {  	[tilespmem:s17+$0x0] =	vst v2;
	v2 =	vld [tilespmem:s9+$0x10690]  }
0x228: {  	v8 =	vld [tilespmem:s3+$0x60];
	[tilespmem:s17+$0x90] =	vst v6  }
0x229: {  	v6 =	vld [tilespmem:s16+$0xA0]  }
0x22a: {  	v53 =	vld [tilespmem:s12+$0x106A0];
	v10 =	vadd.f32 v50, v49  }
0x22b: {  	v52 =	vld [tilespmem:s16+$0x10]  }
0x22c: {  	v54 =	vld [tilespmem:s10+$0x10690];
	v2 =	vadd.f32 v2, v51;
	[tilespmem:s17+$0xFFFFFF10] =	vst v10  }
0x22d: {  	v56 =	vld [tilespmem:s16+$0xFFFFFF20]  }
0x22e: {  	[tilespmem:s17+$0xFFFFFF90] =	vst v2;
	v7 =	vld [tilespmem:s11+$0x106A0]  }
0x22f: {  	v2 =	vld [tilespmem:s16+$0xFFFFFFA0];
	v6 =	vadd.f32 v53, v6  }
0x230: {  	v5 =	vld [tilespmem:s9+$0x106A0]  }
0x231: {  	v3 =	vld [tilespmem:s3+$0xFFFFFF70];
	v9 =	vadd.f32 v54, v52;
	[tilespmem:s17+$0xA0] =	vst v6  }
0x232: {  	v57 =	vld [tilespmem:s16+$0xB0]  }
0x233: {  	[tilespmem:s17+$0x10] =	vst v9;
	v58 =	vld [tilespmem:s12+$0x106B0];
	v7 =	vadd.f32 v7, v56  }
0x234: {  	v59 =	vld [tilespmem:s16+$0x20]  }
0x235: {  	v2 =	vadd.f32 v5, v2;
	v5 =	vld [tilespmem:s10+$0x106A0];
	[tilespmem:s17+$0xFFFFFF20] =	vst v7  }
0x236: {  	v7 =	vld [tilespmem:s16+$0xFFFFFF30]  }
0x237: {  	[tilespmem:s17+$0xFFFFFFA0] =	vst v2;
	v60 =	vld [tilespmem:s11+$0x106B0]  }
0x238: {  	v2 =	vld [tilespmem:s16+$0xFFFFFFB0];
	v9 =	vadd.f32 v58, v57  }
0x239: {  	v61 =	vld [tilespmem:s9+$0x106B0]  }
0x23a: {  	v6 =	vld [tilespmem:s3+$0xFFFFFFF0];
	v5 =	vadd.f32 v5, v59;
	[tilespmem:s17+$0xB0] =	vst v9  }
0x23b: {  	v0 =	vadd.f32 v4, v0;
	v63 =	vld [tilespmem:s16+$0xC0]  }
0x23c: {  	[tilespmem:s17+$0x20] =	vst v5;
	v5 =	vld [tilespmem:s12+$0x106C0];
	v4 =	vadd.f32 v60, v7  }
0x23d: {  	[tilespmem:s2+$0xF0] =	vst v0;
	v1 =	vadd.f32 v1, v8;
	v0 =	vld [tilespmem:s16+$0x30]  }
0x23e: {  	v2 =	vadd.f32 v61, v2;
	[tilespmem:s17+$0xFFFFFF30] =	vst v4;
	v4 =	vld [tilespmem:s10+$0x106B0]  }
0x23f: {  	[tilespmem:s2+$0x60] =	vst v1;
	v8 =	vadd.f32 v62, v6;
	v1 =	vld [tilespmem:s16+$0xFFFFFF40]  }
0x240: {  	v7 =	vadd.f32 v55, v3;
	[tilespmem:s17+$0xFFFFFFB0] =	vst v2;
	v3 =	vld [tilespmem:s11+$0x106C0]  }
0x241: {  	[tilespmem:s2+$0xFFFFFFF0] =	vst v8;
	v2 =	vld [tilespmem:s16+$0xFFFFFFC0];
	v6 =	vadd.f32 v5, v63  }
0x242: {  	s26 =	simm.s32 $0x1000A;
	s13 =	simm.s32 $0x4;
	s0 =	sshll.u32 s30, $0x1;
	[tilespmem:s2+$0xFFFFFF70] =	vst v7;
	v5 =	vld [tilespmem:s9+$0x106C0]  }
.LBB2_3:
0x243: {  	v7 =	vld [tilespmem:s26+$0x1];
	v0 =	vadd.f32 v4, v0;
	[tilespmem:s17+$0xC0] =	vst v6  }
0x244: {  	v4 =	vld [tilespmem:s16+$0xD0]  }
0x245: {  	v1 =	vadd.f32 v3, v1;
	[tilespmem:s17+$0x30] =	vst v0;
	v0 =	vld [tilespmem:s12+$0x106D0]  }
0x246: {  	v3 =	vld [tilespmem:s26+$0xFFFFFFFF]  }
0x247: {  	v6 =	vld [tilespmem:s26+$0x0];
	[tilespmem:s17+$0xFFFFFF40] =	vst v1;
	v1 =	vadd.f32 v5, v2  }
0x248: {  	v2 =	vld [tilespmem:s26+$0xFFFFFFFE]  }
0x249: {  	(v2sf) =	vpush v7, $0x0;
	[tilespmem:s17+$0xFFFFFFC0] =	vst v1;
	v1 =	vld [tilespmem:s16+$0x40]  }
0x24a: {  	v5 =	vld [tilespmem:s10+$0x106C0];
	v0 =	vadd.f32 v0, v4  }
0x24b: {  	s13 =	sadd.s32 $0x4, s13;
	(v2sf) =	vpush v3, $0x0;
	v3 =	vld [tilespmem:s16+$0xFFFFFF50]  }
0x24c: {  	p1 =	slt.u32 s13, $0x7C;
	(v2sf) =	vpush v6, $0x0;
	v4 =	vld [tilespmem:s11+$0x106D0];
	[tilespmem:s17+$0xD0] =	vst v0  }
0x24d: {  	(v2sf) =	vpush v2, $0x0;
	v0 =	vld [tilespmem:s16+$0xE0]  }
0x24e: {  	v2 =	vld [tilespmem:s12+$0x106E0]  }
0x24f: {  	v6 =	vld [tilespmem:s16+$0xFFFFFFD0];
	v1 =	vadd.f32 v5, v1  }
0x250: {  	v5 =	vld [tilespmem:s9+$0x106D0]  }
0x251: {  	v3 =	vadd.f32 v4, v3;
	[tilespmem:s17+$0x40] =	vst v1;
	v1 =	vld [tilespmem:s3+$0x70];
	s3 =	smov.u32 s16  }
0x252: {  	v4 =	vld [tilespmem:s16+$0x50]  }
0x253: {  	[tilespmem:s17+$0xFFFFFF50] =	vst v3;
	v3 =	vld [tilespmem:s10+$0x106D0];
	v0 =	vadd.f32 v2, v0  }
0x254: {  	v2 =	vld [tilespmem:s16+$0xFFFFFF60]  }
0x255: {  	v7 =	vld [tilespmem:s11+$0x106E0];
	v5 =	vadd.f32 v5, v6;
	[tilespmem:s17+$0xE0] =	vst v0  }
0x256: {  	v0 =	vld [tilespmem:s16+$0xF0]  }
0x257: {  	[tilespmem:s17+$0xFFFFFFD0] =	vst v5;
	v5 =	vld [tilespmem:s12+$0x106F0]  }
0x258: {  	s12 =	spop (v2sf);
	v6 =	vld [tilespmem:s16+$0xFFFFFFE0];
	v3 =	vadd.f32 v3, v4  }
0x259: {  	s12 =	sadd.s32 s31, s12;
	v4 =	vld [tilespmem:s9+$0x106E0]  }
0x25a: {  	s16 =	sadd.s32 $0x200, s16;
	s12 =	sshll.u32 s12, $0x9;
	s28 =	spop (v2sf);
	v2 =	vadd.f32 v7, v2;
	[tilespmem:s17+$0x50] =	vst v3;
	v3 =	vld [tilespmem:s14+$0x106F0]  }
0x25b: {  	s14 =	sadd.s32 s31, s28;
	v7 =	vld [tilespmem:s16+$0x80];
	s12 =	sshra.s32 s12, $0x2;
	s28 =	spop (v2sf)  }
0x25c: {  	s14 =	sshll.u32 s14, $0x9;
	s15 =	sadd.s32 s31, s28;
	v8 =	vld [tilespmem:s12+$0x10680];
	s28 =	spop (v2sf);
	[tilespmem:s17+$0xFFFFFF60] =	vst v2;
	v0 =	vadd.f32 v5, v0  }
0x25d: {  	s29 =	sadd.s32 s31, s28;
	v2 =	vld [tilespmem:s16+$0xFFFFFF00];
	s28 =	sshra.s32 s14, $0x2;
	s15 =	sshll.u32 s15, $0x9  }
0x25e: {  	s14 =	smov.u32 s10;
	s29 =	sshll.u32 s29, $0x9;
	v5 =	vld [tilespmem:s28+$0x10680];
	v4 =	vadd.f32 v4, v6;
	[tilespmem:s17+$0xF0] =	vst v0;
	s10 =	sshra.s32 s15, $0x2  }
0x25f: {  	s15 =	sshra.s32 s29, $0x2;
	v0 =	vld [tilespmem:s10+$0x10680];
	v1 =	vadd.f32 v3, v1  }
0x260: {  	v3 =	vld [tilespmem:s15+$0x10680];
	[tilespmem:s17+$0xFFFFFFE0] =	vst v4  }
0x261: {  	v4 =	vld [tilespmem:s16+$0xFFFFFF80];
	v6 =	vadd.f32 v8, v7;
	[tilespmem:s2+$0x70] =	vst v1;
	s2 =	smov.u32 s17  }
0x262: {  	s17 =	sadd.s32 $0x200, s17;
	v1 =	vld [tilespmem:s16+$0x0]  }
0x263: {  	[tilespmem:s17+$0x80] =	vst v6;
	v6 =	vld [tilespmem:s3+$0x60]  }
0x264: {  	v7 =	vld [tilespmem:s16+$0x90]  }
0x265: {  	v2 =	vadd.f32 v3, v2;
	v3 =	vld [tilespmem:s12+$0x10690]  }
0x266: {  	v4 =	vadd.f32 v5, v4;
	v5 =	vld [tilespmem:s14+$0x106E0]  }
0x267: {  	[tilespmem:s17+$0xFFFFFF00] =	vst v2;
	v0 =	vadd.f32 v0, v1;
	v1 =	vld [tilespmem:s3+$0xFFFFFF70]  }
0x268: {  	v2 =	vld [tilespmem:s16+$0xFFFFFF10];
	[tilespmem:s17+$0xFFFFFF80] =	vst v4  }
0x269: {  	v4 =	vld [tilespmem:s15+$0x10690];
	[tilespmem:s17+$0x0] =	vst v0  }
0x26a: {  	v0 =	vld [tilespmem:s16+$0xFFFFFF90];
	v3 =	vadd.f32 v3, v7  }
0x26b: {  	v7 =	vld [tilespmem:s28+$0x10690];
	v5 =	vadd.f32 v5, v6  }
0x26c: {  	v6 =	vld [tilespmem:s16+$0x10];
	[tilespmem:s17+$0x90] =	vst v3  }
0x26d: {  	v3 =	vld [tilespmem:s16+$0xA0];
	[tilespmem:s2+$0x60] =	vst v5  }
0x26e: {  	v2 =	vadd.f32 v4, v2;
	v4 =	vld [tilespmem:s12+$0x106A0]  }
0x26f: {  	v5 =	vld [tilespmem:s10+$0x10690]  }
0x270: {  	[tilespmem:s17+$0xFFFFFF10] =	vst v2;
	v0 =	vadd.f32 v7, v0;
	v2 =	vld [tilespmem:s11+$0x106F0];
	s11 =	smov.u32 s15  }
0x271: {  	v7 =	vld [tilespmem:s16+$0xFFFFFF20]  }
0x272: {  	v8 =	vld [tilespmem:s11+$0x106A0];
	[tilespmem:s17+$0xFFFFFF90] =	vst v0  }
0x273: {  	v0 =	vld [tilespmem:s16+$0xFFFFFFA0];
	v3 =	vadd.f32 v4, v3  }
0x274: {  	v4 =	vld [tilespmem:s28+$0x106A0];
	v5 =	vadd.f32 v5, v6  }
0x275: {  	[tilespmem:s17+$0xA0] =	vst v3;
	v1 =	vadd.f32 v2, v1;
	v2 =	vld [tilespmem:s3+$0xFFFFFFF0]  }
0x276: {  	[tilespmem:s17+$0x10] =	vst v5;
	v3 =	vld [tilespmem:s16+$0xB0]  }
0x277: {  	v5 =	vadd.f32 v8, v7;
	v6 =	vld [tilespmem:s12+$0x106B0];
	[tilespmem:s2+$0xFFFFFF70] =	vst v1  }
0x278: {  	v1 =	vld [tilespmem:s16+$0x20]  }
0x279: {  	[tilespmem:s17+$0xFFFFFF20] =	vst v5;
	v0 =	vadd.f32 v4, v0;
	v4 =	vld [tilespmem:s10+$0x106A0]  }
0x27a: {  	v5 =	vld [tilespmem:s16+$0xFFFFFF30]  }
0x27b: {  	v7 =	vld [tilespmem:s11+$0x106B0];
	[tilespmem:s17+$0xFFFFFFA0] =	vst v0  }
0x27c: {  	v8 =	vld [tilespmem:s16+$0xFFFFFFB0];
	v0 =	vadd.f32 v6, v3  }
0x27d: {  	v3 =	vld [tilespmem:s28+$0x106B0]  }
0x27e: {  	v1 =	vadd.f32 v4, v1;
	[tilespmem:s17+$0xB0] =	vst v0;
	v6 =	vld [tilespmem:s9+$0x106F0];
	s9 =	smov.u32 s28  }
0x27f: {  	v9 =	vld [tilespmem:s16+$0xC0]  }
0x280: {  	v4 =	vadd.f32 v7, v5;
	[tilespmem:s17+$0x20] =	vst v1;
	v5 =	vld [tilespmem:s12+$0x106C0]  }
0x281: {  	v0 =	vld [tilespmem:s16+$0x30]  }
.Ltmp2:
0x282: {  	[tilespmem:s17+$0xFFFFFF30] =	vst v4;
	v7 =	vadd.f32 v3, v8;
	v4 =	vld [tilespmem:s10+$0x106B0];
	(pc) =	sbr.rel @p1 .LBB2_3-.Ltmp2, $4  }
0x283: {  	v1 =	vld [tilespmem:s16+$0xFFFFFF40];
	v8 =	vadd.f32 v6, v2  }
0x284: {  	v3 =	vld [tilespmem:s11+$0x106C0];
	[tilespmem:s17+$0xFFFFFFB0] =	vst v7  }
0x285: {  	v2 =	vld [tilespmem:s16+$0xFFFFFFC0];
	v6 =	vadd.f32 v5, v9;
	[tilespmem:s2+$0xFFFFFFF0] =	vst v8  }
0x286: {  	s26 =	sadd.s32 $0x4, s26;
	v5 =	vld [tilespmem:s9+$0x106C0]  }
0x287: {  	v0 =	vadd.f32 v4, v0;
	_ =	sdelay $0x1  }
0x288: {  	[tilespmem:s17+$0x30] =	vst v0  }
0x289: {  	v0 =	vld [tilespmem:s16+$0x40]  }
0x28a: {  	[tilespmem:s17+$0xC0] =	vst v6;
	v4 =	vld [tilespmem:s10+$0x106C0]  }
0x28b: {  	v6 =	vld [tilespmem:s16+$0xD0];
	v1 =	vadd.f32 v3, v1  }
0x28c: {  	v3 =	vld [tilespmem:s12+$0x106D0]  }
0x28d: {  	[tilespmem:s17+$0xFFFFFF40] =	vst v1;
	v1 =	vadd.f32 v5, v2  }
0x28e: {  	v2 =	vld [tilespmem:s16+$0xFFFFFF50]  }
0x28f: {  	[tilespmem:s17+$0xFFFFFFC0] =	vst v1;
	v1 =	vld [tilespmem:s11+$0x106D0];
	v0 =	vadd.f32 v4, v0  }
0x290: {  	v5 =	vld [tilespmem:s9+$0x106D0]  }
0x291: {  	v3 =	vadd.f32 v3, v6;
	v4 =	vld [tilespmem:s16+$0xFFFFFFD0];
	[tilespmem:s17+$0x40] =	vst v0  }
0x292: {  	v0 =	vld [tilespmem:s16+$0x50]  }
0x293: {  	[tilespmem:s17+$0xD0] =	vst v3;
	v3 =	vld [tilespmem:s10+$0x106D0]  }
0x294: {  	v6 =	vld [tilespmem:s16+$0xE0];
	v1 =	vadd.f32 v1, v2  }
0x295: {  	v2 =	vld [tilespmem:s12+$0x106E0]  }
0x296: {  	v7 =	vld [tilespmem:s3+$0x70];
	[tilespmem:s17+$0xFFFFFF50] =	vst v1;
	v1 =	vadd.f32 v5, v4  }
0x297: {  	v4 =	vld [tilespmem:s16+$0xFFFFFF60]  }
0x298: {  	v5 =	vld [tilespmem:s11+$0x106E0];
	[tilespmem:s17+$0xFFFFFFD0] =	vst v1;
	v0 =	vadd.f32 v3, v0  }
0x299: {  	v1 =	vld [tilespmem:s16+$0xFFFFFFE0]  }
0x29a: {  	v2 =	vadd.f32 v2, v6;
	v3 =	vld [tilespmem:s9+$0x106E0];
	[tilespmem:s17+$0x50] =	vst v0  }
0x29b: {  	v0 =	vld [tilespmem:s16+$0x60]  }
0x29c: {  	[tilespmem:s17+$0xE0] =	vst v2;
	v2 =	vld [tilespmem:s10+$0x106E0]  }
0x29d: {  	v8 =	vld [tilespmem:s14+$0x106F0];
	v4 =	vadd.f32 v5, v4  }
0x29e: {  	v6 =	vld [tilespmem:s16+$0xF0]  }
0x29f: {  	v5 =	vld [tilespmem:s12+$0x106F0];
	[tilespmem:s17+$0xFFFFFF60] =	vst v4;
	v1 =	vadd.f32 v3, v1  }
0x2a0: {  	v3 =	vld [tilespmem:s16+$0xFFFFFF70]  }
0x2a1: {  	[tilespmem:s17+$0xFFFFFFE0] =	vst v1;
	v1 =	vld [tilespmem:s11+$0x106F0];
	v0 =	vadd.f32 v2, v0  }
0x2a2: {  	v2 =	vld [tilespmem:s16+$0xFFFFFFF0]  }
0x2a3: {  	[tilespmem:s17+$0x60] =	vst v0;
	v0 =	vld [tilespmem:s9+$0x106F0]  }
0x2a4: {  	s14 =	sshll.u32 s30, $0x8;
	v5 =	vadd.f32 v5, v6;
	v6 =	vadd.f32 v8, v7;
	v4 =	vld [tilespmem:s16+$0x70]  }
0x2a5: {  	s15 =	sand.u32 $0x100, s14;
	v9 =	vld [tilespmem:s10+$0x106F0]  }
0x2a6: {  	[tilespmem:s2+$0x70] =	vst v6;
	s2 =	sor.u32 s7, s15;
	s16 =	sshll.u32 s5, $0x12  }
0x2a7: {  	p1 =	seq.s32 s30, $0xB;
	s2 =	sshll.u32 s2, $0x4;
	s3 =	sadd.s32 s4, s16  }
0x2a8: {  	v1 =	vadd.f32 v1, v3;
	s5 =	sadd.s32 s2, s3;
	s2 =	sadd.s32 @!p1 $0x2, s0  }
0x2a9: {  	[tilespmem:s17+$0xF0] =	vst v5;
	s3 =	sshll.u32 @!p1 s2, $0x7;
	v0 =	vadd.f32 v0, v2  }
0x2aa: {  	[tilespmem:s17+$0xFFFFFF70] =	vst v1;
	s2 =	sshrl.u32 @!p1 s2, $0x2;
	s3 =	sand.u32 @!p1 $0x100, s3;
	v1 =	vadd.f32 v9, v4  }
0x2ab: {  	s9 =	sshll.u32 @!p1 s2, $0x12;
	s2 =	sshll.u32 @!p1 s2, $0xE;
	s3 =	sor.u32 @!p1 s7, s3;
	[tilespmem:s17+$0xFFFFFFF0] =	vst v0  }
0x2ac: {  	s9 =	sadd.s32 @!p1 s1, s9;
	s10 =	sshll.u32 @!p1 s3, $0x4;
	s2 =	sor.u32 @!p1 s2, s3;
	[tilespmem:s17+$0x70] =	vst v1  }
0x2ad: {  	[hbm4b:s5+s6] =	stream.linear.scatter [tilespmem:s22], [sflag:$0x5], $0x4000, $0x38;
	[tilespmem:$0x10F80] =	vst v63  }
0x2ae: {  	s9 =	sadd.s32 @!p1 s10, s9;
	s10 =	simm.s32 @!p1 $0x0;
	s2 =	sshrl.u32 @!p1 s2, $0x3  }
0x2af: {  	[tilespmem:s10], [sflag:$0x1] =	stream.linear.gather @!p1 [hbm4b:s9+s10], $0x4000, $0x38;
	[tilespmem:$0x10F80] =	vst v63  }
0x2b0: {  	s3 =	simm.s32 @!p1 $0x10000;
	s2 =	sadd.s32 @!p1 s8, s2  }
0x2b1: {  	[tilespmem:s3], [sflag:$0x3] =	stream.linear.gather @!p1 [hbm4b:s2+s10], $0x80, $0x38;
	[tilespmem:$0x10F80] =	vst v63  }
0x2b2: {  	_ =	swait.ge [sflag:s23], $0x4000  }
0x2b3: {  	[sflag:s23] =	ssyncset.done $0x0  }
0x2b4: {  	[sflag:s23] =	ssyncadd.s32 $0xFFFFC000  }
0x2b5: {  	_ =	swait.ge [sflag:s24], $0x80  }
0x2b6: {  	[sflag:s24] =	ssyncset.done $0x0  }
0x2b7: {  	s2 =	simm.s32 @!p0 $0x6;
	[sflag:s24] =	ssyncadd.s32 $0xFFFFFF80  }
0x2b8: {  	_ =	swait.ge @!p0 [sflag:s2], $0x4000  }
0x2b9: {  	[sflag:s2] =	ssyncset.done @!p0 $0x0  }
0x2ba: {  	s17 =	simm.s32 $0x10102;
	[sflag:s2] =	ssyncadd.s32 @!p0 $0xFFFFC000  }
0x2bb: {  	v0 =	vld [tilespmem:s17+$0x1]  }
0x2bc: {  	v1 =	vld [tilespmem:s17+$0xFFFFFFFF]  }
0x2bd: {  	v2 =	vld [tilespmem:s17+$0x0]  }
0x2be: {  	v3 =	vld [tilespmem:s17+$0xFFFFFFFE];
	_ =	sdelay $0x1  }
0x2bf: {  	(v2sf) =	vpush v0, $0x0  }
0x2c0: {  	(v2sf) =	vpush v1, $0x0  }
0x2c1: {  	(v2sf) =	vpush v2, $0x0  }
0x2c2: {  	(v2sf) =	vpush v3, $0x0;
	_ =	sdelay $0xb  }
0x2c3: {  	s26 =	spop (v2sf)  }
0x2c4: {  	s2 =	sadd.s32 s31, s26;
	s28 =	spop (v2sf)  }
0x2c5: {  	s3 =	simm.s32 $0x4100;
	s2 =	sshll.u32 s2, $0x9;
	s12 =	spop (v2sf)  }
0x2c6: {  	v0 =	vld [tilespmem:s3+$0x80];
	s29 =	sshra.s32 s2, $0x2;
	s13 =	spop (v2sf)  }
0x2c7: {  	v1 =	vld [tilespmem:s29+$0x10680];
	s2 =	sadd.s32 s31, s13  }
0x2c8: {  	s10 =	sadd.s32 s31, s28;
	s2 =	sshll.u32 s2, $0x9  }
0x2c9: {  	v2 =	vld [tilespmem:s3+$0xFFFFFF00];
	s10 =	sshll.u32 s10, $0x9;
	s26 =	sshra.s32 s2, $0x2  }
0x2ca: {  	s13 =	sshra.s32 s10, $0x2;
	v3 =	vld [tilespmem:s26+$0x10680]  }
0x2cb: {  	s14 =	sadd.s32 s31, s12;
	v4 =	vld [tilespmem:s13+$0x10680]  }
0x2cc: {  	s10 =	sshll.u32 s14, $0x9;
	v0 =	vadd.f32 v1, v0;
	v1 =	vld [tilespmem:s3+$0xFFFFFF80]  }
0x2cd: {  	v6 =	vld [tilespmem:s3+$0x0];
	s14 =	sshra.s32 s10, $0x2;
	s2 =	simm.s32 $0xC100  }
0x2ce: {  	v5 =	vld [tilespmem:s14+$0x10680];
	[tilespmem:s2+$0x80] =	vst v0  }
0x2cf: {  	v0 =	vld [tilespmem:s3+$0x90];
	v2 =	vadd.f32 v3, v2  }
0x2d0: {  	s15 =	simm.s32 $0x10106;
	v3 =	vld [tilespmem:s29+$0x10690]  }
0x2d1: {  	v7 =	vld [tilespmem:s15+$0x1];
	v1 =	vadd.f32 v4, v1;
	[tilespmem:s2+$0xFFFFFF00] =	vst v2  }
0x2d2: {  	v2 =	vld [tilespmem:s3+$0xFFFFFF10]  }
0x2d3: {  	v5 =	vadd.f32 v5, v6;
	[tilespmem:s2+$0xFFFFFF80] =	vst v1;
	v1 =	vld [tilespmem:s26+$0x10690]  }
0x2d4: {  	v4 =	vld [tilespmem:s3+$0xFFFFFF90]  }
0x2d5: {  	[tilespmem:s2+$0x0] =	vst v5;
	v0 =	vadd.f32 v3, v0;
	v3 =	vld [tilespmem:s13+$0x10690]  }
0x2d6: {  	v5 =	vld [tilespmem:s3+$0x10]  }
0x2d7: {  	v6 =	vld [tilespmem:s14+$0x10690];
	[tilespmem:s2+$0x90] =	vst v0  }
0x2d8: {  	v0 =	vld [tilespmem:s3+$0xA0];
	v1 =	vadd.f32 v1, v2  }
0x2d9: {  	v2 =	vld [tilespmem:s29+$0x106A0]  }
0x2da: {  	[tilespmem:s2+$0xFFFFFF10] =	vst v1;
	v1 =	vadd.f32 v3, v4  }
0x2db: {  	v3 =	vld [tilespmem:s3+$0xFFFFFF20]  }
0x2dc: {  	v4 =	vld [tilespmem:s26+$0x106A0];
	[tilespmem:s2+$0xFFFFFF90] =	vst v1  }
0x2dd: {  	(v2sf) =	vpush v7, $0x0;
	v5 =	vadd.f32 v6, v5;
	v1 =	vld [tilespmem:s3+$0xFFFFFFA0]  }
0x2de: {  	v0 =	vadd.f32 v2, v0;
	v2 =	vld [tilespmem:s13+$0x106A0]  }
0x2df: {  	[tilespmem:s2+$0x10] =	vst v5  }
0x2e0: {  	v5 =	vld [tilespmem:s3+$0x20];
	[tilespmem:s2+$0xA0] =	vst v0  }
0x2e1: {  	v0 =	vld [tilespmem:s3+$0xB0];
	v3 =	vadd.f32 v4, v3  }
0x2e2: {  	v4 =	vld [tilespmem:s29+$0x106B0]  }
0x2e3: {  	[tilespmem:s2+$0xFFFFFF20] =	vst v3;
	v1 =	vadd.f32 v2, v1;
	v2 =	vld [tilespmem:s14+$0x106A0]  }
0x2e4: {  	v3 =	vld [tilespmem:s3+$0xFFFFFF30]  }
0x2e5: {  	v6 =	vld [tilespmem:s26+$0x106B0]  }
0x2e6: {  	v44 =	vld [tilespmem:s15+$0xFFFFFFFF]  }
0x2e7: {  	v10 =	vld [tilespmem:s15+$0xFFFFFFFE];
	[tilespmem:s2+$0xFFFFFFA0] =	vst v1;
	v0 =	vadd.f32 v4, v0  }
0x2e8: {  	v1 =	vld [tilespmem:s3+$0xFFFFFFB0];
	v2 =	vadd.f32 v2, v5  }
0x2e9: {  	v4 =	vld [tilespmem:s13+$0x106B0];
	[tilespmem:s2+$0xB0] =	vst v0  }
0x2ea: {  	v0 =	vld [tilespmem:s3+$0xC0];
	v3 =	vadd.f32 v6, v3;
	[tilespmem:s2+$0x20] =	vst v2  }
0x2eb: {  	v5 =	vld [tilespmem:s3+$0x30]  }
0x2ec: {  	s16 =	spop (v2sf);
	[tilespmem:s2+$0xFFFFFF30] =	vst v3;
	v3 =	vld [tilespmem:s14+$0x106B0]  }
0x2ed: {  	(v2sf) =	vpush v44, $0x0;
	s9 =	sadd.s32 s31, s16;
	s16 =	simm.s32 $0x4300;
	v2 =	vld [tilespmem:s29+$0x106C0]  }
0x2ee: {  	v46 =	vld [tilespmem:s16+$0xFFFFFF00]  }
0x2ef: {  	v1 =	vadd.f32 v4, v1;
	v4 =	vld [tilespmem:s3+$0xFFFFFF40]  }
0x2f0: {  	v6 =	vld [tilespmem:s26+$0x106C0]  }
0x2f1: {  	v3 =	vadd.f32 v3, v5;
	v5 =	vld [tilespmem:s15+$0x0]  }
0x2f2: {  	v13 =	vld [tilespmem:s16+$0xFFFFFF80];
	[tilespmem:s2+$0xFFFFFFB0] =	vst v1;
	v0 =	vadd.f32 v2, v0  }
0x2f3: {  	v1 =	vld [tilespmem:s3+$0xFFFFFFC0]  }
0x2f4: {  	v2 =	vld [tilespmem:s13+$0x106C0];
	[tilespmem:s2+$0xC0] =	vst v0  }
0x2f5: {  	v0 =	vld [tilespmem:s3+$0xD0]  }
0x2f6: {  	v4 =	vadd.f32 v6, v4;
	v8 =	vld [tilespmem:s29+$0x106D0];
	[tilespmem:s2+$0x30] =	vst v3;
	(v2sf) =	vpush v5, $0x0  }
0x2f7: {  	s9 =	sshll.u32 s9, $0x9;
	v3 =	vld [tilespmem:s3+$0x40];
	(v2sf) =	vpush v10, $0x0  }
0x2f8: {  	s12 =	sshra.s32 s9, $0x2;
	[tilespmem:s2+$0xFFFFFF40] =	vst v4;
	v4 =	vld [tilespmem:s14+$0x106C0]  }
0x2f9: {  	v45 =	vld [tilespmem:s12+$0x10680];
	v1 =	vadd.f32 v2, v1  }
0x2fa: {  	v6 =	vld [tilespmem:s3+$0xFFFFFF50]  }
0x2fb: {  	v2 =	vld [tilespmem:s26+$0x106D0];
	[tilespmem:s2+$0xFFFFFFC0] =	vst v1;
	v0 =	vadd.f32 v8, v0  }
0x2fc: {  	s17 =	spop (v2sf);
	v5 =	vld [tilespmem:s3+$0xFFFFFFD0]  }
0x2fd: {  	s10 =	sadd.s32 s31, s17;
	v3 =	vadd.f32 v4, v3;
	v4 =	vld [tilespmem:s13+$0x106D0];
	[tilespmem:s2+$0xD0] =	vst v0  }
0x2fe: {  	s10 =	sshll.u32 s10, $0x9;
	v0 =	vld [tilespmem:s3+$0xE0]  }
0x2ff: {  	s9 =	sshra.s32 s10, $0x2;
	v1 =	vld [tilespmem:s29+$0x106E0]  }
0x300: {  	v11 =	vld [tilespmem:s9+$0x10680]  }
0x301: {  	v8 =	vld [tilespmem:s16+$0x80];
	v2 =	vadd.f32 v2, v6;
	[tilespmem:s2+$0x40] =	vst v3  }
0x302: {  	v3 =	vld [tilespmem:s3+$0x50]  }
0x303: {  	[tilespmem:s2+$0xFFFFFF50] =	vst v2;
	v2 =	vld [tilespmem:s14+$0x106D0];
	v4 =	vadd.f32 v4, v5  }
0x304: {  	v6 =	vld [tilespmem:s26+$0x106E0];
	v0 =	vadd.f32 v1, v0  }
0x305: {  	v1 =	vld [tilespmem:s3+$0xFFFFFF60];
	[tilespmem:s2+$0xFFFFFFD0] =	vst v4;
	s28 =	spop (v2sf)  }
0x306: {  	v5 =	vld [tilespmem:s3+$0xFFFFFFE0];
	[tilespmem:s2+$0xE0] =	vst v0;
	s17 =	spop (v2sf)  }
0x307: {  	v4 =	vld [tilespmem:s29+$0x106F0];
	s29 =	sadd.s32 s31, s28;
	s15 =	sadd.s32 s31, s17  }
0x308: {  	v7 =	vld [tilespmem:s13+$0x106E0];
	s28 =	sshll.u32 s29, $0x9;
	s29 =	sshll.u32 s15, $0x9  }
0x309: {  	v2 =	vadd.f32 v2, v3;
	v0 =	vld [tilespmem:s3+$0xF0];
	s11 =	sshra.s32 s29, $0x2  }
0x30a: {  	v1 =	vadd.f32 v6, v1;
	v3 =	vld [tilespmem:s11+$0x10680]  }
0x30b: {  	v8 =	vadd.f32 v45, v8;
	[tilespmem:s2+$0x50] =	vst v2;
	v2 =	vld [tilespmem:s16+$0x0]  }
0x30c: {  	s17 =	simm.s32 $0xC300;
	[tilespmem:s2+$0xFFFFFF60] =	vst v1;
	v1 =	vld [tilespmem:s14+$0x106E0];
	s10 =	sshra.s32 s28, $0x2  }
0x30d: {  	[tilespmem:s17+$0x80] =	vst v8;
	v12 =	vld [tilespmem:s10+$0x10680]  }
0x30e: {  	v6 =	vld [tilespmem:s16+$0x90]  }
0x30f: {  	v47 =	vld [tilespmem:s12+$0x10690];
	v3 =	vadd.f32 v3, v46  }
0x310: {  	v8 =	vld [tilespmem:s3+$0x60]  }
0x311: {  	v48 =	vadd.f32 v11, v13;
	v55 =	vld [tilespmem:s26+$0x106F0];
	[tilespmem:s17+$0xFFFFFF00] =	vst v3  }
0x312: {  	v5 =	vadd.f32 v7, v5;
	v49 =	vld [tilespmem:s16+$0xFFFFFF10]  }
0x313: {  	[tilespmem:s17+$0xFFFFFF80] =	vst v48;
	v2 =	vadd.f32 v12, v2;
	v50 =	vld [tilespmem:s11+$0x10690]  }
0x314: {  	[tilespmem:s2+$0xFFFFFFE0] =	vst v5;
	v51 =	vld [tilespmem:s16+$0xFFFFFF90];
	v6 =	vadd.f32 v47, v6  }
0x315: {  	[tilespmem:s17+$0x0] =	vst v2;
	v2 =	vld [tilespmem:s9+$0x10690]  }
0x316: {  	v62 =	vld [tilespmem:s13+$0x106F0];
	[tilespmem:s17+$0x90] =	vst v6  }
0x317: {  	v6 =	vld [tilespmem:s16+$0xA0]  }
0x318: {  	v53 =	vld [tilespmem:s12+$0x106A0];
	v10 =	vadd.f32 v50, v49  }
0x319: {  	v52 =	vld [tilespmem:s16+$0x10]  }
0x31a: {  	v54 =	vld [tilespmem:s10+$0x10690];
	v2 =	vadd.f32 v2, v51;
	[tilespmem:s17+$0xFFFFFF10] =	vst v10  }
0x31b: {  	v56 =	vld [tilespmem:s16+$0xFFFFFF20]  }
0x31c: {  	[tilespmem:s17+$0xFFFFFF90] =	vst v2;
	v7 =	vld [tilespmem:s11+$0x106A0]  }
0x31d: {  	v6 =	vadd.f32 v53, v6;
	v2 =	vld [tilespmem:s16+$0xFFFFFFA0]  }
0x31e: {  	v5 =	vld [tilespmem:s9+$0x106A0]  }
0x31f: {  	v3 =	vld [tilespmem:s3+$0xFFFFFF70];
	v9 =	vadd.f32 v54, v52;
	[tilespmem:s17+$0xA0] =	vst v6  }
0x320: {  	v57 =	vld [tilespmem:s16+$0xB0]  }
0x321: {  	[tilespmem:s17+$0x10] =	vst v9;
	v58 =	vld [tilespmem:s12+$0x106B0];
	v7 =	vadd.f32 v7, v56  }
0x322: {  	v59 =	vld [tilespmem:s16+$0x20]  }
0x323: {  	v2 =	vadd.f32 v5, v2;
	v5 =	vld [tilespmem:s10+$0x106A0];
	[tilespmem:s17+$0xFFFFFF20] =	vst v7  }
0x324: {  	v7 =	vld [tilespmem:s16+$0xFFFFFF30]  }
0x325: {  	[tilespmem:s17+$0xFFFFFFA0] =	vst v2;
	v60 =	vld [tilespmem:s11+$0x106B0]  }
0x326: {  	v9 =	vadd.f32 v58, v57;
	v2 =	vld [tilespmem:s16+$0xFFFFFFB0]  }
0x327: {  	v61 =	vld [tilespmem:s9+$0x106B0]  }
0x328: {  	v6 =	vld [tilespmem:s3+$0xFFFFFFF0];
	[tilespmem:s17+$0xB0] =	vst v9;
	v5 =	vadd.f32 v5, v59  }
0x329: {  	v0 =	vadd.f32 v4, v0;
	v63 =	vld [tilespmem:s16+$0xC0]  }
0x32a: {  	[tilespmem:s17+$0x20] =	vst v5;
	v5 =	vld [tilespmem:s12+$0x106C0];
	v4 =	vadd.f32 v60, v7  }
0x32b: {  	[tilespmem:s2+$0xF0] =	vst v0;
	v1 =	vadd.f32 v1, v8;
	v0 =	vld [tilespmem:s16+$0x30]  }
0x32c: {  	v2 =	vadd.f32 v61, v2;
	[tilespmem:s17+$0xFFFFFF30] =	vst v4;
	v4 =	vld [tilespmem:s10+$0x106B0]  }
0x32d: {  	[tilespmem:s2+$0x60] =	vst v1;
	v8 =	vadd.f32 v62, v6;
	v1 =	vld [tilespmem:s16+$0xFFFFFF40]  }
0x32e: {  	v7 =	vadd.f32 v55, v3;
	[tilespmem:s17+$0xFFFFFFB0] =	vst v2;
	v3 =	vld [tilespmem:s11+$0x106C0]  }
0x32f: {  	[tilespmem:s2+$0xFFFFFFF0] =	vst v8;
	v2 =	vld [tilespmem:s16+$0xFFFFFFC0];
	v6 =	vadd.f32 v5, v63  }
0x330: {  	s26 =	simm.s32 $0x1010A;
	s13 =	simm.s32 $0x4;
	[tilespmem:s2+$0xFFFFFF70] =	vst v7;
	v5 =	vld [tilespmem:s9+$0x106C0]  }
.LBB2_5:
0x331: {  	v7 =	vld [tilespmem:s26+$0x1];
	v0 =	vadd.f32 v4, v0;
	[tilespmem:s17+$0xC0] =	vst v6  }
0x332: {  	v4 =	vld [tilespmem:s16+$0xD0]  }
0x333: {  	v1 =	vadd.f32 v3, v1;
	[tilespmem:s17+$0x30] =	vst v0;
	v0 =	vld [tilespmem:s12+$0x106D0]  }
0x334: {  	v3 =	vld [tilespmem:s26+$0xFFFFFFFF]  }
0x335: {  	v6 =	vld [tilespmem:s26+$0x0];
	[tilespmem:s17+$0xFFFFFF40] =	vst v1;
	v1 =	vadd.f32 v5, v2  }
0x336: {  	v2 =	vld [tilespmem:s26+$0xFFFFFFFE]  }
0x337: {  	(v2sf) =	vpush v7, $0x0;
	[tilespmem:s17+$0xFFFFFFC0] =	vst v1;
	v1 =	vld [tilespmem:s16+$0x40]  }
0x338: {  	v5 =	vld [tilespmem:s10+$0x106C0];
	v0 =	vadd.f32 v0, v4  }
0x339: {  	s13 =	sadd.s32 $0x4, s13;
	(v2sf) =	vpush v3, $0x0;
	v3 =	vld [tilespmem:s16+$0xFFFFFF50]  }
0x33a: {  	p0 =	slt.u32 s13, $0x7C;
	(v2sf) =	vpush v6, $0x0;
	v4 =	vld [tilespmem:s11+$0x106D0];
	[tilespmem:s17+$0xD0] =	vst v0  }
0x33b: {  	(v2sf) =	vpush v2, $0x0;
	v0 =	vld [tilespmem:s16+$0xE0]  }
0x33c: {  	v2 =	vld [tilespmem:s12+$0x106E0]  }
0x33d: {  	v6 =	vld [tilespmem:s16+$0xFFFFFFD0];
	v1 =	vadd.f32 v5, v1  }
0x33e: {  	v5 =	vld [tilespmem:s9+$0x106D0]  }
0x33f: {  	v3 =	vadd.f32 v4, v3;
	[tilespmem:s17+$0x40] =	vst v1;
	v1 =	vld [tilespmem:s3+$0x70];
	s3 =	smov.u32 s16  }
0x340: {  	v4 =	vld [tilespmem:s16+$0x50]  }
0x341: {  	[tilespmem:s17+$0xFFFFFF50] =	vst v3;
	v3 =	vld [tilespmem:s10+$0x106D0];
	v0 =	vadd.f32 v2, v0  }
0x342: {  	v2 =	vld [tilespmem:s16+$0xFFFFFF60]  }
0x343: {  	v7 =	vld [tilespmem:s11+$0x106E0];
	v5 =	vadd.f32 v5, v6;
	[tilespmem:s17+$0xE0] =	vst v0  }
0x344: {  	v0 =	vld [tilespmem:s16+$0xF0]  }
0x345: {  	[tilespmem:s17+$0xFFFFFFD0] =	vst v5;
	v5 =	vld [tilespmem:s12+$0x106F0]  }
0x346: {  	s12 =	spop (v2sf);
	v6 =	vld [tilespmem:s16+$0xFFFFFFE0];
	v3 =	vadd.f32 v3, v4  }
0x347: {  	s12 =	sadd.s32 s31, s12;
	v4 =	vld [tilespmem:s9+$0x106E0]  }
0x348: {  	s16 =	sadd.s32 $0x200, s16;
	s12 =	sshll.u32 s12, $0x9;
	s15 =	spop (v2sf);
	v2 =	vadd.f32 v7, v2;
	[tilespmem:s17+$0x50] =	vst v3;
	v3 =	vld [tilespmem:s14+$0x106F0]  }
0x349: {  	s14 =	sadd.s32 s31, s15;
	v7 =	vld [tilespmem:s16+$0x80];
	s12 =	sshra.s32 s12, $0x2;
	s15 =	spop (v2sf)  }
0x34a: {  	s14 =	sshll.u32 s14, $0x9;
	s15 =	sadd.s32 s31, s15;
	v8 =	vld [tilespmem:s12+$0x10680];
	s28 =	spop (v2sf);
	[tilespmem:s17+$0xFFFFFF60] =	vst v2;
	v0 =	vadd.f32 v5, v0  }
0x34b: {  	s29 =	sadd.s32 s31, s28;
	v2 =	vld [tilespmem:s16+$0xFFFFFF00];
	s28 =	sshra.s32 s14, $0x2;
	s15 =	sshll.u32 s15, $0x9  }
0x34c: {  	s14 =	smov.u32 s10;
	s29 =	sshll.u32 s29, $0x9;
	v5 =	vld [tilespmem:s28+$0x10680];
	v4 =	vadd.f32 v4, v6;
	[tilespmem:s17+$0xF0] =	vst v0;
	s10 =	sshra.s32 s15, $0x2  }
0x34d: {  	s15 =	sshra.s32 s29, $0x2;
	v0 =	vld [tilespmem:s10+$0x10680];
	v1 =	vadd.f32 v3, v1  }
0x34e: {  	v3 =	vld [tilespmem:s15+$0x10680];
	[tilespmem:s17+$0xFFFFFFE0] =	vst v4  }
0x34f: {  	v4 =	vld [tilespmem:s16+$0xFFFFFF80];
	v6 =	vadd.f32 v8, v7;
	[tilespmem:s2+$0x70] =	vst v1;
	s2 =	smov.u32 s17  }
0x350: {  	s17 =	sadd.s32 $0x200, s17;
	v1 =	vld [tilespmem:s16+$0x0]  }
0x351: {  	[tilespmem:s17+$0x80] =	vst v6;
	v6 =	vld [tilespmem:s3+$0x60]  }
0x352: {  	v7 =	vld [tilespmem:s16+$0x90]  }
0x353: {  	v2 =	vadd.f32 v3, v2;
	v3 =	vld [tilespmem:s12+$0x10690]  }
0x354: {  	v4 =	vadd.f32 v5, v4;
	v5 =	vld [tilespmem:s14+$0x106E0]  }
0x355: {  	[tilespmem:s17+$0xFFFFFF00] =	vst v2;
	v0 =	vadd.f32 v0, v1;
	v1 =	vld [tilespmem:s3+$0xFFFFFF70]  }
0x356: {  	v2 =	vld [tilespmem:s16+$0xFFFFFF10];
	[tilespmem:s17+$0xFFFFFF80] =	vst v4  }
0x357: {  	v4 =	vld [tilespmem:s15+$0x10690];
	[tilespmem:s17+$0x0] =	vst v0  }
0x358: {  	v0 =	vld [tilespmem:s16+$0xFFFFFF90];
	v3 =	vadd.f32 v3, v7  }
0x359: {  	v7 =	vld [tilespmem:s28+$0x10690];
	v5 =	vadd.f32 v5, v6  }
0x35a: {  	v6 =	vld [tilespmem:s16+$0x10];
	[tilespmem:s17+$0x90] =	vst v3  }
0x35b: {  	v3 =	vld [tilespmem:s16+$0xA0];
	[tilespmem:s2+$0x60] =	vst v5  }
0x35c: {  	v2 =	vadd.f32 v4, v2;
	v4 =	vld [tilespmem:s12+$0x106A0]  }
0x35d: {  	v5 =	vld [tilespmem:s10+$0x10690]  }
0x35e: {  	[tilespmem:s17+$0xFFFFFF10] =	vst v2;
	v0 =	vadd.f32 v7, v0;
	v2 =	vld [tilespmem:s11+$0x106F0];
	s11 =	smov.u32 s15  }
0x35f: {  	v7 =	vld [tilespmem:s16+$0xFFFFFF20]  }
0x360: {  	v8 =	vld [tilespmem:s11+$0x106A0];
	[tilespmem:s17+$0xFFFFFF90] =	vst v0  }
0x361: {  	v0 =	vld [tilespmem:s16+$0xFFFFFFA0];
	v3 =	vadd.f32 v4, v3  }
0x362: {  	v4 =	vld [tilespmem:s28+$0x106A0];
	v5 =	vadd.f32 v5, v6  }
0x363: {  	[tilespmem:s17+$0xA0] =	vst v3;
	v1 =	vadd.f32 v2, v1;
	v2 =	vld [tilespmem:s3+$0xFFFFFFF0]  }
0x364: {  	[tilespmem:s17+$0x10] =	vst v5;
	v3 =	vld [tilespmem:s16+$0xB0]  }
0x365: {  	v5 =	vadd.f32 v8, v7;
	v6 =	vld [tilespmem:s12+$0x106B0];
	[tilespmem:s2+$0xFFFFFF70] =	vst v1  }
0x366: {  	v1 =	vld [tilespmem:s16+$0x20]  }
0x367: {  	[tilespmem:s17+$0xFFFFFF20] =	vst v5;
	v0 =	vadd.f32 v4, v0;
	v4 =	vld [tilespmem:s10+$0x106A0]  }
0x368: {  	v5 =	vld [tilespmem:s16+$0xFFFFFF30]  }
0x369: {  	v7 =	vld [tilespmem:s11+$0x106B0];
	[tilespmem:s17+$0xFFFFFFA0] =	vst v0  }
0x36a: {  	v8 =	vld [tilespmem:s16+$0xFFFFFFB0];
	v0 =	vadd.f32 v6, v3  }
0x36b: {  	v3 =	vld [tilespmem:s28+$0x106B0]  }
0x36c: {  	v1 =	vadd.f32 v4, v1;
	[tilespmem:s17+$0xB0] =	vst v0;
	v6 =	vld [tilespmem:s9+$0x106F0];
	s9 =	smov.u32 s28  }
0x36d: {  	v9 =	vld [tilespmem:s16+$0xC0]  }
0x36e: {  	v4 =	vadd.f32 v7, v5;
	[tilespmem:s17+$0x20] =	vst v1;
	v5 =	vld [tilespmem:s12+$0x106C0]  }
0x36f: {  	v0 =	vld [tilespmem:s16+$0x30]  }
.Ltmp3:
0x370: {  	[tilespmem:s17+$0xFFFFFF30] =	vst v4;
	v7 =	vadd.f32 v3, v8;
	v4 =	vld [tilespmem:s10+$0x106B0];
	(pc) =	sbr.rel @p0 .LBB2_5-.Ltmp3, $4  }
0x371: {  	v1 =	vld [tilespmem:s16+$0xFFFFFF40];
	v8 =	vadd.f32 v6, v2  }
0x372: {  	v3 =	vld [tilespmem:s11+$0x106C0];
	[tilespmem:s17+$0xFFFFFFB0] =	vst v7  }
0x373: {  	v2 =	vld [tilespmem:s16+$0xFFFFFFC0];
	v6 =	vadd.f32 v5, v9;
	[tilespmem:s2+$0xFFFFFFF0] =	vst v8  }
0x374: {  	s26 =	sadd.s32 $0x4, s26;
	v5 =	vld [tilespmem:s9+$0x106C0]  }
0x375: {  	v0 =	vadd.f32 v4, v0;
	_ =	sdelay $0x1  }
0x376: {  	[tilespmem:s17+$0x30] =	vst v0  }
0x377: {  	v0 =	vld [tilespmem:s16+$0x40]  }
0x378: {  	v40 =	vld [tilespmem:s10+$0x106C0]  }
0x379: {  	[tilespmem:s17+$0xC0] =	vst v6;
	v1 =	vadd.f32 v3, v1  }
0x37a: {  	v6 =	vld [tilespmem:s16+$0xD0]  }
0x37b: {  	v41 =	vld [tilespmem:s12+$0x106D0];
	[tilespmem:s17+$0xFFFFFF40] =	vst v1;
	v42 =	vadd.f32 v5, v2  }
0x37c: {  	v43 =	vld [tilespmem:s16+$0xFFFFFF50]  }
0x37d: {  	v44 =	vld [tilespmem:s11+$0x106D0];
	[tilespmem:s17+$0xFFFFFFC0] =	vst v42;
	v0 =	vadd.f32 v40, v0  }
0x37e: {  	v45 =	vld [tilespmem:s16+$0xFFFFFFD0]  }
0x37f: {  	v46 =	vld [tilespmem:s9+$0x106D0];
	[tilespmem:s17+$0x40] =	vst v0  }
0x380: {  	v3 =	vadd.f32 v41, v6;
	v0 =	vld [tilespmem:s16+$0x50]  }
0x381: {  	v47 =	vld [tilespmem:s10+$0x106D0]  }
0x382: {  	v7 =	vld [tilespmem:s3+$0x70];
	[tilespmem:s17+$0xD0] =	vst v3;
	v1 =	vadd.f32 v44, v43  }
0x383: {  	v48 =	vld [tilespmem:s16+$0xE0]  }
0x384: {  	v49 =	vld [tilespmem:s12+$0x106E0];
	[tilespmem:s17+$0xFFFFFF50] =	vst v1;
	v50 =	vadd.f32 v46, v45  }
0x385: {  	v51 =	vld [tilespmem:s16+$0xFFFFFF60]  }
0x386: {  	v52 =	vld [tilespmem:s11+$0x106E0];
	[tilespmem:s17+$0xFFFFFFD0] =	vst v50;
	v0 =	vadd.f32 v47, v0  }
0x387: {  	v1 =	vld [tilespmem:s16+$0xFFFFFFE0]  }
0x388: {  	v53 =	vld [tilespmem:s9+$0x106E0];
	[tilespmem:s17+$0x50] =	vst v0  }
0x389: {  	v2 =	vadd.f32 v49, v48;
	v0 =	vld [tilespmem:s16+$0x60]  }
0x38a: {  	v54 =	vld [tilespmem:s10+$0x106E0]  }
0x38b: {  	v8 =	vld [tilespmem:s14+$0x106F0];
	[tilespmem:s17+$0xE0] =	vst v2;
	v4 =	vadd.f32 v52, v51  }
0x38c: {  	v55 =	vld [tilespmem:s16+$0xF0]  }
0x38d: {  	v56 =	vld [tilespmem:s12+$0x106F0];
	[tilespmem:s17+$0xFFFFFF60] =	vst v4;
	v1 =	vadd.f32 v53, v1  }
0x38e: {  	v57 =	vld [tilespmem:s16+$0xFFFFFF70]  }
0x38f: {  	v58 =	vld [tilespmem:s11+$0x106F0];
	[tilespmem:s17+$0xFFFFFFE0] =	vst v1;
	v0 =	vadd.f32 v54, v0  }
0x390: {  	v59 =	vld [tilespmem:s16+$0xFFFFFFF0]  }
0x391: {  	v60 =	vld [tilespmem:s9+$0x106F0];
	[tilespmem:s17+$0x60] =	vst v0  }
0x392: {  	v61 =	vld [tilespmem:s16+$0x70]  }
0x393: {  	v9 =	vld [tilespmem:s10+$0x106F0]  }
0x394: {  	v62 =	vadd.f32 v8, v7  }
0x395: {  	v5 =	vadd.f32 v56, v55  }
0x396: {  	[tilespmem:s2+$0x70] =	vst v62;
	v1 =	vadd.f32 v58, v57  }
.Ltmp4:
0x397: {  	[tilespmem:s17+$0xF0] =	vst v5;
	v0 =	vadd.f32 v60, v59;
	(pc) =	sbr.rel @p1 .LBB2_8-.Ltmp4, $4  }
0x398: {  	[tilespmem:s17+$0xFFFFFF70] =	vst v1;
	v63 =	vadd.f32 v9, v61  }
0x399: {  	[tilespmem:s17+$0xFFFFFFF0] =	vst v0  }
0x39a: {  	s31 =	sadd.s32 $0x800, s5;
	[tilespmem:s17+$0x70] =	vst v63  }
0x39b: {  	[hbm4b:s31+s6] =	stream.linear.scatter [tilespmem:s25], [sflag:$0x6], $0x4000, $0x38;
	[tilespmem:$0x10F80] =	vst v63  }
0x39c: {  	s0 =	sadd.s32 $0x3, s0  }
0x39d: {  	s2 =	sshll.u32 s0, $0x7;
	s0 =	sshrl.u32 s0, $0x2  }
0x39e: {  	s2 =	sand.u32 $0x180, s2;
	s3 =	sshll.u32 s0, $0x12  }
0x39f: {  	s0 =	sshll.u32 s0, $0xE;
	s2 =	sor.u32 s7, s2;
	s3 =	sadd.s32 s1, s3  }
.Ltmp5:
0x3a0: {  	s5 =	sshll.u32 s2, $0x4;
	s0 =	sor.u32 s0, s2;
	(pc) =	sbr.rel .LBB2_2-.Ltmp5, $4  }
0x3a1: {  	s3 =	sadd.s32 s5, s3;
	s0 =	sshrl.u32 s0, $0x3  }
0x3a2: {  	[tilespmem:s18], [sflag:$0x2] =	stream.linear.gather [hbm4b:s3+s6], $0x4000, $0x38;
	[tilespmem:$0x10F80] =	vst v63  }
0x3a3: {  	s30 =	sadd.s32 $0x1, s30;
	s0 =	sadd.s32 s8, s0  }
0x3a4: {  	[tilespmem:s19], [sflag:$0x4] =	stream.linear.gather [hbm4b:s0+s6], $0x80, $0x38;
	[tilespmem:$0x10F80] =	vst v63  }
.LBB2_9:
0x3a5: {  	_ =	sfence.sel $0x180000  }
0x3a6: {  	[bflag:$0x0] =	sbarrier.arrive $0xFFFF  }
0x3a7: {  	_ =	strace $0x90000047  }
0x3a8: {  	s0 =	stileid.u32;
	[bflag:$0x2] =	sbarrier.arrive $0xFFFF  }
0x3a9: {  	p0 =	sne.s32 s0, $0x0;
	s0 =	rddreg [dreg:$0x5]  }
0x3aa: {  	s0 =	sadd.s32 @!p0 $0x100000, s0  }
0x3ab: {  	[sflag:s0] =	ssyncadd.tile.s32 @!p0 $0x1;
	_ =	shalt  }
.Lfunc_end2:
_tile_overlayer_lowered:
.L_overlay_start_2:
0x3ac: {  	(tag) =	ssettag $0x2  }
0x3ad: {  	s0 =	rddreg [dreg:$0x0];
	s2 =	stileid.u32  }
0x3ae: {  	s1 =	rddreg [dreg:$0x1];
	p0 =	sne.s32 s2, $0x0  }
0x3af: {  	s3 =	rddreg [dreg:$0x2];
	[bflag:$0x3] =	sbarrier.arrive $0xFFFF;
	s2 =	simm.s32 @!p0 $0x1C07  }
0x3b0: {  	[timem:s3], [sflag:s2] =	dma.local @!p0 [hbm:s0], s1  }
0x3b1: {  	s0 =	simm.s32 @!p0 $0x7  }
0x3b2: {  	_ =	swait.ge @!p0 [sflag:s0], s1  }
0x3b3: {  	s1 =	ssub.s32 @!p0 $0x0, s1;
	[sflag:s0] =	ssyncset.done @!p0 $0x0  }
0x3b4: {  	[sflag:s0] =	ssyncadd.s32 @!p0 s1  }
0x3b5: {  	[bflag:$0x3] =	sbarrier.arrive $0xFFFF  }
0x3b6: {  	_ =	shalt  }

</sc_bundles>
